<compile_context>
chip_gen: v7x
topology: tpu7x:2x2x1
jax: 0.10.2.dev20260603
libtpu: 0.0.44.dev20260713+nightly
codegen_flags: <defaults>
</compile_context>

<pallas_src>
import jax
import jax.numpy as jnp
from jax import lax
from jax.experimental import pallas as pl
from jax.experimental.pallas import tpu as pltpu
from jax.experimental.pallas import tpu_sc as plsc

N_ROWS = 1048576
N_BLOCKS = N_ROWS // 128
NC, NS = 2, 16
NW = NC * NS
BLOCKS_PER_W = N_BLOCKS // NW
CHUNK_BLOCKS = 64
N_CHUNKS = BLOCKS_PER_W // CHUNK_BLOCKS
NBUF = 2
OUT_CHUNK_W = CHUNK_BLOCKS * 512
TOTAL_W = N_ROWS * 4


def _sc_body(x_hbm, w_hbm, out_hbm, in_bufs, out_bufs, w_buf, sem_in, sem_out):
    cid = lax.axis_index("c")
    sid = lax.axis_index("s")
    wid = sid * NC + cid

    blk0 = wid * BLOCKS_PER_W

    def start_in(k):
        b0 = blk0 + k * CHUNK_BLOCKS
        return pltpu.async_copy(
            x_hbm.at[pl.ds(b0, CHUNK_BLOCKS), pl.ds(0, 384)],
            in_bufs[k % NBUF],
            sem_in,
        )

    def start_out(k):
        off = (blk0 + k * CHUNK_BLOCKS) * 512
        return pltpu.async_copy(
            out_bufs[k % NBUF], out_hbm.at[pl.ds(off, OUT_CHUNK_W)], sem_out
        )

    in_dmas = [start_in(0)]
    out_dmas = []

    pltpu.sync_copy(w_hbm, w_buf)
    wvec = w_buf[...]
    w0 = jnp.take(wvec, jnp.full((16,), 0, jnp.int32))
    w1 = jnp.take(wvec, jnp.full((16,), 1, jnp.int32))
    w2 = jnp.take(wvec, jnp.full((16,), 2, jnp.int32))
    zero = jnp.zeros((16,), jnp.float32)
    for k in range(N_CHUNKS):
        if k + 1 < N_CHUNKS:
            in_dmas.append(start_in(k + 1))
        if k >= NBUF:
            out_dmas[k - NBUF].wait()
        in_dmas[k].wait()
        in_buf = in_bufs[k % NBUF]
        out_buf = out_bufs[k % NBUF]

        @plsc.parallel_loop(0, CHUNK_BLOCKS, unroll=4)
        def _(b):
            p = b * 512
            for j in range(8):
                q = j * 16
                out_buf[pl.ds(p + q, 16)] = zero
                out_buf[pl.ds(p + q + 128, 16)] = w1 * in_buf[b, pl.ds(q + 128, 16)]
                out_buf[pl.ds(p + q + 256, 16)] = w0 * in_buf[b, pl.ds(q, 16)]
                out_buf[pl.ds(p + q + 384, 16)] = w2 * in_buf[b, pl.ds(q + 256, 16)]

        out_dmas.append(start_out(k))
    for d in out_dmas[N_CHUNKS - NBUF:]:
        d.wait()


@jax.jit
def _sc_spmm(x2d, w16):
    mesh = plsc.VectorSubcoreMesh(core_axis_name="c", subcore_axis_name="s")
    f = pl.kernel(
        _sc_body,
        out_type=jax.ShapeDtypeStruct((TOTAL_W,), jnp.float32),
        mesh=mesh,
        scratch_types=[
            [pltpu.VMEM((CHUNK_BLOCKS, 384), jnp.float32) for _ in range(NBUF)],
            [pltpu.VMEM((OUT_CHUNK_W,), jnp.float32) for _ in range(NBUF)],
            pltpu.VMEM((16,), jnp.float32),
            pltpu.SemaphoreType.DMA,
            pltpu.SemaphoreType.DMA,
        ],
        compiler_params=pltpu.CompilerParams(
            needs_layout_passes=False,
            use_tc_tiling_on_sc=False,
            disable_bounds_checks=True,
            disable_semaphore_checks=True,
        ),
    )
    return f(x2d, w16)


def kernel(x, weights):
    xp = jnp.pad(x, ((0, 0), (0, 1)))
    x2d = xp.T.reshape(4, N_BLOCKS, 128).transpose(1, 0, 2).reshape(N_BLOCKS, 512)
    yf = _sc_spmm(x2d, jnp.pad(weights.astype(jnp.float32), (0, 13)))
    return yf.reshape(N_BLOCKS, 4, 128).transpose(1, 0, 2).reshape(4, N_ROWS).T

# --- scband reference (transcript-rebuilt; emitter-appended) ---
"""Pipeline reference for scband-temp-81209241633049 (READ-ONLY COPY).

The authoritative reference and input builder live on the scoring server;
editing this copy changes nothing except your own understanding.
"""

import jax, jax.numpy as jnp
import numpy as np


def setup_inputs(seed: int = 0) -> dict:
    key = jax.random.key(seed)
    k1, k2 = jax.random.split(key)
    x = jax.random.normal(k1, (1048576, 3), dtype=jnp.float32)
    # learned parameter: the 3 nonzero values of the sparse (3,4) matrix
    weights = jax.random.normal(k2, (3,), dtype=jnp.float32)
    return {"x": x, "weights": weights}


def reference(x, weights):
    # torch sparse COO: indices [[0,1,2],[2,1,3]] -> nonzeros at (0,2),(1,1),(2,3)
    rows = jnp.array([0, 1, 2], dtype=jnp.int32)
    cols = jnp.array([2, 1, 3], dtype=jnp.int32)
    sp_mat = jnp.zeros((3, 4), dtype=weights.dtype).at[rows, cols].set(weights)
    # forward: x @ sp_mat  (dense @ sparse, materialized densely; same math)
    return x @ sp_mat

if __name__ == "__main__":
    import jax
    _d = setup_inputs()
    print(jax.jit(kernel)(*tuple(_d.values())))

</pallas_src>

<mosaic_0001>
#map = affine_map<(d0, d1) -> (0, 0)>
#map1 = affine_map<(d0, d1) -> (0)>
module attributes {stable_mosaic.version = 14 : i64} {
  func.func @_sc_body(%arg0: i32, %arg1: i32, %arg2: memref<8192x512xf32, #tpu.memory_space<hbm>>, %arg3: memref<16xf32, #tpu.memory_space<hbm>>, %arg4: memref<4194304xf32, #tpu.memory_space<hbm>>, %arg5: memref<64x384xf32, #tpu.memory_space<vmem>>, %arg6: memref<64x384xf32, #tpu.memory_space<vmem>>, %arg7: memref<32768xf32, #tpu.memory_space<vmem>>, %arg8: memref<32768xf32, #tpu.memory_space<vmem>>, %arg9: memref<16xf32, #tpu.memory_space<vmem>>, %arg10: memref<!tpu.dma_semaphore, #tpu.memory_space<semaphore_mem>>, %arg11: memref<!tpu.dma_semaphore, #tpu.memory_space<semaphore_mem>>) attributes {dimension_semantics = [#tpu.dimension_semantics<core_parallel>, #tpu.dimension_semantics<subcore_parallel>], iteration_bounds = array<i64: 2, 16>, scalar_prefetch = 0 : i64, scratch_operands = 7 : i64, tpu.core_type = #tpu.core_type<sc_vector_subcore>, window_params = [{transform_indices = #map}, {transform_indices = #map1}, {transform_indices = #map1}]} {
    %mul3A = arith.constant 2 : i32
    %mul3A_0 = arith.muli %arg1, %mul3A : i32
    %add3A = arith.addi %mul3A_0, %arg0 : i32
    %mul3A_1 = arith.constant 256 : i32
    %mul3A_2 = arith.muli %add3A, %mul3A_1 : i32
    %add3A_3 = arith.constant 0 : i32
    %add3A_4 = arith.addi %mul3A_2, %add3A_3 : i32
    %dma_start3A = arith.constant 0 : i32
    %dma_start3A_5 = tpu.memref_slice %arg2[%add3A_4, %dma_start3A] : memref<8192x512xf32, #tpu.memory_space<hbm>> -> memref<64x384xf32, #tpu.memory_space<hbm>>
    %dma_start3A_6 = arith.constant 0 : i32
    %dma_start3A_7 = tpu.memref_slice %arg2[%add3A_4, %dma_start3A_6] : memref<8192x512xf32, #tpu.memory_space<hbm>> -> memref<64x384xf32, #tpu.memory_space<hbm>>
    tpu.enqueue_dma source(%dma_start3A_7 : memref<64x384xf32, #tpu.memory_space<hbm>>) target(%arg5 : memref<64x384xf32, #tpu.memory_space<vmem>>) target_semaphore(%arg10 : memref<!tpu.dma_semaphore, #tpu.memory_space<semaphore_mem>>)
    "tpu.region"() ({
      %run_scoped3A = tpu.sem_alloc : memref<!tpu.dma_semaphore, #tpu.memory_space<semaphore_mem>>
      tpu.enqueue_dma source(%arg3 : memref<16xf32, #tpu.memory_space<hbm>>) target(%arg9 : memref<16xf32, #tpu.memory_space<vmem>>) target_semaphore(%run_scoped3A : memref<!tpu.dma_semaphore, #tpu.memory_space<semaphore_mem>>)
      tpu.wait_dma2 semaphore(%run_scoped3A : memref<!tpu.dma_semaphore, #tpu.memory_space<semaphore_mem>>) src(%arg3 : memref<16xf32, #tpu.memory_space<hbm>>) dst(%arg9 : memref<16xf32, #tpu.memory_space<vmem>>)
      tpu.yield
    }) : () -> ()
    %get3A = arith.constant 0 : index
    %get3A_8 = tpu.vector_load %arg9[%get3A] {strides = array<i32>} : memref<16xf32, #tpu.memory_space<vmem>>, vector<16xf32>,
    %broadcast_in_dim3A = arith.constant 0 : i32
    %broadcast_in_dim3A_9 = vector.broadcast %broadcast_in_dim3A : i32 to vector<16xi32>
    %lt3A = arith.constant 0 : i32
    %lt3A_10 = vector.broadcast %lt3A : i32 to vector<16xi32>
    %lt3A_11 = arith.cmpi slt, %broadcast_in_dim3A_9, %lt3A_10 : vector<16xi32>
    %add3A_12 = arith.constant 16 : i32
    %add3A_13 = vector.broadcast %add3A_12 : i32 to vector<16xi32>
    %add3A_14 = arith.addi %broadcast_in_dim3A_9, %add3A_13 : vector<16xi32>
    %select_n3A = arith.select %lt3A_11, %add3A_14, %broadcast_in_dim3A_9 : vector<16xi1>, vector<16xi32>
    %broadcast_in_dim3A_15 = vector.shape_cast %select_n3A : vector<16xi32> to vector<16x1xi32>
    %gather3A = vector.shape_cast %broadcast_in_dim3A_15 : vector<16x1xi32> to vector<16xi32>
    %gather3A_16 = tpu.dynamic_gather %get3A_8[%gather3A] in [0] : vector<16xf32>, vector<16xi32> -> vector<16xf32>
    %broadcast_in_dim3A_17 = arith.constant 1 : i32
    %broadcast_in_dim3A_18 = vector.broadcast %broadcast_in_dim3A_17 : i32 to vector<16xi32>
    %lt3A_19 = arith.constant 0 : i32
    %lt3A_20 = vector.broadcast %lt3A_19 : i32 to vector<16xi32>
    %lt3A_21 = arith.cmpi slt, %broadcast_in_dim3A_18, %lt3A_20 : vector<16xi32>
    %add3A_22 = arith.constant 16 : i32
    %add3A_23 = vector.broadcast %add3A_22 : i32 to vector<16xi32>
    %add3A_24 = arith.addi %broadcast_in_dim3A_18, %add3A_23 : vector<16xi32>
    %select_n3A_25 = arith.select %lt3A_21, %add3A_24, %broadcast_in_dim3A_18 : vector<16xi1>, vector<16xi32>
    %broadcast_in_dim3A_26 = vector.shape_cast %select_n3A_25 : vector<16xi32> to vector<16x1xi32>
    %gather3A_27 = vector.shape_cast %broadcast_in_dim3A_26 : vector<16x1xi32> to vector<16xi32>
    %gather3A_28 = tpu.dynamic_gather %get3A_8[%gather3A_27] in [0] : vector<16xf32>, vector<16xi32> -> vector<16xf32>
    %broadcast_in_dim3A_29 = arith.constant 2 : i32
    %broadcast_in_dim3A_30 = vector.broadcast %broadcast_in_dim3A_29 : i32 to vector<16xi32>
    %lt3A_31 = arith.constant 0 : i32
    %lt3A_32 = vector.broadcast %lt3A_31 : i32 to vector<16xi32>
    %lt3A_33 = arith.cmpi slt, %broadcast_in_dim3A_30, %lt3A_32 : vector<16xi32>
    %add3A_34 = arith.constant 16 : i32
    %add3A_35 = vector.broadcast %add3A_34 : i32 to vector<16xi32>
    %add3A_36 = arith.addi %broadcast_in_dim3A_30, %add3A_35 : vector<16xi32>
    %select_n3A_37 = arith.select %lt3A_33, %add3A_36, %broadcast_in_dim3A_30 : vector<16xi1>, vector<16xi32>
    %broadcast_in_dim3A_38 = vector.shape_cast %select_n3A_37 : vector<16xi32> to vector<16x1xi32>
    %gather3A_39 = vector.shape_cast %broadcast_in_dim3A_38 : vector<16x1xi32> to vector<16xi32>
    %gather3A_40 = tpu.dynamic_gather %get3A_8[%gather3A_39] in [0] : vector<16xf32>, vector<16xi32> -> vector<16xf32>
    %broadcast_in_dim3A_41 = arith.constant 0.000000e+00 : f32
    %broadcast_in_dim3A_42 = vector.broadcast %broadcast_in_dim3A_41 : f32 to vector<16xf32>
    %add3A_43 = arith.constant 64 : i32
    %add3A_44 = arith.addi %mul3A_2, %add3A_43 : i32
    %dma_start3A_45 = arith.constant 0 : i32
    %dma_start3A_46 = tpu.memref_slice %arg2[%add3A_44, %dma_start3A_45] : memref<8192x512xf32, #tpu.memory_space<hbm>> -> memref<64x384xf32, #tpu.memory_space<hbm>>
    %dma_start3A_47 = arith.constant 0 : i32
    %dma_start3A_48 = tpu.memref_slice %arg2[%add3A_44, %dma_start3A_47] : memref<8192x512xf32, #tpu.memory_space<hbm>> -> memref<64x384xf32, #tpu.memory_space<hbm>>
    tpu.enqueue_dma source(%dma_start3A_48 : memref<64x384xf32, #tpu.memory_space<hbm>>) target(%arg6 : memref<64x384xf32, #tpu.memory_space<vmem>>) target_semaphore(%arg10 : memref<!tpu.dma_semaphore, #tpu.memory_space<semaphore_mem>>)
    %dma_wait3A = arith.constant 0 : i32
    %dma_wait3A_49 = tpu.memref_slice %arg2[%add3A_4, %dma_wait3A] : memref<8192x512xf32, #tpu.memory_space<hbm>> -> memref<64x384xf32, #tpu.memory_space<hbm>>
    %dma_wait3A_50 = arith.constant 0 : i32
    %dma_wait3A_51 = tpu.memref_slice %arg2[%add3A_4, %dma_wait3A_50] : memref<8192x512xf32, #tpu.memory_space<hbm>> -> memref<64x384xf32, #tpu.memory_space<hbm>>
    tpu.wait_dma2 semaphore(%arg10 : memref<!tpu.dma_semaphore, #tpu.memory_space<semaphore_mem>>) src(%dma_wait3A_51 : memref<64x384xf32, #tpu.memory_space<hbm>>) dst(%arg5 : memref<64x384xf32, #tpu.memory_space<vmem>>)
    %parallel_loop3A = arith.constant 0 : i32
    %parallel_loop3A_52 = arith.constant 64 : i32
    %parallel_loop3A_53 = arith.constant 1 : i32
    scf.for %parallel_loop3A_119 = %parallel_loop3A to %parallel_loop3A_52 step %parallel_loop3A_53  : i32 {
      %parallel_loop3A_120 = arith.constant 512 : i32
      %parallel_loop3A_121 = arith.muli %parallel_loop3A_119, %parallel_loop3A_120 : i32
      %parallel_loop3A_122 = arith.constant 0 : i32
      %parallel_loop3A_123 = arith.addi %parallel_loop3A_121, %parallel_loop3A_122 : i32
      %parallel_loop3A_124 = arith.index_cast %parallel_loop3A_123 : i32 to index
      %parallel_loop3A_125 = tpu.vector_load %arg7[%parallel_loop3A_124] {strides = array<i32>} : memref<32768xf32, #tpu.memory_space<vmem>>, vector<16xf32>,
      tpu.vector_store %arg7[%parallel_loop3A_124], %broadcast_in_dim3A_42 {strides = array<i32>} : memref<32768xf32, #tpu.memory_space<vmem>>, vector<16xf32>,
      %parallel_loop3A_126 = arith.index_cast %parallel_loop3A_119 : i32 to index
      %parallel_loop3A_127 = arith.constant 128 : index
      %parallel_loop3A_128 = tpu.vector_load %arg5[%parallel_loop3A_126, %parallel_loop3A_127] {strides = array<i32>} : memref<64x384xf32, #tpu.memory_space<vmem>>, vector<16xf32>,
      %parallel_loop3A_129 = arith.mulf %gather3A_28, %parallel_loop3A_128 : vector<16xf32>
      %parallel_loop3A_130 = arith.constant 0 : i32
      %parallel_loop3A_131 = arith.addi %parallel_loop3A_121, %parallel_loop3A_130 : i32
      %parallel_loop3A_132 = arith.constant 128 : i32
      %parallel_loop3A_133 = arith.addi %parallel_loop3A_131, %parallel_loop3A_132 : i32
      %parallel_loop3A_134 = arith.index_cast %parallel_loop3A_133 : i32 to index
      %parallel_loop3A_135 = tpu.vector_load %arg7[%parallel_loop3A_134] {strides = array<i32>} : memref<32768xf32, #tpu.memory_space<vmem>>, vector<16xf32>,
      tpu.vector_store %arg7[%parallel_loop3A_134], %parallel_loop3A_129 {strides = array<i32>} : memref<32768xf32, #tpu.memory_space<vmem>>, vector<16xf32>,
      %parallel_loop3A_136 = arith.index_cast %parallel_loop3A_119 : i32 to index
      %parallel_loop3A_137 = arith.constant 0 : index
      %parallel_loop3A_138 = tpu.vector_load %arg5[%parallel_loop3A_136, %parallel_loop3A_137] {strides = array<i32>} : memref<64x384xf32, #tpu.memory_space<vmem>>, vector<16xf32>,
      %parallel_loop3A_139 = arith.mulf %gather3A_16, %parallel_loop3A_138 : vector<16xf32>
      %parallel_loop3A_140 = arith.constant 0 : i32
      %parallel_loop3A_141 = arith.addi %parallel_loop3A_121, %parallel_loop3A_140 : i32
      %parallel_loop3A_142 = arith.constant 256 : i32
      %parallel_loop3A_143 = arith.addi %parallel_loop3A_141, %parallel_loop3A_142 : i32
      %parallel_loop3A_144 = arith.index_cast %parallel_loop3A_143 : i32 to index
      %parallel_loop3A_145 = tpu.vector_load %arg7[%parallel_loop3A_144] {strides = array<i32>} : memref<32768xf32, #tpu.memory_space<vmem>>, vector<16xf32>,
      tpu.vector_store %arg7[%parallel_loop3A_144], %parallel_loop3A_139 {strides = array<i32>} : memref<32768xf32, #tpu.memory_space<vmem>>, vector<16xf32>,
      %parallel_loop3A_146 = arith.index_cast %parallel_loop3A_119 : i32 to index
      %parallel_loop3A_147 = arith.constant 256 : index
      %parallel_loop3A_148 = tpu.vector_load %arg5[%parallel_loop3A_146, %parallel_loop3A_147] {strides = array<i32>} : memref<64x384xf32, #tpu.memory_space<vmem>>, vector<16xf32>,
      %parallel_loop3A_149 = arith.mulf %gather3A_40, %parallel_loop3A_148 : vector<16xf32>
      %parallel_loop3A_150 = arith.constant 0 : i32
      %parallel_loop3A_151 = arith.addi %parallel_loop3A_121, %parallel_loop3A_150 : i32
      %parallel_loop3A_152 = arith.constant 384 : i32
      %parallel_loop3A_153 = arith.addi %parallel_loop3A_151, %parallel_loop3A_152 : i32
      %parallel_loop3A_154 = arith.index_cast %parallel_loop3A_153 : i32 to index
      %parallel_loop3A_155 = tpu.vector_load %arg7[%parallel_loop3A_154] {strides = array<i32>} : memref<32768xf32, #tpu.memory_space<vmem>>, vector<16xf32>,
      tpu.vector_store %arg7[%parallel_loop3A_154], %parallel_loop3A_149 {strides = array<i32>} : memref<32768xf32, #tpu.memory_space<vmem>>, vector<16xf32>,
      %parallel_loop3A_156 = arith.constant 16 : i32
      %parallel_loop3A_157 = arith.addi %parallel_loop3A_121, %parallel_loop3A_156 : i32
      %parallel_loop3A_158 = arith.index_cast %parallel_loop3A_157 : i32 to index
      %parallel_loop3A_159 = tpu.vector_load %arg7[%parallel_loop3A_158] {strides = array<i32>} : memref<32768xf32, #tpu.memory_space<vmem>>, vector<16xf32>,
      tpu.vector_store %arg7[%parallel_loop3A_158], %broadcast_in_dim3A_42 {strides = array<i32>} : memref<32768xf32, #tpu.memory_space<vmem>>, vector<16xf32>,
      %parallel_loop3A_160 = arith.index_cast %parallel_loop3A_119 : i32 to index
      %parallel_loop3A_161 = arith.constant 144 : index
      %parallel_loop3A_162 = tpu.vector_load %arg5[%parallel_loop3A_160, %parallel_loop3A_161] {strides = array<i32>} : memref<64x384xf32, #tpu.memory_space<vmem>>, vector<16xf32>,
      %parallel_loop3A_163 = arith.mulf %gather3A_28, %parallel_loop3A_162 : vector<16xf32>
      %parallel_loop3A_164 = arith.constant 16 : i32
      %parallel_loop3A_165 = arith.addi %parallel_loop3A_121, %parallel_loop3A_164 : i32
      %parallel_loop3A_166 = arith.constant 128 : i32
      %parallel_loop3A_167 = arith.addi %parallel_loop3A_165, %parallel_loop3A_166 : i32
      %parallel_loop3A_168 = arith.index_cast %parallel_loop3A_167 : i32 to index
      %parallel_loop3A_169 = tpu.vector_load %arg7[%parallel_loop3A_168] {strides = array<i32>} : memref<32768xf32, #tpu.memory_space<vmem>>, vector<16xf32>,
      tpu.vector_store %arg7[%parallel_loop3A_168], %parallel_loop3A_163 {strides = array<i32>} : memref<32768xf32, #tpu.memory_space<vmem>>, vector<16xf32>,
      %parallel_loop3A_170 = arith.index_cast %parallel_loop3A_119 : i32 to index
      %parallel_loop3A_171 = arith.constant 16 : index
      %parallel_loop3A_172 = tpu.vector_load %arg5[%parallel_loop3A_170, %parallel_loop3A_171] {strides = array<i32>} : memref<64x384xf32, #tpu.memory_space<vmem>>, vector<16xf32>,
      %parallel_loop3A_173 = arith.mulf %gather3A_16, %parallel_loop3A_172 : vector<16xf32>
      %parallel_loop3A_174 = arith.constant 16 : i32
      %parallel_loop3A_175 = arith.addi %parallel_loop3A_121, %parallel_loop3A_174 : i32
      %parallel_loop3A_176 = arith.constant 256 : i32
      %parallel_loop3A_177 = arith.addi %parallel_loop3A_175, %parallel_loop3A_176 : i32
      %parallel_loop3A_178 = arith.index_cast %parallel_loop3A_177 : i32 to index
      %parallel_loop3A_179 = tpu.vector_load %arg7[%parallel_loop3A_178] {strides = array<i32>} : memref<32768xf32, #tpu.memory_space<vmem>>, vector<16xf32>,
      tpu.vector_store %arg7[%parallel_loop3A_178], %parallel_loop3A_173 {strides = array<i32>} : memref<32768xf32, #tpu.memory_space<vmem>>, vector<16xf32>,
      %parallel_loop3A_180 = arith.index_cast %parallel_loop3A_119 : i32 to index
      %parallel_loop3A_181 = arith.constant 272 : index
      %parallel_loop3A_182 = tpu.vector_load %arg5[%parallel_loop3A_180, %parallel_loop3A_181] {strides = array<i32>} : memref<64x384xf32, #tpu.memory_space<vmem>>, vector<16xf32>,
      %parallel_loop3A_183 = arith.mulf %gather3A_40, %parallel_loop3A_182 : vector<16xf32>
      %parallel_loop3A_184 = arith.constant 16 : i32
      %parallel_loop3A_185 = arith.addi %parallel_loop3A_121, %parallel_loop3A_184 : i32
      %parallel_loop3A_186 = arith.constant 384 : i32
      %parallel_loop3A_187 = arith.addi %parallel_loop3A_185, %parallel_loop3A_186 : i32
      %parallel_loop3A_188 = arith.index_cast %parallel_loop3A_187 : i32 to index
      %parallel_loop3A_189 = tpu.vector_load %arg7[%parallel_loop3A_188] {strides = array<i32>} : memref<32768xf32, #tpu.memory_space<vmem>>, vector<16xf32>,
      tpu.vector_store %arg7[%parallel_loop3A_188], %parallel_loop3A_183 {strides = array<i32>} : memref<32768xf32, #tpu.memory_space<vmem>>, vector<16xf32>,
      %parallel_loop3A_190 = arith.constant 32 : i32
      %parallel_loop3A_191 = arith.addi %parallel_loop3A_121, %parallel_loop3A_190 : i32
      %parallel_loop3A_192 = arith.index_cast %parallel_loop3A_191 : i32 to index
      %parallel_loop3A_193 = tpu.vector_load %arg7[%parallel_loop3A_192] {strides = array<i32>} : memref<32768xf32, #tpu.memory_space<vmem>>, vector<16xf32>,
      tpu.vector_store %arg7[%parallel_loop3A_192], %broadcast_in_dim3A_42 {strides = array<i32>} : memref<32768xf32, #tpu.memory_space<vmem>>, vector<16xf32>,
      %parallel_loop3A_194 = arith.index_cast %parallel_loop3A_119 : i32 to index
      %parallel_loop3A_195 = arith.constant 160 : index
      %parallel_loop3A_196 = tpu.vector_load %arg5[%parallel_loop3A_194, %parallel_loop3A_195] {strides = array<i32>} : memref<64x384xf32, #tpu.memory_space<vmem>>, vector<16xf32>,
      %parallel_loop3A_197 = arith.mulf %gather3A_28, %parallel_loop3A_196 : vector<16xf32>
      %parallel_loop3A_198 = arith.constant 32 : i32
      %parallel_loop3A_199 = arith.addi %parallel_loop3A_121, %parallel_loop3A_198 : i32
      %parallel_loop3A_200 = arith.constant 128 : i32
      %parallel_loop3A_201 = arith.addi %parallel_loop3A_199, %parallel_loop3A_200 : i32
      %parallel_loop3A_202 = arith.index_cast %parallel_loop3A_201 : i32 to index
      %parallel_loop3A_203 = tpu.vector_load %arg7[%parallel_loop3A_202] {strides = array<i32>} : memref<32768xf32, #tpu.memory_space<vmem>>, vector<16xf32>,
      tpu.vector_store %arg7[%parallel_loop3A_202], %parallel_loop3A_197 {strides = array<i32>} : memref<32768xf32, #tpu.memory_space<vmem>>, vector<16xf32>,
      %parallel_loop3A_204 = arith.index_cast %parallel_loop3A_119 : i32 to index
      %parallel_loop3A_205 = arith.constant 32 : index
      %parallel_loop3A_206 = tpu.vector_load %arg5[%parallel_loop3A_204, %parallel_loop3A_205] {strides = array<i32>} : memref<64x384xf32, #tpu.memory_space<vmem>>, vector<16xf32>,
      %parallel_loop3A_207 = arith.mulf %gather3A_16, %parallel_loop3A_206 : vector<16xf32>
      %parallel_loop3A_208 = arith.constant 32 : i32
      %parallel_loop3A_209 = arith.addi %parallel_loop3A_121, %parallel_loop3A_208 : i32
      %parallel_loop3A_210 = arith.constant 256 : i32
      %parallel_loop3A_211 = arith.addi %parallel_loop3A_209, %parallel_loop3A_210 : i32
      %parallel_loop3A_212 = arith.index_cast %parallel_loop3A_211 : i32 to index
      %parallel_loop3A_213 = tpu.vector_load %arg7[%parallel_loop3A_212] {strides = array<i32>} : memref<32768xf32, #tpu.memory_space<vmem>>, vector<16xf32>,
      tpu.vector_store %arg7[%parallel_loop3A_212], %parallel_loop3A_207 {strides = array<i32>} : memref<32768xf32, #tpu.memory_space<vmem>>, vector<16xf32>,
      %parallel_loop3A_214 = arith.index_cast %parallel_loop3A_119 : i32 to index
      %parallel_loop3A_215 = arith.constant 288 : index
      %parallel_loop3A_216 = tpu.vector_load %arg5[%parallel_loop3A_214, %parallel_loop3A_215] {strides = array<i32>} : memref<64x384xf32, #tpu.memory_space<vmem>>, vector<16xf32>,
      %parallel_loop3A_217 = arith.mulf %gather3A_40, %parallel_loop3A_216 : vector<16xf32>
      %parallel_loop3A_218 = arith.constant 32 : i32
      %parallel_loop3A_219 = arith.addi %parallel_loop3A_121, %parallel_loop3A_218 : i32
      %parallel_loop3A_220 = arith.constant 384 : i32
      %parallel_loop3A_221 = arith.addi %parallel_loop3A_219, %parallel_loop3A_220 : i32
      %parallel_loop3A_222 = arith.index_cast %parallel_loop3A_221 : i32 to index
      %parallel_loop3A_223 = tpu.vector_load %arg7[%parallel_loop3A_222] {strides = array<i32>} : memref<32768xf32, #tpu.memory_space<vmem>>, vector<16xf32>,
      tpu.vector_store %arg7[%parallel_loop3A_222], %parallel_loop3A_217 {strides = array<i32>} : memref<32768xf32, #tpu.memory_space<vmem>>, vector<16xf32>,
      %parallel_loop3A_224 = arith.constant 48 : i32
      %parallel_loop3A_225 = arith.addi %parallel_loop3A_121, %parallel_loop3A_224 : i32
      %parallel_loop3A_226 = arith.index_cast %parallel_loop3A_225 : i32 to index
      %parallel_loop3A_227 = tpu.vector_load %arg7[%parallel_loop3A_226] {strides = array<i32>} : memref<32768xf32, #tpu.memory_space<vmem>>, vector<16xf32>,
      tpu.vector_store %arg7[%parallel_loop3A_226], %broadcast_in_dim3A_42 {strides = array<i32>} : memref<32768xf32, #tpu.memory_space<vmem>>, vector<16xf32>,
      %parallel_loop3A_228 = arith.index_cast %parallel_loop3A_119 : i32 to index
      %parallel_loop3A_229 = arith.constant 176 : index
      %parallel_loop3A_230 = tpu.vector_load %arg5[%parallel_loop3A_228, %parallel_loop3A_229] {strides = array<i32>} : memref<64x384xf32, #tpu.memory_space<vmem>>, vector<16xf32>,
      %parallel_loop3A_231 = arith.mulf %gather3A_28, %parallel_loop3A_230 : vector<16xf32>
      %parallel_loop3A_232 = arith.constant 48 : i32
      %parallel_loop3A_233 = arith.addi %parallel_loop3A_121, %parallel_loop3A_232 : i32
      %parallel_loop3A_234 = arith.constant 128 : i32
      %parallel_loop3A_235 = arith.addi %parallel_loop3A_233, %parallel_loop3A_234 : i32
      %parallel_loop3A_236 = arith.index_cast %parallel_loop3A_235 : i32 to index
      %parallel_loop3A_237 = tpu.vector_load %arg7[%parallel_loop3A_236] {strides = array<i32>} : memref<32768xf32, #tpu.memory_space<vmem>>, vector<16xf32>,
      tpu.vector_store %arg7[%parallel_loop3A_236], %parallel_loop3A_231 {strides = array<i32>} : memref<32768xf32, #tpu.memory_space<vmem>>, vector<16xf32>,
      %parallel_loop3A_238 = arith.index_cast %parallel_loop3A_119 : i32 to index
      %parallel_loop3A_239 = arith.constant 48 : index
      %parallel_loop3A_240 = tpu.vector_load %arg5[%parallel_loop3A_238, %parallel_loop3A_239] {strides = array<i32>} : memref<64x384xf32, #tpu.memory_space<vmem>>, vector<16xf32>,
      %parallel_loop3A_241 = arith.mulf %gather3A_16, %parallel_loop3A_240 : vector<16xf32>
      %parallel_loop3A_242 = arith.constant 48 : i32
      %parallel_loop3A_243 = arith.addi %parallel_loop3A_121, %parallel_loop3A_242 : i32
      %parallel_loop3A_244 = arith.constant 256 : i32
      %parallel_loop3A_245 = arith.addi %parallel_loop3A_243, %parallel_loop3A_244 : i32
      %parallel_loop3A_246 = arith.index_cast %parallel_loop3A_245 : i32 to index
      %parallel_loop3A_247 = tpu.vector_load %arg7[%parallel_loop3A_246] {strides = array<i32>} : memref<32768xf32, #tpu.memory_space<vmem>>, vector<16xf32>,
      tpu.vector_store %arg7[%parallel_loop3A_246], %parallel_loop3A_241 {strides = array<i32>} : memref<32768xf32, #tpu.memory_space<vmem>>, vector<16xf32>,
      %parallel_loop3A_248 = arith.index_cast %parallel_loop3A_119 : i32 to index
      %parallel_loop3A_249 = arith.constant 304 : index
      %parallel_loop3A_250 = tpu.vector_load %arg5[%parallel_loop3A_248, %parallel_loop3A_249] {strides = array<i32>} : memref<64x384xf32, #tpu.memory_space<vmem>>, vector<16xf32>,
      %parallel_loop3A_251 = arith.mulf %gather3A_40, %parallel_loop3A_250 : vector<16xf32>
      %parallel_loop3A_252 = arith.constant 48 : i32
      %parallel_loop3A_253 = arith.addi %parallel_loop3A_121, %parallel_loop3A_252 : i32
      %parallel_loop3A_254 = arith.constant 384 : i32
      %parallel_loop3A_255 = arith.addi %parallel_loop3A_253, %parallel_loop3A_254 : i32
      %parallel_loop3A_256 = arith.index_cast %parallel_loop3A_255 : i32 to index
      %parallel_loop3A_257 = tpu.vector_load %arg7[%parallel_loop3A_256] {strides = array<i32>} : memref<32768xf32, #tpu.memory_space<vmem>>, vector<16xf32>,
      tpu.vector_store %arg7[%parallel_loop3A_256], %parallel_loop3A_251 {strides = array<i32>} : memref<32768xf32, #tpu.memory_space<vmem>>, vector<16xf32>,
      %parallel_loop3A_258 = arith.constant 64 : i32
      %parallel_loop3A_259 = arith.addi %parallel_loop3A_121, %parallel_loop3A_258 : i32
      %parallel_loop3A_260 = arith.index_cast %parallel_loop3A_259 : i32 to index
      %parallel_loop3A_261 = tpu.vector_load %arg7[%parallel_loop3A_260] {strides = array<i32>} : memref<32768xf32, #tpu.memory_space<vmem>>, vector<16xf32>,
      tpu.vector_store %arg7[%parallel_loop3A_260], %broadcast_in_dim3A_42 {strides = array<i32>} : memref<32768xf32, #tpu.memory_space<vmem>>, vector<16xf32>,
      %parallel_loop3A_262 = arith.index_cast %parallel_loop3A_119 : i32 to index
      %parallel_loop3A_263 = arith.constant 192 : index
      %parallel_loop3A_264 = tpu.vector_load %arg5[%parallel_loop3A_262, %parallel_loop3A_263] {strides = array<i32>} : memref<64x384xf32, #tpu.memory_space<vmem>>, vector<16xf32>,
      %parallel_loop3A_265 = arith.mulf %gather3A_28, %parallel_loop3A_264 : vector<16xf32>
      %parallel_loop3A_266 = arith.constant 64 : i32
      %parallel_loop3A_267 = arith.addi %parallel_loop3A_121, %parallel_loop3A_266 : i32
      %parallel_loop3A_268 = arith.constant 128 : i32
      %parallel_loop3A_269 = arith.addi %parallel_loop3A_267, %parallel_loop3A_268 : i32
      %parallel_loop3A_270 = arith.index_cast %parallel_loop3A_269 : i32 to index
      %parallel_loop3A_271 = tpu.vector_load %arg7[%parallel_loop3A_270] {strides = array<i32>} : memref<32768xf32, #tpu.memory_space<vmem>>, vector<16xf32>,
      tpu.vector_store %arg7[%parallel_loop3A_270], %parallel_loop3A_265 {strides = array<i32>} : memref<32768xf32, #tpu.memory_space<vmem>>, vector<16xf32>,
      %parallel_loop3A_272 = arith.index_cast %parallel_loop3A_119 : i32 to index
      %parallel_loop3A_273 = arith.constant 64 : index
      %parallel_loop3A_274 = tpu.vector_load %arg5[%parallel_loop3A_272, %parallel_loop3A_273] {strides = array<i32>} : memref<64x384xf32, #tpu.memory_space<vmem>>, vector<16xf32>,
      %parallel_loop3A_275 = arith.mulf %gather3A_16, %parallel_loop3A_274 : vector<16xf32>
      %parallel_loop3A_276 = arith.constant 64 : i32
      %parallel_loop3A_277 = arith.addi %parallel_loop3A_121, %parallel_loop3A_276 : i32
      %parallel_loop3A_278 = arith.constant 256 : i32
      %parallel_loop3A_279 = arith.addi %parallel_loop3A_277, %parallel_loop3A_278 : i32
      %parallel_loop3A_280 = arith.index_cast %parallel_loop3A_279 : i32 to index
      %parallel_loop3A_281 = tpu.vector_load %arg7[%parallel_loop3A_280] {strides = array<i32>} : memref<32768xf32, #tpu.memory_space<vmem>>, vector<16xf32>,
      tpu.vector_store %arg7[%parallel_loop3A_280], %parallel_loop3A_275 {strides = array<i32>} : memref<32768xf32, #tpu.memory_space<vmem>>, vector<16xf32>,
      %parallel_loop3A_282 = arith.index_cast %parallel_loop3A_119 : i32 to index
      %parallel_loop3A_283 = arith.constant 320 : index
      %parallel_loop3A_284 = tpu.vector_load %arg5[%parallel_loop3A_282, %parallel_loop3A_283] {strides = array<i32>} : memref<64x384xf32, #tpu.memory_space<vmem>>, vector<16xf32>,
      %parallel_loop3A_285 = arith.mulf %gather3A_40, %parallel_loop3A_284 : vector<16xf32>
      %parallel_loop3A_286 = arith.constant 64 : i32
      %parallel_loop3A_287 = arith.addi %parallel_loop3A_121, %parallel_loop3A_286 : i32
      %parallel_loop3A_288 = arith.constant 384 : i32
      %parallel_loop3A_289 = arith.addi %parallel_loop3A_287, %parallel_loop3A_288 : i32
      %parallel_loop3A_290 = arith.index_cast %parallel_loop3A_289 : i32 to index
      %parallel_loop3A_291 = tpu.vector_load %arg7[%parallel_loop3A_290] {strides = array<i32>} : memref<32768xf32, #tpu.memory_space<vmem>>, vector<16xf32>,
      tpu.vector_store %arg7[%parallel_loop3A_290], %parallel_loop3A_285 {strides = array<i32>} : memref<32768xf32, #tpu.memory_space<vmem>>, vector<16xf32>,
      %parallel_loop3A_292 = arith.constant 80 : i32
      %parallel_loop3A_293 = arith.addi %parallel_loop3A_121, %parallel_loop3A_292 : i32
      %parallel_loop3A_294 = arith.index_cast %parallel_loop3A_293 : i32 to index
      %parallel_loop3A_295 = tpu.vector_load %arg7[%parallel_loop3A_294] {strides = array<i32>} : memref<32768xf32, #tpu.memory_space<vmem>>, vector<16xf32>,
      tpu.vector_store %arg7[%parallel_loop3A_294], %broadcast_in_dim3A_42 {strides = array<i32>} : memref<32768xf32, #tpu.memory_space<vmem>>, vector<16xf32>,
      %parallel_loop3A_296 = arith.index_cast %parallel_loop3A_119 : i32 to index
      %parallel_loop3A_297 = arith.constant 208 : index
      %parallel_loop3A_298 = tpu.vector_load %arg5[%parallel_loop3A_296, %parallel_loop3A_297] {strides = array<i32>} : memref<64x384xf32, #tpu.memory_space<vmem>>, vector<16xf32>,
      %parallel_loop3A_299 = arith.mulf %gather3A_28, %parallel_loop3A_298 : vector<16xf32>
      %parallel_loop3A_300 = arith.constant 80 : i32
      %parallel_loop3A_301 = arith.addi %parallel_loop3A_121, %parallel_loop3A_300 : i32
      %parallel_loop3A_302 = arith.constant 128 : i32
      %parallel_loop3A_303 = arith.addi %parallel_loop3A_301, %parallel_loop3A_302 : i32
      %parallel_loop3A_304 = arith.index_cast %parallel_loop3A_303 : i32 to index
      %parallel_loop3A_305 = tpu.vector_load %arg7[%parallel_loop3A_304] {strides = array<i32>} : memref<32768xf32, #tpu.memory_space<vmem>>, vector<16xf32>,
      tpu.vector_store %arg7[%parallel_loop3A_304], %parallel_loop3A_299 {strides = array<i32>} : memref<32768xf32, #tpu.memory_space<vmem>>, vector<16xf32>,
      %parallel_loop3A_306 = arith.index_cast %parallel_loop3A_119 : i32 to index
      %parallel_loop3A_307 = arith.constant 80 : index
      %parallel_loop3A_308 = tpu.vector_load %arg5[%parallel_loop3A_306, %parallel_loop3A_307] {strides = array<i32>} : memref<64x384xf32, #tpu.memory_space<vmem>>, vector<16xf32>,
      %parallel_loop3A_309 = arith.mulf %gather3A_16, %parallel_loop3A_308 : vector<16xf32>
      %parallel_loop3A_310 = arith.constant 80 : i32
      %parallel_loop3A_311 = arith.addi %parallel_loop3A_121, %parallel_loop3A_310 : i32
      %parallel_loop3A_312 = arith.constant 256 : i32
      %parallel_loop3A_313 = arith.addi %parallel_loop3A_311, %parallel_loop3A_312 : i32
      %parallel_loop3A_314 = arith.index_cast %parallel_loop3A_313 : i32 to index
      %parallel_loop3A_315 = tpu.vector_load %arg7[%parallel_loop3A_314] {strides = array<i32>} : memref<32768xf32, #tpu.memory_space<vmem>>, vector<16xf32>,
      tpu.vector_store %arg7[%parallel_loop3A_314], %parallel_loop3A_309 {strides = array<i32>} : memref<32768xf32, #tpu.memory_space<vmem>>, vector<16xf32>,
      %parallel_loop3A_316 = arith.index_cast %parallel_loop3A_119 : i32 to index
      %parallel_loop3A_317 = arith.constant 336 : index
      %parallel_loop3A_318 = tpu.vector_load %arg5[%parallel_loop3A_316, %parallel_loop3A_317] {strides = array<i32>} : memref<64x384xf32, #tpu.memory_space<vmem>>, vector<16xf32>,
      %parallel_loop3A_319 = arith.mulf %gather3A_40, %parallel_loop3A_318 : vector<16xf32>
      %parallel_loop3A_320 = arith.constant 80 : i32
      %parallel_loop3A_321 = arith.addi %parallel_loop3A_121, %parallel_loop3A_320 : i32
      %parallel_loop3A_322 = arith.constant 384 : i32
      %parallel_loop3A_323 = arith.addi %parallel_loop3A_321, %parallel_loop3A_322 : i32
      %parallel_loop3A_324 = arith.index_cast %parallel_loop3A_323 : i32 to index
      %parallel_loop3A_325 = tpu.vector_load %arg7[%parallel_loop3A_324] {strides = array<i32>} : memref<32768xf32, #tpu.memory_space<vmem>>, vector<16xf32>,
      tpu.vector_store %arg7[%parallel_loop3A_324], %parallel_loop3A_319 {strides = array<i32>} : memref<32768xf32, #tpu.memory_space<vmem>>, vector<16xf32>,
      %parallel_loop3A_326 = arith.constant 96 : i32
      %parallel_loop3A_327 = arith.addi %parallel_loop3A_121, %parallel_loop3A_326 : i32
      %parallel_loop3A_328 = arith.index_cast %parallel_loop3A_327 : i32 to index
      %parallel_loop3A_329 = tpu.vector_load %arg7[%parallel_loop3A_328] {strides = array<i32>} : memref<32768xf32, #tpu.memory_space<vmem>>, vector<16xf32>,
      tpu.vector_store %arg7[%parallel_loop3A_328], %broadcast_in_dim3A_42 {strides = array<i32>} : memref<32768xf32, #tpu.memory_space<vmem>>, vector<16xf32>,
      %parallel_loop3A_330 = arith.index_cast %parallel_loop3A_119 : i32 to index
      %parallel_loop3A_331 = arith.constant 224 : index
      %parallel_loop3A_332 = tpu.vector_load %arg5[%parallel_loop3A_330, %parallel_loop3A_331] {strides = array<i32>} : memref<64x384xf32, #tpu.memory_space<vmem>>, vector<16xf32>,
      %parallel_loop3A_333 = arith.mulf %gather3A_28, %parallel_loop3A_332 : vector<16xf32>
      %parallel_loop3A_334 = arith.constant 96 : i32
      %parallel_loop3A_335 = arith.addi %parallel_loop3A_121, %parallel_loop3A_334 : i32
      %parallel_loop3A_336 = arith.constant 128 : i32
      %parallel_loop3A_337 = arith.addi %parallel_loop3A_335, %parallel_loop3A_336 : i32
      %parallel_loop3A_338 = arith.index_cast %parallel_loop3A_337 : i32 to index
      %parallel_loop3A_339 = tpu.vector_load %arg7[%parallel_loop3A_338] {strides = array<i32>} : memref<32768xf32, #tpu.memory_space<vmem>>, vector<16xf32>,
      tpu.vector_store %arg7[%parallel_loop3A_338], %parallel_loop3A_333 {strides = array<i32>} : memref<32768xf32, #tpu.memory_space<vmem>>, vector<16xf32>,
      %parallel_loop3A_340 = arith.index_cast %parallel_loop3A_119 : i32 to index
      %parallel_loop3A_341 = arith.constant 96 : index
      %parallel_loop3A_342 = tpu.vector_load %arg5[%parallel_loop3A_340, %parallel_loop3A_341] {strides = array<i32>} : memref<64x384xf32, #tpu.memory_space<vmem>>, vector<16xf32>,
      %parallel_loop3A_343 = arith.mulf %gather3A_16, %parallel_loop3A_342 : vector<16xf32>
      %parallel_loop3A_344 = arith.constant 96 : i32
      %parallel_loop3A_345 = arith.addi %parallel_loop3A_121, %parallel_loop3A_344 : i32
      %parallel_loop3A_346 = arith.constant 256 : i32
      %parallel_loop3A_347 = arith.addi %parallel_loop3A_345, %parallel_loop3A_346 : i32
      %parallel_loop3A_348 = arith.index_cast %parallel_loop3A_347 : i32 to index
      %parallel_loop3A_349 = tpu.vector_load %arg7[%parallel_loop3A_348] {strides = array<i32>} : memref<32768xf32, #tpu.memory_space<vmem>>, vector<16xf32>,
      tpu.vector_store %arg7[%parallel_loop3A_348], %parallel_loop3A_343 {strides = array<i32>} : memref<32768xf32, #tpu.memory_space<vmem>>, vector<16xf32>,
      %parallel_loop3A_350 = arith.index_cast %parallel_loop3A_119 : i32 to index
      %parallel_loop3A_351 = arith.constant 352 : index
      %parallel_loop3A_352 = tpu.vector_load %arg5[%parallel_loop3A_350, %parallel_loop3A_351] {strides = array<i32>} : memref<64x384xf32, #tpu.memory_space<vmem>>, vector<16xf32>,
      %parallel_loop3A_353 = arith.mulf %gather3A_40, %parallel_loop3A_352 : vector<16xf32>
      %parallel_loop3A_354 = arith.constant 96 : i32
      %parallel_loop3A_355 = arith.addi %parallel_loop3A_121, %parallel_loop3A_354 : i32
      %parallel_loop3A_356 = arith.constant 384 : i32
      %parallel_loop3A_357 = arith.addi %parallel_loop3A_355, %parallel_loop3A_356 : i32
      %parallel_loop3A_358 = arith.index_cast %parallel_loop3A_357 : i32 to index
      %parallel_loop3A_359 = tpu.vector_load %arg7[%parallel_loop3A_358] {strides = array<i32>} : memref<32768xf32, #tpu.memory_space<vmem>>, vector<16xf32>,
      tpu.vector_store %arg7[%parallel_loop3A_358], %parallel_loop3A_353 {strides = array<i32>} : memref<32768xf32, #tpu.memory_space<vmem>>, vector<16xf32>,
      %parallel_loop3A_360 = arith.constant 112 : i32
      %parallel_loop3A_361 = arith.addi %parallel_loop3A_121, %parallel_loop3A_360 : i32
      %parallel_loop3A_362 = arith.index_cast %parallel_loop3A_361 : i32 to index
      %parallel_loop3A_363 = tpu.vector_load %arg7[%parallel_loop3A_362] {strides = array<i32>} : memref<32768xf32, #tpu.memory_space<vmem>>, vector<16xf32>,
      tpu.vector_store %arg7[%parallel_loop3A_362], %broadcast_in_dim3A_42 {strides = array<i32>} : memref<32768xf32, #tpu.memory_space<vmem>>, vector<16xf32>,
      %parallel_loop3A_364 = arith.index_cast %parallel_loop3A_119 : i32 to index
      %parallel_loop3A_365 = arith.constant 240 : index
      %parallel_loop3A_366 = tpu.vector_load %arg5[%parallel_loop3A_364, %parallel_loop3A_365] {strides = array<i32>} : memref<64x384xf32, #tpu.memory_space<vmem>>, vector<16xf32>,
      %parallel_loop3A_367 = arith.mulf %gather3A_28, %parallel_loop3A_366 : vector<16xf32>
      %parallel_loop3A_368 = arith.constant 112 : i32
      %parallel_loop3A_369 = arith.addi %parallel_loop3A_121, %parallel_loop3A_368 : i32
      %parallel_loop3A_370 = arith.constant 128 : i32
      %parallel_loop3A_371 = arith.addi %parallel_loop3A_369, %parallel_loop3A_370 : i32
      %parallel_loop3A_372 = arith.index_cast %parallel_loop3A_371 : i32 to index
      %parallel_loop3A_373 = tpu.vector_load %arg7[%parallel_loop3A_372] {strides = array<i32>} : memref<32768xf32, #tpu.memory_space<vmem>>, vector<16xf32>,
      tpu.vector_store %arg7[%parallel_loop3A_372], %parallel_loop3A_367 {strides = array<i32>} : memref<32768xf32, #tpu.memory_space<vmem>>, vector<16xf32>,
      %parallel_loop3A_374 = arith.index_cast %parallel_loop3A_119 : i32 to index
      %parallel_loop3A_375 = arith.constant 112 : index
      %parallel_loop3A_376 = tpu.vector_load %arg5[%parallel_loop3A_374, %parallel_loop3A_375] {strides = array<i32>} : memref<64x384xf32, #tpu.memory_space<vmem>>, vector<16xf32>,
      %parallel_loop3A_377 = arith.mulf %gather3A_16, %parallel_loop3A_376 : vector<16xf32>
      %parallel_loop3A_378 = arith.constant 112 : i32
      %parallel_loop3A_379 = arith.addi %parallel_loop3A_121, %parallel_loop3A_378 : i32
      %parallel_loop3A_380 = arith.constant 256 : i32
      %parallel_loop3A_381 = arith.addi %parallel_loop3A_379, %parallel_loop3A_380 : i32
      %parallel_loop3A_382 = arith.index_cast %parallel_loop3A_381 : i32 to index
      %parallel_loop3A_383 = tpu.vector_load %arg7[%parallel_loop3A_382] {strides = array<i32>} : memref<32768xf32, #tpu.memory_space<vmem>>, vector<16xf32>,
      tpu.vector_store %arg7[%parallel_loop3A_382], %parallel_loop3A_377 {strides = array<i32>} : memref<32768xf32, #tpu.memory_space<vmem>>, vector<16xf32>,
      %parallel_loop3A_384 = arith.index_cast %parallel_loop3A_119 : i32 to index
      %parallel_loop3A_385 = arith.constant 368 : index
      %parallel_loop3A_386 = tpu.vector_load %arg5[%parallel_loop3A_384, %parallel_loop3A_385] {strides = array<i32>} : memref<64x384xf32, #tpu.memory_space<vmem>>, vector<16xf32>,
      %parallel_loop3A_387 = arith.mulf %gather3A_40, %parallel_loop3A_386 : vector<16xf32>
      %parallel_loop3A_388 = arith.constant 112 : i32
      %parallel_loop3A_389 = arith.addi %parallel_loop3A_121, %parallel_loop3A_388 : i32
      %parallel_loop3A_390 = arith.constant 384 : i32
      %parallel_loop3A_391 = arith.addi %parallel_loop3A_389, %parallel_loop3A_390 : i32
      %parallel_loop3A_392 = arith.index_cast %parallel_loop3A_391 : i32 to index
      %parallel_loop3A_393 = tpu.vector_load %arg7[%parallel_loop3A_392] {strides = array<i32>} : memref<32768xf32, #tpu.memory_space<vmem>>, vector<16xf32>,
      tpu.vector_store %arg7[%parallel_loop3A_392], %parallel_loop3A_387 {strides = array<i32>} : memref<32768xf32, #tpu.memory_space<vmem>>, vector<16xf32>,
    } {sc.loop_unroll_factor = 4 : i64, sc.parallel_access}
    %add3A_54 = arith.constant 0 : i32
    %add3A_55 = arith.addi %mul3A_2, %add3A_54 : i32
    %mul3A_56 = arith.constant 512 : i32
    %mul3A_57 = arith.muli %add3A_55, %mul3A_56 : i32
    %dma_start3A_58 = tpu.memref_slice %arg4[%mul3A_57] : memref<4194304xf32, #tpu.memory_space<hbm>> -> memref<32768xf32, #tpu.memory_space<hbm>>
    %dma_start3A_59 = tpu.memref_slice %arg4[%mul3A_57] : memref<4194304xf32, #tpu.memory_space<hbm>> -> memref<32768xf32, #tpu.memory_space<hbm>>
    tpu.enqueue_dma source(%arg7 : memref<32768xf32, #tpu.memory_space<vmem>>) target(%dma_start3A_59 : memref<32768xf32, #tpu.memory_space<hbm>>) target_semaphore(%arg11 : memref<!tpu.dma_semaphore, #tpu.memory_space<semaphore_mem>>)
    %add3A_60 = arith.constant 128 : i32
    %add3A_61 = arith.addi %mul3A_2, %add3A_60 : i32
    %dma_start3A_62 = arith.constant 0 : i32
    %dma_start3A_63 = tpu.memref_slice %arg2[%add3A_61, %dma_start3A_62] : memref<8192x512xf32, #tpu.memory_space<hbm>> -> memref<64x384xf32, #tpu.memory_space<hbm>>
    %dma_start3A_64 = arith.constant 0 : i32
    %dma_start3A_65 = tpu.memref_slice %arg2[%add3A_61, %dma_start3A_64] : memref<8192x512xf32, #tpu.memory_space<hbm>> -> memref<64x384xf32, #tpu.memory_space<hbm>>
    tpu.enqueue_dma source(%dma_start3A_65 : memref<64x384xf32, #tpu.memory_space<hbm>>) target(%arg5 : memref<64x384xf32, #tpu.memory_space<vmem>>) target_semaphore(%arg10 : memref<!tpu.dma_semaphore, #tpu.memory_space<semaphore_mem>>)
    %dma_wait3A_66 = arith.constant 0 : i32
    %dma_wait3A_67 = tpu.memref_slice %arg2[%add3A_44, %dma_wait3A_66] : memref<8192x512xf32, #tpu.memory_space<hbm>> -> memref<64x384xf32, #tpu.memory_space<hbm>>
    %dma_wait3A_68 = arith.constant 0 : i32
    %dma_wait3A_69 = tpu.memref_slice %arg2[%add3A_44, %dma_wait3A_68] : memref<8192x512xf32, #tpu.memory_space<hbm>> -> memref<64x384xf32, #tpu.memory_space<hbm>>
    tpu.wait_dma2 semaphore(%arg10 : memref<!tpu.dma_semaphore, #tpu.memory_space<semaphore_mem>>) src(%dma_wait3A_69 : memref<64x384xf32, #tpu.memory_space<hbm>>) dst(%arg6 : memref<64x384xf32, #tpu.memory_space<vmem>>)
    %parallel_loop3A_70 = arith.constant 0 : i32
    %parallel_loop3A_71 = arith.constant 64 : i32
    %parallel_loop3A_72 = arith.constant 1 : i32
    scf.for %parallel_loop3A_119 = %parallel_loop3A_70 to %parallel_loop3A_71 step %parallel_loop3A_72  : i32 {
      %parallel_loop3A_120 = arith.constant 512 : i32
      %parallel_loop3A_121 = arith.muli %parallel_loop3A_119, %parallel_loop3A_120 : i32
      %parallel_loop3A_122 = arith.constant 0 : i32
      %parallel_loop3A_123 = arith.addi %parallel_loop3A_121, %parallel_loop3A_122 : i32
      %parallel_loop3A_124 = arith.index_cast %parallel_loop3A_123 : i32 to index
      %parallel_loop3A_125 = tpu.vector_load %arg8[%parallel_loop3A_124] {strides = array<i32>} : memref<32768xf32, #tpu.memory_space<vmem>>, vector<16xf32>,
      tpu.vector_store %arg8[%parallel_loop3A_124], %broadcast_in_dim3A_42 {strides = array<i32>} : memref<32768xf32, #tpu.memory_space<vmem>>, vector<16xf32>,
      %parallel_loop3A_126 = arith.index_cast %parallel_loop3A_119 : i32 to index
      %parallel_loop3A_127 = arith.constant 128 : index
      %parallel_loop3A_128 = tpu.vector_load %arg6[%parallel_loop3A_126, %parallel_loop3A_127] {strides = array<i32>} : memref<64x384xf32, #tpu.memory_space<vmem>>, vector<16xf32>,
      %parallel_loop3A_129 = arith.mulf %gather3A_28, %parallel_loop3A_128 : vector<16xf32>
      %parallel_loop3A_130 = arith.constant 0 : i32
      %parallel_loop3A_131 = arith.addi %parallel_loop3A_121, %parallel_loop3A_130 : i32
      %parallel_loop3A_132 = arith.constant 128 : i32
      %parallel_loop3A_133 = arith.addi %parallel_loop3A_131, %parallel_loop3A_132 : i32
      %parallel_loop3A_134 = arith.index_cast %parallel_loop3A_133 : i32 to index
      %parallel_loop3A_135 = tpu.vector_load %arg8[%parallel_loop3A_134] {strides = array<i32>} : memref<32768xf32, #tpu.memory_space<vmem>>, vector<16xf32>,
      tpu.vector_store %arg8[%parallel_loop3A_134], %parallel_loop3A_129 {strides = array<i32>} : memref<32768xf32, #tpu.memory_space<vmem>>, vector<16xf32>,
      %parallel_loop3A_136 = arith.index_cast %parallel_loop3A_119 : i32 to index
      %parallel_loop3A_137 = arith.constant 0 : index
      %parallel_loop3A_138 = tpu.vector_load %arg6[%parallel_loop3A_136, %parallel_loop3A_137] {strides = array<i32>} : memref<64x384xf32, #tpu.memory_space<vmem>>, vector<16xf32>,
      %parallel_loop3A_139 = arith.mulf %gather3A_16, %parallel_loop3A_138 : vector<16xf32>
      %parallel_loop3A_140 = arith.constant 0 : i32
      %parallel_loop3A_141 = arith.addi %parallel_loop3A_121, %parallel_loop3A_140 : i32
      %parallel_loop3A_142 = arith.constant 256 : i32
      %parallel_loop3A_143 = arith.addi %parallel_loop3A_141, %parallel_loop3A_142 : i32
      %parallel_loop3A_144 = arith.index_cast %parallel_loop3A_143 : i32 to index
      %parallel_loop3A_145 = tpu.vector_load %arg8[%parallel_loop3A_144] {strides = array<i32>} : memref<32768xf32, #tpu.memory_space<vmem>>, vector<16xf32>,
      tpu.vector_store %arg8[%parallel_loop3A_144], %parallel_loop3A_139 {strides = array<i32>} : memref<32768xf32, #tpu.memory_space<vmem>>, vector<16xf32>,
      %parallel_loop3A_146 = arith.index_cast %parallel_loop3A_119 : i32 to index
      %parallel_loop3A_147 = arith.constant 256 : index
      %parallel_loop3A_148 = tpu.vector_load %arg6[%parallel_loop3A_146, %parallel_loop3A_147] {strides = array<i32>} : memref<64x384xf32, #tpu.memory_space<vmem>>, vector<16xf32>,
      %parallel_loop3A_149 = arith.mulf %gather3A_40, %parallel_loop3A_148 : vector<16xf32>
      %parallel_loop3A_150 = arith.constant 0 : i32
      %parallel_loop3A_151 = arith.addi %parallel_loop3A_121, %parallel_loop3A_150 : i32
      %parallel_loop3A_152 = arith.constant 384 : i32
      %parallel_loop3A_153 = arith.addi %parallel_loop3A_151, %parallel_loop3A_152 : i32
      %parallel_loop3A_154 = arith.index_cast %parallel_loop3A_153 : i32 to index
      %parallel_loop3A_155 = tpu.vector_load %arg8[%parallel_loop3A_154] {strides = array<i32>} : memref<32768xf32, #tpu.memory_space<vmem>>, vector<16xf32>,
      tpu.vector_store %arg8[%parallel_loop3A_154], %parallel_loop3A_149 {strides = array<i32>} : memref<32768xf32, #tpu.memory_space<vmem>>, vector<16xf32>,
      %parallel_loop3A_156 = arith.constant 16 : i32
      %parallel_loop3A_157 = arith.addi %parallel_loop3A_121, %parallel_loop3A_156 : i32
      %parallel_loop3A_158 = arith.index_cast %parallel_loop3A_157 : i32 to index
      %parallel_loop3A_159 = tpu.vector_load %arg8[%parallel_loop3A_158] {strides = array<i32>} : memref<32768xf32, #tpu.memory_space<vmem>>, vector<16xf32>,
      tpu.vector_store %arg8[%parallel_loop3A_158], %broadcast_in_dim3A_42 {strides = array<i32>} : memref<32768xf32, #tpu.memory_space<vmem>>, vector<16xf32>,
      %parallel_loop3A_160 = arith.index_cast %parallel_loop3A_119 : i32 to index
      %parallel_loop3A_161 = arith.constant 144 : index
      %parallel_loop3A_162 = tpu.vector_load %arg6[%parallel_loop3A_160, %parallel_loop3A_161] {strides = array<i32>} : memref<64x384xf32, #tpu.memory_space<vmem>>, vector<16xf32>,
      %parallel_loop3A_163 = arith.mulf %gather3A_28, %parallel_loop3A_162 : vector<16xf32>
      %parallel_loop3A_164 = arith.constant 16 : i32
      %parallel_loop3A_165 = arith.addi %parallel_loop3A_121, %parallel_loop3A_164 : i32
      %parallel_loop3A_166 = arith.constant 128 : i32
      %parallel_loop3A_167 = arith.addi %parallel_loop3A_165, %parallel_loop3A_166 : i32
      %parallel_loop3A_168 = arith.index_cast %parallel_loop3A_167 : i32 to index
      %parallel_loop3A_169 = tpu.vector_load %arg8[%parallel_loop3A_168] {strides = array<i32>} : memref<32768xf32, #tpu.memory_space<vmem>>, vector<16xf32>,
      tpu.vector_store %arg8[%parallel_loop3A_168], %parallel_loop3A_163 {strides = array<i32>} : memref<32768xf32, #tpu.memory_space<vmem>>, vector<16xf32>,
      %parallel_loop3A_170 = arith.index_cast %parallel_loop3A_119 : i32 to index
      %parallel_loop3A_171 = arith.constant 16 : index
      %parallel_loop3A_172 = tpu.vector_load %arg6[%parallel_loop3A_170, %parallel_loop3A_171] {strides = array<i32>} : memref<64x384xf32, #tpu.memory_space<vmem>>, vector<16xf32>,
      %parallel_loop3A_173 = arith.mulf %gather3A_16, %parallel_loop3A_172 : vector<16xf32>
      %parallel_loop3A_174 = arith.constant 16 : i32
      %parallel_loop3A_175 = arith.addi %parallel_loop3A_121, %parallel_loop3A_174 : i32
      %parallel_loop3A_176 = arith.constant 256 : i32
      %parallel_loop3A_177 = arith.addi %parallel_loop3A_175, %parallel_loop3A_176 : i32
      %parallel_loop3A_178 = arith.index_cast %parallel_loop3A_177 : i32 to index
      %parallel_loop3A_179 = tpu.vector_load %arg8[%parallel_loop3A_178] {strides = array<i32>} : memref<32768xf32, #tpu.memory_space<vmem>>, vector<16xf32>,
      tpu.vector_store %arg8[%parallel_loop3A_178], %parallel_loop3A_173 {strides = array<i32>} : memref<32768xf32, #tpu.memory_space<vmem>>, vector<16xf32>,
      %parallel_loop3A_180 = arith.index_cast %parallel_loop3A_119 : i32 to index
      %parallel_loop3A_181 = arith.constant 272 : index
      %parallel_loop3A_182 = tpu.vector_load %arg6[%parallel_loop3A_180, %parallel_loop3A_181] {strides = array<i32>} : memref<64x384xf32, #tpu.memory_space<vmem>>, vector<16xf32>,
      %parallel_loop3A_183 = arith.mulf %gather3A_40, %parallel_loop3A_182 : vector<16xf32>
      %parallel_loop3A_184 = arith.constant 16 : i32
      %parallel_loop3A_185 = arith.addi %parallel_loop3A_121, %parallel_loop3A_184 : i32
      %parallel_loop3A_186 = arith.constant 384 : i32
      %parallel_loop3A_187 = arith.addi %parallel_loop3A_185, %parallel_loop3A_186 : i32
      %parallel_loop3A_188 = arith.index_cast %parallel_loop3A_187 : i32 to index
      %parallel_loop3A_189 = tpu.vector_load %arg8[%parallel_loop3A_188] {strides = array<i32>} : memref<32768xf32, #tpu.memory_space<vmem>>, vector<16xf32>,
      tpu.vector_store %arg8[%parallel_loop3A_188], %parallel_loop3A_183 {strides = array<i32>} : memref<32768xf32, #tpu.memory_space<vmem>>, vector<16xf32>,
      %parallel_loop3A_190 = arith.constant 32 : i32
      %parallel_loop3A_191 = arith.addi %parallel_loop3A_121, %parallel_loop3A_190 : i32
      %parallel_loop3A_192 = arith.index_cast %parallel_loop3A_191 : i32 to index
      %parallel_loop3A_193 = tpu.vector_load %arg8[%parallel_loop3A_192] {strides = array<i32>} : memref<32768xf32, #tpu.memory_space<vmem>>, vector<16xf32>,
      tpu.vector_store %arg8[%parallel_loop3A_192], %broadcast_in_dim3A_42 {strides = array<i32>} : memref<32768xf32, #tpu.memory_space<vmem>>, vector<16xf32>,
      %parallel_loop3A_194 = arith.index_cast %parallel_loop3A_119 : i32 to index
      %parallel_loop3A_195 = arith.constant 160 : index
      %parallel_loop3A_196 = tpu.vector_load %arg6[%parallel_loop3A_194, %parallel_loop3A_195] {strides = array<i32>} : memref<64x384xf32, #tpu.memory_space<vmem>>, vector<16xf32>,
      %parallel_loop3A_197 = arith.mulf %gather3A_28, %parallel_loop3A_196 : vector<16xf32>
      %parallel_loop3A_198 = arith.constant 32 : i32
      %parallel_loop3A_199 = arith.addi %parallel_loop3A_121, %parallel_loop3A_198 : i32
      %parallel_loop3A_200 = arith.constant 128 : i32
      %parallel_loop3A_201 = arith.addi %parallel_loop3A_199, %parallel_loop3A_200 : i32
      %parallel_loop3A_202 = arith.index_cast %parallel_loop3A_201 : i32 to index
      %parallel_loop3A_203 = tpu.vector_load %arg8[%parallel_loop3A_202] {strides = array<i32>} : memref<32768xf32, #tpu.memory_space<vmem>>, vector<16xf32>,
      tpu.vector_store %arg8[%parallel_loop3A_202], %parallel_loop3A_197 {strides = array<i32>} : memref<32768xf32, #tpu.memory_space<vmem>>, vector<16xf32>,
      %parallel_loop3A_204 = arith.index_cast %parallel_loop3A_119 : i32 to index
      %parallel_loop3A_205 = arith.constant 32 : index
      %parallel_loop3A_206 = tpu.vector_load %arg6[%parallel_loop3A_204, %parallel_loop3A_205] {strides = array<i32>} : memref<64x384xf32, #tpu.memory_space<vmem>>, vector<16xf32>,
      %parallel_loop3A_207 = arith.mulf %gather3A_16, %parallel_loop3A_206 : vector<16xf32>
      %parallel_loop3A_208 = arith.constant 32 : i32
      %parallel_loop3A_209 = arith.addi %parallel_loop3A_121, %parallel_loop3A_208 : i32
      %parallel_loop3A_210 = arith.constant 256 : i32
      %parallel_loop3A_211 = arith.addi %parallel_loop3A_209, %parallel_loop3A_210 : i32
      %parallel_loop3A_212 = arith.index_cast %parallel_loop3A_211 : i32 to index
      %parallel_loop3A_213 = tpu.vector_load %arg8[%parallel_loop3A_212] {strides = array<i32>} : memref<32768xf32, #tpu.memory_space<vmem>>, vector<16xf32>,
      tpu.vector_store %arg8[%parallel_loop3A_212], %parallel_loop3A_207 {strides = array<i32>} : memref<32768xf32, #tpu.memory_space<vmem>>, vector<16xf32>,
      %parallel_loop3A_214 = arith.index_cast %parallel_loop3A_119 : i32 to index
      %parallel_loop3A_215 = arith.constant 288 : index
      %parallel_loop3A_216 = tpu.vector_load %arg6[%parallel_loop3A_214, %parallel_loop3A_215] {strides = array<i32>} : memref<64x384xf32, #tpu.memory_space<vmem>>, vector<16xf32>,
      %parallel_loop3A_217 = arith.mulf %gather3A_40, %parallel_loop3A_216 : vector<16xf32>
      %parallel_loop3A_218 = arith.constant 32 : i32
      %parallel_loop3A_219 = arith.addi %parallel_loop3A_121, %parallel_loop3A_218 : i32
      %parallel_loop3A_220 = arith.constant 384 : i32
      %parallel_loop3A_221 = arith.addi %parallel_loop3A_219, %parallel_loop3A_220 : i32
      %parallel_loop3A_222 = arith.index_cast %parallel_loop3A_221 : i32 to index
      %parallel_loop3A_223 = tpu.vector_load %arg8[%parallel_loop3A_222] {strides = array<i32>} : memref<32768xf32, #tpu.memory_space<vmem>>, vector<16xf32>,
      tpu.vector_store %arg8[%parallel_loop3A_222], %parallel_loop3A_217 {strides = array<i32>} : memref<32768xf32, #tpu.memory_space<vmem>>, vector<16xf32>,
      %parallel_loop3A_224 = arith.constant 48 : i32
      %parallel_loop3A_225 = arith.addi %parallel_loop3A_121, %parallel_loop3A_224 : i32
      %parallel_loop3A_226 = arith.index_cast %parallel_loop3A_225 : i32 to index
      %parallel_loop3A_227 = tpu.vector_load %arg8[%parallel_loop3A_226] {strides = array<i32>} : memref<32768xf32, #tpu.memory_space<vmem>>, vector<16xf32>,
      tpu.vector_store %arg8[%parallel_loop3A_226], %broadcast_in_dim3A_42 {strides = array<i32>} : memref<32768xf32, #tpu.memory_space<vmem>>, vector<16xf32>,
      %parallel_loop3A_228 = arith.index_cast %parallel_loop3A_119 : i32 to index
      %parallel_loop3A_229 = arith.constant 176 : index
      %parallel_loop3A_230 = tpu.vector_load %arg6[%parallel_loop3A_228, %parallel_loop3A_229] {strides = array<i32>} : memref<64x384xf32, #tpu.memory_space<vmem>>, vector<16xf32>,
      %parallel_loop3A_231 = arith.mulf %gather3A_28, %parallel_loop3A_230 : vector<16xf32>
      %parallel_loop3A_232 = arith.constant 48 : i32
      %parallel_loop3A_233 = arith.addi %parallel_loop3A_121, %parallel_loop3A_232 : i32
      %parallel_loop3A_234 = arith.constant 128 : i32
      %parallel_loop3A_235 = arith.addi %parallel_loop3A_233, %parallel_loop3A_234 : i32
      %parallel_loop3A_236 = arith.index_cast %parallel_loop3A_235 : i32 to index
      %parallel_loop3A_237 = tpu.vector_load %arg8[%parallel_loop3A_236] {strides = array<i32>} : memref<32768xf32, #tpu.memory_space<vmem>>, vector<16xf32>,
      tpu.vector_store %arg8[%parallel_loop3A_236], %parallel_loop3A_231 {strides = array<i32>} : memref<32768xf32, #tpu.memory_space<vmem>>, vector<16xf32>,
      %parallel_loop3A_238 = arith.index_cast %parallel_loop3A_119 : i32 to index
      %parallel_loop3A_239 = arith.constant 48 : index
      %parallel_loop3A_240 = tpu.vector_load %arg6[%parallel_loop3A_238, %parallel_loop3A_239] {strides = array<i32>} : memref<64x384xf32, #tpu.memory_space<vmem>>, vector<16xf32>,
      %parallel_loop3A_241 = arith.mulf %gather3A_16, %parallel_loop3A_240 : vector<16xf32>
      %parallel_loop3A_242 = arith.constant 48 : i32
      %parallel_loop3A_243 = arith.addi %parallel_loop3A_121, %parallel_loop3A_242 : i32
      %parallel_loop3A_244 = arith.constant 256 : i32
      %parallel_loop3A_245 = arith.addi %parallel_loop3A_243, %parallel_loop3A_244 : i32
      %parallel_loop3A_246 = arith.index_cast %parallel_loop3A_245 : i32 to index
      %parallel_loop3A_247 = tpu.vector_load %arg8[%parallel_loop3A_246] {strides = array<i32>} : memref<32768xf32, #tpu.memory_space<vmem>>, vector<16xf32>,
      tpu.vector_store %arg8[%parallel_loop3A_246], %parallel_loop3A_241 {strides = array<i32>} : memref<32768xf32, #tpu.memory_space<vmem>>, vector<16xf32>,
      %parallel_loop3A_248 = arith.index_cast %parallel_loop3A_119 : i32 to index
      %parallel_loop3A_249 = arith.constant 304 : index
      %parallel_loop3A_250 = tpu.vector_load %arg6[%parallel_loop3A_248, %parallel_loop3A_249] {strides = array<i32>} : memref<64x384xf32, #tpu.memory_space<vmem>>, vector<16xf32>,
      %parallel_loop3A_251 = arith.mulf %gather3A_40, %parallel_loop3A_250 : vector<16xf32>
      %parallel_loop3A_252 = arith.constant 48 : i32
      %parallel_loop3A_253 = arith.addi %parallel_loop3A_121, %parallel_loop3A_252 : i32
      %parallel_loop3A_254 = arith.constant 384 : i32
      %parallel_loop3A_255 = arith.addi %parallel_loop3A_253, %parallel_loop3A_254 : i32
      %parallel_loop3A_256 = arith.index_cast %parallel_loop3A_255 : i32 to index
      %parallel_loop3A_257 = tpu.vector_load %arg8[%parallel_loop3A_256] {strides = array<i32>} : memref<32768xf32, #tpu.memory_space<vmem>>, vector<16xf32>,
      tpu.vector_store %arg8[%parallel_loop3A_256], %parallel_loop3A_251 {strides = array<i32>} : memref<32768xf32, #tpu.memory_space<vmem>>, vector<16xf32>,
      %parallel_loop3A_258 = arith.constant 64 : i32
      %parallel_loop3A_259 = arith.addi %parallel_loop3A_121, %parallel_loop3A_258 : i32
      %parallel_loop3A_260 = arith.index_cast %parallel_loop3A_259 : i32 to index
      %parallel_loop3A_261 = tpu.vector_load %arg8[%parallel_loop3A_260] {strides = array<i32>} : memref<32768xf32, #tpu.memory_space<vmem>>, vector<16xf32>,
      tpu.vector_store %arg8[%parallel_loop3A_260], %broadcast_in_dim3A_42 {strides = array<i32>} : memref<32768xf32, #tpu.memory_space<vmem>>, vector<16xf32>,
      %parallel_loop3A_262 = arith.index_cast %parallel_loop3A_119 : i32 to index
      %parallel_loop3A_263 = arith.constant 192 : index
      %parallel_loop3A_264 = tpu.vector_load %arg6[%parallel_loop3A_262, %parallel_loop3A_263] {strides = array<i32>} : memref<64x384xf32, #tpu.memory_space<vmem>>, vector<16xf32>,
      %parallel_loop3A_265 = arith.mulf %gather3A_28, %parallel_loop3A_264 : vector<16xf32>
      %parallel_loop3A_266 = arith.constant 64 : i32
      %parallel_loop3A_267 = arith.addi %parallel_loop3A_121, %parallel_loop3A_266 : i32
      %parallel_loop3A_268 = arith.constant 128 : i32
      %parallel_loop3A_269 = arith.addi %parallel_loop3A_267, %parallel_loop3A_268 : i32
      %parallel_loop3A_270 = arith.index_cast %parallel_loop3A_269 : i32 to index
      %parallel_loop3A_271 = tpu.vector_load %arg8[%parallel_loop3A_270] {strides = array<i32>} : memref<32768xf32, #tpu.memory_space<vmem>>, vector<16xf32>,
      tpu.vector_store %arg8[%parallel_loop3A_270], %parallel_loop3A_265 {strides = array<i32>} : memref<32768xf32, #tpu.memory_space<vmem>>, vector<16xf32>,
      %parallel_loop3A_272 = arith.index_cast %parallel_loop3A_119 : i32 to index
      %parallel_loop3A_273 = arith.constant 64 : index
      %parallel_loop3A_274 = tpu.vector_load %arg6[%parallel_loop3A_272, %parallel_loop3A_273] {strides = array<i32>} : memref<64x384xf32, #tpu.memory_space<vmem>>, vector<16xf32>,
      %parallel_loop3A_275 = arith.mulf %gather3A_16, %parallel_loop3A_274 : vector<16xf32>
      %parallel_loop3A_276 = arith.constant 64 : i32
      %parallel_loop3A_277 = arith.addi %parallel_loop3A_121, %parallel_loop3A_276 : i32
      %parallel_loop3A_278 = arith.constant 256 : i32
      %parallel_loop3A_279 = arith.addi %parallel_loop3A_277, %parallel_loop3A_278 : i32
      %parallel_loop3A_280 = arith.index_cast %parallel_loop3A_279 : i32 to index
      %parallel_loop3A_281 = tpu.vector_load %arg8[%parallel_loop3A_280] {strides = array<i32>} : memref<32768xf32, #tpu.memory_space<vmem>>, vector<16xf32>,
      tpu.vector_store %arg8[%parallel_loop3A_280], %parallel_loop3A_275 {strides = array<i32>} : memref<32768xf32, #tpu.memory_space<vmem>>, vector<16xf32>,
      %parallel_loop3A_282 = arith.index_cast %parallel_loop3A_119 : i32 to index
      %parallel_loop3A_283 = arith.constant 320 : index
      %parallel_loop3A_284 = tpu.vector_load %arg6[%parallel_loop3A_282, %parallel_loop3A_283] {strides = array<i32>} : memref<64x384xf32, #tpu.memory_space<vmem>>, vector<16xf32>,
      %parallel_loop3A_285 = arith.mulf %gather3A_40, %parallel_loop3A_284 : vector<16xf32>
      %parallel_loop3A_286 = arith.constant 64 : i32
      %parallel_loop3A_287 = arith.addi %parallel_loop3A_121, %parallel_loop3A_286 : i32
      %parallel_loop3A_288 = arith.constant 384 : i32
      %parallel_loop3A_289 = arith.addi %parallel_loop3A_287, %parallel_loop3A_288 : i32
      %parallel_loop3A_290 = arith.index_cast %parallel_loop3A_289 : i32 to index
      %parallel_loop3A_291 = tpu.vector_load %arg8[%parallel_loop3A_290] {strides = array<i32>} : memref<32768xf32, #tpu.memory_space<vmem>>, vector<16xf32>,
      tpu.vector_store %arg8[%parallel_loop3A_290], %parallel_loop3A_285 {strides = array<i32>} : memref<32768xf32, #tpu.memory_space<vmem>>, vector<16xf32>,
      %parallel_loop3A_292 = arith.constant 80 : i32
      %parallel_loop3A_293 = arith.addi %parallel_loop3A_121, %parallel_loop3A_292 : i32
      %parallel_loop3A_294 = arith.index_cast %parallel_loop3A_293 : i32 to index
      %parallel_loop3A_295 = tpu.vector_load %arg8[%parallel_loop3A_294] {strides = array<i32>} : memref<32768xf32, #tpu.memory_space<vmem>>, vector<16xf32>,
      tpu.vector_store %arg8[%parallel_loop3A_294], %broadcast_in_dim3A_42 {strides = array<i32>} : memref<32768xf32, #tpu.memory_space<vmem>>, vector<16xf32>,
      %parallel_loop3A_296 = arith.index_cast %parallel_loop3A_119 : i32 to index
      %parallel_loop3A_297 = arith.constant 208 : index
      %parallel_loop3A_298 = tpu.vector_load %arg6[%parallel_loop3A_296, %parallel_loop3A_297] {strides = array<i32>} : memref<64x384xf32, #tpu.memory_space<vmem>>, vector<16xf32>,
      %parallel_loop3A_299 = arith.mulf %gather3A_28, %parallel_loop3A_298 : vector<16xf32>
      %parallel_loop3A_300 = arith.constant 80 : i32
      %parallel_loop3A_301 = arith.addi %parallel_loop3A_121, %parallel_loop3A_300 : i32
      %parallel_loop3A_302 = arith.constant 128 : i32
      %parallel_loop3A_303 = arith.addi %parallel_loop3A_301, %parallel_loop3A_302 : i32
      %parallel_loop3A_304 = arith.index_cast %parallel_loop3A_303 : i32 to index
      %parallel_loop3A_305 = tpu.vector_load %arg8[%parallel_loop3A_304] {strides = array<i32>} : memref<32768xf32, #tpu.memory_space<vmem>>, vector<16xf32>,
      tpu.vector_store %arg8[%parallel_loop3A_304], %parallel_loop3A_299 {strides = array<i32>} : memref<32768xf32, #tpu.memory_space<vmem>>, vector<16xf32>,
      %parallel_loop3A_306 = arith.index_cast %parallel_loop3A_119 : i32 to index
      %parallel_loop3A_307 = arith.constant 80 : index
      %parallel_loop3A_308 = tpu.vector_load %arg6[%parallel_loop3A_306, %parallel_loop3A_307] {strides = array<i32>} : memref<64x384xf32, #tpu.memory_space<vmem>>, vector<16xf32>,
      %parallel_loop3A_309 = arith.mulf %gather3A_16, %parallel_loop3A_308 : vector<16xf32>
      %parallel_loop3A_310 = arith.constant 80 : i32
      %parallel_loop3A_311 = arith.addi %parallel_loop3A_121, %parallel_loop3A_310 : i32
      %parallel_loop3A_312 = arith.constant 256 : i32
      %parallel_loop3A_313 = arith.addi %parallel_loop3A_311, %parallel_loop3A_312 : i32
      %parallel_loop3A_314 = arith.index_cast %parallel_loop3A_313 : i32 to index
      %parallel_loop3A_315 = tpu.vector_load %arg8[%parallel_loop3A_314] {strides = array<i32>} : memref<32768xf32, #tpu.memory_space<vmem>>, vector<16xf32>,
      tpu.vector_store %arg8[%parallel_loop3A_314], %parallel_loop3A_309 {strides = array<i32>} : memref<32768xf32, #tpu.memory_space<vmem>>, vector<16xf32>,
      %parallel_loop3A_316 = arith.index_cast %parallel_loop3A_119 : i32 to index
      %parallel_loop3A_317 = arith.constant 336 : index
      %parallel_loop3A_318 = tpu.vector_load %arg6[%parallel_loop3A_316, %parallel_loop3A_317] {strides = array<i32>} : memref<64x384xf32, #tpu.memory_space<vmem>>, vector<16xf32>,
      %parallel_loop3A_319 = arith.mulf %gather3A_40, %parallel_loop3A_318 : vector<16xf32>
      %parallel_loop3A_320 = arith.constant 80 : i32
      %parallel_loop3A_321 = arith.addi %parallel_loop3A_121, %parallel_loop3A_320 : i32
      %parallel_loop3A_322 = arith.constant 384 : i32
      %parallel_loop3A_323 = arith.addi %parallel_loop3A_321, %parallel_loop3A_322 : i32
      %parallel_loop3A_324 = arith.index_cast %parallel_loop3A_323 : i32 to index
      %parallel_loop3A_325 = tpu.vector_load %arg8[%parallel_loop3A_324] {strides = array<i32>} : memref<32768xf32, #tpu.memory_space<vmem>>, vector<16xf32>,
      tpu.vector_store %arg8[%parallel_loop3A_324], %parallel_loop3A_319 {strides = array<i32>} : memref<32768xf32, #tpu.memory_space<vmem>>, vector<16xf32>,
      %parallel_loop3A_326 = arith.constant 96 : i32
      %parallel_loop3A_327 = arith.addi %parallel_loop3A_121, %parallel_loop3A_326 : i32
      %parallel_loop3A_328 = arith.index_cast %parallel_loop3A_327 : i32 to index
      %parallel_loop3A_329 = tpu.vector_load %arg8[%parallel_loop3A_328] {strides = array<i32>} : memref<32768xf32, #tpu.memory_space<vmem>>, vector<16xf32>,
      tpu.vector_store %arg8[%parallel_loop3A_328], %broadcast_in_dim3A_42 {strides = array<i32>} : memref<32768xf32, #tpu.memory_space<vmem>>, vector<16xf32>,
      %parallel_loop3A_330 = arith.index_cast %parallel_loop3A_119 : i32 to index
      %parallel_loop3A_331 = arith.constant 224 : index
      %parallel_loop3A_332 = tpu.vector_load %arg6[%parallel_loop3A_330, %parallel_loop3A_331] {strides = array<i32>} : memref<64x384xf32, #tpu.memory_space<vmem>>, vector<16xf32>,
      %parallel_loop3A_333 = arith.mulf %gather3A_28, %parallel_loop3A_332 : vector<16xf32>
      %parallel_loop3A_334 = arith.constant 96 : i32
      %parallel_loop3A_335 = arith.addi %parallel_loop3A_121, %parallel_loop3A_334 : i32
      %parallel_loop3A_336 = arith.constant 128 : i32
      %parallel_loop3A_337 = arith.addi %parallel_loop3A_335, %parallel_loop3A_336 : i32
      %parallel_loop3A_338 = arith.index_cast %parallel_loop3A_337 : i32 to index
      %parallel_loop3A_339 = tpu.vector_load %arg8[%parallel_loop3A_338] {strides = array<i32>} : memref<32768xf32, #tpu.memory_space<vmem>>, vector<16xf32>,
      tpu.vector_store %arg8[%parallel_loop3A_338], %parallel_loop3A_333 {strides = array<i32>} : memref<32768xf32, #tpu.memory_space<vmem>>, vector<16xf32>,
      %parallel_loop3A_340 = arith.index_cast %parallel_loop3A_119 : i32 to index
      %parallel_loop3A_341 = arith.constant 96 : index
      %parallel_loop3A_342 = tpu.vector_load %arg6[%parallel_loop3A_340, %parallel_loop3A_341] {strides = array<i32>} : memref<64x384xf32, #tpu.memory_space<vmem>>, vector<16xf32>,
      %parallel_loop3A_343 = arith.mulf %gather3A_16, %parallel_loop3A_342 : vector<16xf32>
      %parallel_loop3A_344 = arith.constant 96 : i32
      %parallel_loop3A_345 = arith.addi %parallel_loop3A_121, %parallel_loop3A_344 : i32
      %parallel_loop3A_346 = arith.constant 256 : i32
      %parallel_loop3A_347 = arith.addi %parallel_loop3A_345, %parallel_loop3A_346 : i32
      %parallel_loop3A_348 = arith.index_cast %parallel_loop3A_347 : i32 to index
      %parallel_loop3A_349 = tpu.vector_load %arg8[%parallel_loop3A_348] {strides = array<i32>} : memref<32768xf32, #tpu.memory_space<vmem>>, vector<16xf32>,
      tpu.vector_store %arg8[%parallel_loop3A_348], %parallel_loop3A_343 {strides = array<i32>} : memref<32768xf32, #tpu.memory_space<vmem>>, vector<16xf32>,
      %parallel_loop3A_350 = arith.index_cast %parallel_loop3A_119 : i32 to index
      %parallel_loop3A_351 = arith.constant 352 : index
      %parallel_loop3A_352 = tpu.vector_load %arg6[%parallel_loop3A_350, %parallel_loop3A_351] {strides = array<i32>} : memref<64x384xf32, #tpu.memory_space<vmem>>, vector<16xf32>,
      %parallel_loop3A_353 = arith.mulf %gather3A_40, %parallel_loop3A_352 : vector<16xf32>
      %parallel_loop3A_354 = arith.constant 96 : i32
      %parallel_loop3A_355 = arith.addi %parallel_loop3A_121, %parallel_loop3A_354 : i32
      %parallel_loop3A_356 = arith.constant 384 : i32
      %parallel_loop3A_357 = arith.addi %parallel_loop3A_355, %parallel_loop3A_356 : i32
      %parallel_loop3A_358 = arith.index_cast %parallel_loop3A_357 : i32 to index
      %parallel_loop3A_359 = tpu.vector_load %arg8[%parallel_loop3A_358] {strides = array<i32>} : memref<32768xf32, #tpu.memory_space<vmem>>, vector<16xf32>,
      tpu.vector_store %arg8[%parallel_loop3A_358], %parallel_loop3A_353 {strides = array<i32>} : memref<32768xf32, #tpu.memory_space<vmem>>, vector<16xf32>,
      %parallel_loop3A_360 = arith.constant 112 : i32
      %parallel_loop3A_361 = arith.addi %parallel_loop3A_121, %parallel_loop3A_360 : i32
      %parallel_loop3A_362 = arith.index_cast %parallel_loop3A_361 : i32 to index
      %parallel_loop3A_363 = tpu.vector_load %arg8[%parallel_loop3A_362] {strides = array<i32>} : memref<32768xf32, #tpu.memory_space<vmem>>, vector<16xf32>,
      tpu.vector_store %arg8[%parallel_loop3A_362], %broadcast_in_dim3A_42 {strides = array<i32>} : memref<32768xf32, #tpu.memory_space<vmem>>, vector<16xf32>,
      %parallel_loop3A_364 = arith.index_cast %parallel_loop3A_119 : i32 to index
      %parallel_loop3A_365 = arith.constant 240 : index
      %parallel_loop3A_366 = tpu.vector_load %arg6[%parallel_loop3A_364, %parallel_loop3A_365] {strides = array<i32>} : memref<64x384xf32, #tpu.memory_space<vmem>>, vector<16xf32>,
      %parallel_loop3A_367 = arith.mulf %gather3A_28, %parallel_loop3A_366 : vector<16xf32>
      %parallel_loop3A_368 = arith.constant 112 : i32
      %parallel_loop3A_369 = arith.addi %parallel_loop3A_121, %parallel_loop3A_368 : i32
      %parallel_loop3A_370 = arith.constant 128 : i32
      %parallel_loop3A_371 = arith.addi %parallel_loop3A_369, %parallel_loop3A_370 : i32
      %parallel_loop3A_372 = arith.index_cast %parallel_loop3A_371 : i32 to index
      %parallel_loop3A_373 = tpu.vector_load %arg8[%parallel_loop3A_372] {strides = array<i32>} : memref<32768xf32, #tpu.memory_space<vmem>>, vector<16xf32>,
      tpu.vector_store %arg8[%parallel_loop3A_372], %parallel_loop3A_367 {strides = array<i32>} : memref<32768xf32, #tpu.memory_space<vmem>>, vector<16xf32>,
      %parallel_loop3A_374 = arith.index_cast %parallel_loop3A_119 : i32 to index
      %parallel_loop3A_375 = arith.constant 112 : index
      %parallel_loop3A_376 = tpu.vector_load %arg6[%parallel_loop3A_374, %parallel_loop3A_375] {strides = array<i32>} : memref<64x384xf32, #tpu.memory_space<vmem>>, vector<16xf32>,
      %parallel_loop3A_377 = arith.mulf %gather3A_16, %parallel_loop3A_376 : vector<16xf32>
      %parallel_loop3A_378 = arith.constant 112 : i32
      %parallel_loop3A_379 = arith.addi %parallel_loop3A_121, %parallel_loop3A_378 : i32
      %parallel_loop3A_380 = arith.constant 256 : i32
      %parallel_loop3A_381 = arith.addi %parallel_loop3A_379, %parallel_loop3A_380 : i32
      %parallel_loop3A_382 = arith.index_cast %parallel_loop3A_381 : i32 to index
      %parallel_loop3A_383 = tpu.vector_load %arg8[%parallel_loop3A_382] {strides = array<i32>} : memref<32768xf32, #tpu.memory_space<vmem>>, vector<16xf32>,
      tpu.vector_store %arg8[%parallel_loop3A_382], %parallel_loop3A_377 {strides = array<i32>} : memref<32768xf32, #tpu.memory_space<vmem>>, vector<16xf32>,
      %parallel_loop3A_384 = arith.index_cast %parallel_loop3A_119 : i32 to index
      %parallel_loop3A_385 = arith.constant 368 : index
      %parallel_loop3A_386 = tpu.vector_load %arg6[%parallel_loop3A_384, %parallel_loop3A_385] {strides = array<i32>} : memref<64x384xf32, #tpu.memory_space<vmem>>, vector<16xf32>,
      %parallel_loop3A_387 = arith.mulf %gather3A_40, %parallel_loop3A_386 : vector<16xf32>
      %parallel_loop3A_388 = arith.constant 112 : i32
      %parallel_loop3A_389 = arith.addi %parallel_loop3A_121, %parallel_loop3A_388 : i32
      %parallel_loop3A_390 = arith.constant 384 : i32
      %parallel_loop3A_391 = arith.addi %parallel_loop3A_389, %parallel_loop3A_390 : i32
      %parallel_loop3A_392 = arith.index_cast %parallel_loop3A_391 : i32 to index
      %parallel_loop3A_393 = tpu.vector_load %arg8[%parallel_loop3A_392] {strides = array<i32>} : memref<32768xf32, #tpu.memory_space<vmem>>, vector<16xf32>,
      tpu.vector_store %arg8[%parallel_loop3A_392], %parallel_loop3A_387 {strides = array<i32>} : memref<32768xf32, #tpu.memory_space<vmem>>, vector<16xf32>,
    } {sc.loop_unroll_factor = 4 : i64, sc.parallel_access}
    %add3A_73 = arith.constant 64 : i32
    %add3A_74 = arith.addi %mul3A_2, %add3A_73 : i32
    %mul3A_75 = arith.constant 512 : i32
    %mul3A_76 = arith.muli %add3A_74, %mul3A_75 : i32
    %dma_start3A_77 = tpu.memref_slice %arg4[%mul3A_76] : memref<4194304xf32, #tpu.memory_space<hbm>> -> memref<32768xf32, #tpu.memory_space<hbm>>
    %dma_start3A_78 = tpu.memref_slice %arg4[%mul3A_76] : memref<4194304xf32, #tpu.memory_space<hbm>> -> memref<32768xf32, #tpu.memory_space<hbm>>
    tpu.enqueue_dma source(%arg8 : memref<32768xf32, #tpu.memory_space<vmem>>) target(%dma_start3A_78 : memref<32768xf32, #tpu.memory_space<hbm>>) target_semaphore(%arg11 : memref<!tpu.dma_semaphore, #tpu.memory_space<semaphore_mem>>)
    %add3A_79 = arith.constant 192 : i32
    %add3A_80 = arith.addi %mul3A_2, %add3A_79 : i32
    %dma_start3A_81 = arith.constant 0 : i32
    %dma_start3A_82 = tpu.memref_slice %arg2[%add3A_80, %dma_start3A_81] : memref<8192x512xf32, #tpu.memory_space<hbm>> -> memref<64x384xf32, #tpu.memory_space<hbm>>
    %dma_start3A_83 = arith.constant 0 : i32
    %dma_start3A_84 = tpu.memref_slice %arg2[%add3A_80, %dma_start3A_83] : memref<8192x512xf32, #tpu.memory_space<hbm>> -> memref<64x384xf32, #tpu.memory_space<hbm>>
    tpu.enqueue_dma source(%dma_start3A_84 : memref<64x384xf32, #tpu.memory_space<hbm>>) target(%arg6 : memref<64x384xf32, #tpu.memory_space<vmem>>) target_semaphore(%arg10 : memref<!tpu.dma_semaphore, #tpu.memory_space<semaphore_mem>>)
    %dma_wait3A_85 = tpu.memref_slice %arg4[%mul3A_57] : memref<4194304xf32, #tpu.memory_space<hbm>> -> memref<32768xf32, #tpu.memory_space<hbm>>
    %dma_wait3A_86 = tpu.memref_slice %arg4[%mul3A_57] : memref<4194304xf32, #tpu.memory_space<hbm>> -> memref<32768xf32, #tpu.memory_space<hbm>>
    tpu.wait_dma2 semaphore(%arg11 : memref<!tpu.dma_semaphore, #tpu.memory_space<semaphore_mem>>) src(%arg7 : memref<32768xf32, #tpu.memory_space<vmem>>) dst(%dma_wait3A_86 : memref<32768xf32, #tpu.memory_space<hbm>>)
    %dma_wait3A_87 = arith.constant 0 : i32
    %dma_wait3A_88 = tpu.memref_slice %arg2[%add3A_61, %dma_wait3A_87] : memref<8192x512xf32, #tpu.memory_space<hbm>> -> memref<64x384xf32, #tpu.memory_space<hbm>>
    %dma_wait3A_89 = arith.constant 0 : i32
    %dma_wait3A_90 = tpu.memref_slice %arg2[%add3A_61, %dma_wait3A_89] : memref<8192x512xf32, #tpu.memory_space<hbm>> -> memref<64x384xf32, #tpu.memory_space<hbm>>
    tpu.wait_dma2 semaphore(%arg10 : memref<!tpu.dma_semaphore, #tpu.memory_space<semaphore_mem>>) src(%dma_wait3A_90 : memref<64x384xf32, #tpu.memory_space<hbm>>) dst(%arg5 : memref<64x384xf32, #tpu.memory_space<vmem>>)
    %parallel_loop3A_91 = arith.constant 0 : i32
    %parallel_loop3A_92 = arith.constant 64 : i32
    %parallel_loop3A_93 = arith.constant 1 : i32
    scf.for %parallel_loop3A_119 = %parallel_loop3A_91 to %parallel_loop3A_92 step %parallel_loop3A_93  : i32 {
      %parallel_loop3A_120 = arith.constant 512 : i32
      %parallel_loop3A_121 = arith.muli %parallel_loop3A_119, %parallel_loop3A_120 : i32
      %parallel_loop3A_122 = arith.constant 0 : i32
      %parallel_loop3A_123 = arith.addi %parallel_loop3A_121, %parallel_loop3A_122 : i32
      %parallel_loop3A_124 = arith.index_cast %parallel_loop3A_123 : i32 to index
      %parallel_loop3A_125 = tpu.vector_load %arg7[%parallel_loop3A_124] {strides = array<i32>} : memref<32768xf32, #tpu.memory_space<vmem>>, vector<16xf32>,
      tpu.vector_store %arg7[%parallel_loop3A_124], %broadcast_in_dim3A_42 {strides = array<i32>} : memref<32768xf32, #tpu.memory_space<vmem>>, vector<16xf32>,
      %parallel_loop3A_126 = arith.index_cast %parallel_loop3A_119 : i32 to index
      %parallel_loop3A_127 = arith.constant 128 : index
      %parallel_loop3A_128 = tpu.vector_load %arg5[%parallel_loop3A_126, %parallel_loop3A_127] {strides = array<i32>} : memref<64x384xf32, #tpu.memory_space<vmem>>, vector<16xf32>,
      %parallel_loop3A_129 = arith.mulf %gather3A_28, %parallel_loop3A_128 : vector<16xf32>
      %parallel_loop3A_130 = arith.constant 0 : i32
      %parallel_loop3A_131 = arith.addi %parallel_loop3A_121, %parallel_loop3A_130 : i32
      %parallel_loop3A_132 = arith.constant 128 : i32
      %parallel_loop3A_133 = arith.addi %parallel_loop3A_131, %parallel_loop3A_132 : i32
      %parallel_loop3A_134 = arith.index_cast %parallel_loop3A_133 : i32 to index
      %parallel_loop3A_135 = tpu.vector_load %arg7[%parallel_loop3A_134] {strides = array<i32>} : memref<32768xf32, #tpu.memory_space<vmem>>, vector<16xf32>,
      tpu.vector_store %arg7[%parallel_loop3A_134], %parallel_loop3A_129 {strides = array<i32>} : memref<32768xf32, #tpu.memory_space<vmem>>, vector<16xf32>,
      %parallel_loop3A_136 = arith.index_cast %parallel_loop3A_119 : i32 to index
      %parallel_loop3A_137 = arith.constant 0 : index
      %parallel_loop3A_138 = tpu.vector_load %arg5[%parallel_loop3A_136, %parallel_loop3A_137] {strides = array<i32>} : memref<64x384xf32, #tpu.memory_space<vmem>>, vector<16xf32>,
      %parallel_loop3A_139 = arith.mulf %gather3A_16, %parallel_loop3A_138 : vector<16xf32>
      %parallel_loop3A_140 = arith.constant 0 : i32
      %parallel_loop3A_141 = arith.addi %parallel_loop3A_121, %parallel_loop3A_140 : i32
      %parallel_loop3A_142 = arith.constant 256 : i32
      %parallel_loop3A_143 = arith.addi %parallel_loop3A_141, %parallel_loop3A_142 : i32
      %parallel_loop3A_144 = arith.index_cast %parallel_loop3A_143 : i32 to index
      %parallel_loop3A_145 = tpu.vector_load %arg7[%parallel_loop3A_144] {strides = array<i32>} : memref<32768xf32, #tpu.memory_space<vmem>>, vector<16xf32>,
      tpu.vector_store %arg7[%parallel_loop3A_144], %parallel_loop3A_139 {strides = array<i32>} : memref<32768xf32, #tpu.memory_space<vmem>>, vector<16xf32>,
      %parallel_loop3A_146 = arith.index_cast %parallel_loop3A_119 : i32 to index
      %parallel_loop3A_147 = arith.constant 256 : index
      %parallel_loop3A_148 = tpu.vector_load %arg5[%parallel_loop3A_146, %parallel_loop3A_147] {strides = array<i32>} : memref<64x384xf32, #tpu.memory_space<vmem>>, vector<16xf32>,
      %parallel_loop3A_149 = arith.mulf %gather3A_40, %parallel_loop3A_148 : vector<16xf32>
      %parallel_loop3A_150 = arith.constant 0 : i32
      %parallel_loop3A_151 = arith.addi %parallel_loop3A_121, %parallel_loop3A_150 : i32
      %parallel_loop3A_152 = arith.constant 384 : i32
      %parallel_loop3A_153 = arith.addi %parallel_loop3A_151, %parallel_loop3A_152 : i32
      %parallel_loop3A_154 = arith.index_cast %parallel_loop3A_153 : i32 to index
      %parallel_loop3A_155 = tpu.vector_load %arg7[%parallel_loop3A_154] {strides = array<i32>} : memref<32768xf32, #tpu.memory_space<vmem>>, vector<16xf32>,
      tpu.vector_store %arg7[%parallel_loop3A_154], %parallel_loop3A_149 {strides = array<i32>} : memref<32768xf32, #tpu.memory_space<vmem>>, vector<16xf32>,
      %parallel_loop3A_156 = arith.constant 16 : i32
      %parallel_loop3A_157 = arith.addi %parallel_loop3A_121, %parallel_loop3A_156 : i32
      %parallel_loop3A_158 = arith.index_cast %parallel_loop3A_157 : i32 to index
      %parallel_loop3A_159 = tpu.vector_load %arg7[%parallel_loop3A_158] {strides = array<i32>} : memref<32768xf32, #tpu.memory_space<vmem>>, vector<16xf32>,
      tpu.vector_store %arg7[%parallel_loop3A_158], %broadcast_in_dim3A_42 {strides = array<i32>} : memref<32768xf32, #tpu.memory_space<vmem>>, vector<16xf32>,
      %parallel_loop3A_160 = arith.index_cast %parallel_loop3A_119 : i32 to index
      %parallel_loop3A_161 = arith.constant 144 : index
      %parallel_loop3A_162 = tpu.vector_load %arg5[%parallel_loop3A_160, %parallel_loop3A_161] {strides = array<i32>} : memref<64x384xf32, #tpu.memory_space<vmem>>, vector<16xf32>,
      %parallel_loop3A_163 = arith.mulf %gather3A_28, %parallel_loop3A_162 : vector<16xf32>
      %parallel_loop3A_164 = arith.constant 16 : i32
      %parallel_loop3A_165 = arith.addi %parallel_loop3A_121, %parallel_loop3A_164 : i32
      %parallel_loop3A_166 = arith.constant 128 : i32
      %parallel_loop3A_167 = arith.addi %parallel_loop3A_165, %parallel_loop3A_166 : i32
      %parallel_loop3A_168 = arith.index_cast %parallel_loop3A_167 : i32 to index
      %parallel_loop3A_169 = tpu.vector_load %arg7[%parallel_loop3A_168] {strides = array<i32>} : memref<32768xf32, #tpu.memory_space<vmem>>, vector<16xf32>,
      tpu.vector_store %arg7[%parallel_loop3A_168], %parallel_loop3A_163 {strides = array<i32>} : memref<32768xf32, #tpu.memory_space<vmem>>, vector<16xf32>,
      %parallel_loop3A_170 = arith.index_cast %parallel_loop3A_119 : i32 to index
      %parallel_loop3A_171 = arith.constant 16 : index
      %parallel_loop3A_172 = tpu.vector_load %arg5[%parallel_loop3A_170, %parallel_loop3A_171] {strides = array<i32>} : memref<64x384xf32, #tpu.memory_space<vmem>>, vector<16xf32>,
      %parallel_loop3A_173 = arith.mulf %gather3A_16, %parallel_loop3A_172 : vector<16xf32>
      %parallel_loop3A_174 = arith.constant 16 : i32
      %parallel_loop3A_175 = arith.addi %parallel_loop3A_121, %parallel_loop3A_174 : i32
      %parallel_loop3A_176 = arith.constant 256 : i32
      %parallel_loop3A_177 = arith.addi %parallel_loop3A_175, %parallel_loop3A_176 : i32
      %parallel_loop3A_178 = arith.index_cast %parallel_loop3A_177 : i32 to index
      %parallel_loop3A_179 = tpu.vector_load %arg7[%parallel_loop3A_178] {strides = array<i32>} : memref<32768xf32, #tpu.memory_space<vmem>>, vector<16xf32>,
      tpu.vector_store %arg7[%parallel_loop3A_178], %parallel_loop3A_173 {strides = array<i32>} : memref<32768xf32, #tpu.memory_space<vmem>>, vector<16xf32>,
      %parallel_loop3A_180 = arith.index_cast %parallel_loop3A_119 : i32 to index
      %parallel_loop3A_181 = arith.constant 272 : index
      %parallel_loop3A_182 = tpu.vector_load %arg5[%parallel_loop3A_180, %parallel_loop3A_181] {strides = array<i32>} : memref<64x384xf32, #tpu.memory_space<vmem>>, vector<16xf32>,
      %parallel_loop3A_183 = arith.mulf %gather3A_40, %parallel_loop3A_182 : vector<16xf32>
      %parallel_loop3A_184 = arith.constant 16 : i32
      %parallel_loop3A_185 = arith.addi %parallel_loop3A_121, %parallel_loop3A_184 : i32
      %parallel_loop3A_186 = arith.constant 384 : i32
      %parallel_loop3A_187 = arith.addi %parallel_loop3A_185, %parallel_loop3A_186 : i32
      %parallel_loop3A_188 = arith.index_cast %parallel_loop3A_187 : i32 to index
      %parallel_loop3A_189 = tpu.vector_load %arg7[%parallel_loop3A_188] {strides = array<i32>} : memref<32768xf32, #tpu.memory_space<vmem>>, vector<16xf32>,
      tpu.vector_store %arg7[%parallel_loop3A_188], %parallel_loop3A_183 {strides = array<i32>} : memref<32768xf32, #tpu.memory_space<vmem>>, vector<16xf32>,
      %parallel_loop3A_190 = arith.constant 32 : i32
      %parallel_loop3A_191 = arith.addi %parallel_loop3A_121, %parallel_loop3A_190 : i32
      %parallel_loop3A_192 = arith.index_cast %parallel_loop3A_191 : i32 to index
      %parallel_loop3A_193 = tpu.vector_load %arg7[%parallel_loop3A_192] {strides = array<i32>} : memref<32768xf32, #tpu.memory_space<vmem>>, vector<16xf32>,
      tpu.vector_store %arg7[%parallel_loop3A_192], %broadcast_in_dim3A_42 {strides = array<i32>} : memref<32768xf32, #tpu.memory_space<vmem>>, vector<16xf32>,
      %parallel_loop3A_194 = arith.index_cast %parallel_loop3A_119 : i32 to index
      %parallel_loop3A_195 = arith.constant 160 : index
      %parallel_loop3A_196 = tpu.vector_load %arg5[%parallel_loop3A_194, %parallel_loop3A_195] {strides = array<i32>} : memref<64x384xf32, #tpu.memory_space<vmem>>, vector<16xf32>,
      %parallel_loop3A_197 = arith.mulf %gather3A_28, %parallel_loop3A_196 : vector<16xf32>
      %parallel_loop3A_198 = arith.constant 32 : i32
      %parallel_loop3A_199 = arith.addi %parallel_loop3A_121, %parallel_loop3A_198 : i32
      %parallel_loop3A_200 = arith.constant 128 : i32
      %parallel_loop3A_201 = arith.addi %parallel_loop3A_199, %parallel_loop3A_200 : i32
      %parallel_loop3A_202 = arith.index_cast %parallel_loop3A_201 : i32 to index
      %parallel_loop3A_203 = tpu.vector_load %arg7[%parallel_loop3A_202] {strides = array<i32>} : memref<32768xf32, #tpu.memory_space<vmem>>, vector<16xf32>,
      tpu.vector_store %arg7[%parallel_loop3A_202], %parallel_loop3A_197 {strides = array<i32>} : memref<32768xf32, #tpu.memory_space<vmem>>, vector<16xf32>,
      %parallel_loop3A_204 = arith.index_cast %parallel_loop3A_119 : i32 to index
      %parallel_loop3A_205 = arith.constant 32 : index
      %parallel_loop3A_206 = tpu.vector_load %arg5[%parallel_loop3A_204, %parallel_loop3A_205] {strides = array<i32>} : memref<64x384xf32, #tpu.memory_space<vmem>>, vector<16xf32>,
      %parallel_loop3A_207 = arith.mulf %gather3A_16, %parallel_loop3A_206 : vector<16xf32>
      %parallel_loop3A_208 = arith.constant 32 : i32
      %parallel_loop3A_209 = arith.addi %parallel_loop3A_121, %parallel_loop3A_208 : i32
      %parallel_loop3A_210 = arith.constant 256 : i32
      %parallel_loop3A_211 = arith.addi %parallel_loop3A_209, %parallel_loop3A_210 : i32
      %parallel_loop3A_212 = arith.index_cast %parallel_loop3A_211 : i32 to index
      %parallel_loop3A_213 = tpu.vector_load %arg7[%parallel_loop3A_212] {strides = array<i32>} : memref<32768xf32, #tpu.memory_space<vmem>>, vector<16xf32>,
      tpu.vector_store %arg7[%parallel_loop3A_212], %parallel_loop3A_207 {strides = array<i32>} : memref<32768xf32, #tpu.memory_space<vmem>>, vector<16xf32>,
      %parallel_loop3A_214 = arith.index_cast %parallel_loop3A_119 : i32 to index
      %parallel_loop3A_215 = arith.constant 288 : index
      %parallel_loop3A_216 = tpu.vector_load %arg5[%parallel_loop3A_214, %parallel_loop3A_215] {strides = array<i32>} : memref<64x384xf32, #tpu.memory_space<vmem>>, vector<16xf32>,
      %parallel_loop3A_217 = arith.mulf %gather3A_40, %parallel_loop3A_216 : vector<16xf32>
      %parallel_loop3A_218 = arith.constant 32 : i32
      %parallel_loop3A_219 = arith.addi %parallel_loop3A_121, %parallel_loop3A_218 : i32
      %parallel_loop3A_220 = arith.constant 384 : i32
      %parallel_loop3A_221 = arith.addi %parallel_loop3A_219, %parallel_loop3A_220 : i32
      %parallel_loop3A_222 = arith.index_cast %parallel_loop3A_221 : i32 to index
      %parallel_loop3A_223 = tpu.vector_load %arg7[%parallel_loop3A_222] {strides = array<i32>} : memref<32768xf32, #tpu.memory_space<vmem>>, vector<16xf32>,
      tpu.vector_store %arg7[%parallel_loop3A_222], %parallel_loop3A_217 {strides = array<i32>} : memref<32768xf32, #tpu.memory_space<vmem>>, vector<16xf32>,
      %parallel_loop3A_224 = arith.constant 48 : i32
      %parallel_loop3A_225 = arith.addi %parallel_loop3A_121, %parallel_loop3A_224 : i32
      %parallel_loop3A_226 = arith.index_cast %parallel_loop3A_225 : i32 to index
      %parallel_loop3A_227 = tpu.vector_load %arg7[%parallel_loop3A_226] {strides = array<i32>} : memref<32768xf32, #tpu.memory_space<vmem>>, vector<16xf32>,
      tpu.vector_store %arg7[%parallel_loop3A_226], %broadcast_in_dim3A_42 {strides = array<i32>} : memref<32768xf32, #tpu.memory_space<vmem>>, vector<16xf32>,
      %parallel_loop3A_228 = arith.index_cast %parallel_loop3A_119 : i32 to index
      %parallel_loop3A_229 = arith.constant 176 : index
      %parallel_loop3A_230 = tpu.vector_load %arg5[%parallel_loop3A_228, %parallel_loop3A_229] {strides = array<i32>} : memref<64x384xf32, #tpu.memory_space<vmem>>, vector<16xf32>,
      %parallel_loop3A_231 = arith.mulf %gather3A_28, %parallel_loop3A_230 : vector<16xf32>
      %parallel_loop3A_232 = arith.constant 48 : i32
      %parallel_loop3A_233 = arith.addi %parallel_loop3A_121, %parallel_loop3A_232 : i32
      %parallel_loop3A_234 = arith.constant 128 : i32
      %parallel_loop3A_235 = arith.addi %parallel_loop3A_233, %parallel_loop3A_234 : i32
      %parallel_loop3A_236 = arith.index_cast %parallel_loop3A_235 : i32 to index
      %parallel_loop3A_237 = tpu.vector_load %arg7[%parallel_loop3A_236] {strides = array<i32>} : memref<32768xf32, #tpu.memory_space<vmem>>, vector<16xf32>,
      tpu.vector_store %arg7[%parallel_loop3A_236], %parallel_loop3A_231 {strides = array<i32>} : memref<32768xf32, #tpu.memory_space<vmem>>, vector<16xf32>,
      %parallel_loop3A_238 = arith.index_cast %parallel_loop3A_119 : i32 to index
      %parallel_loop3A_239 = arith.constant 48 : index
      %parallel_loop3A_240 = tpu.vector_load %arg5[%parallel_loop3A_238, %parallel_loop3A_239] {strides = array<i32>} : memref<64x384xf32, #tpu.memory_space<vmem>>, vector<16xf32>,
      %parallel_loop3A_241 = arith.mulf %gather3A_16, %parallel_loop3A_240 : vector<16xf32>
      %parallel_loop3A_242 = arith.constant 48 : i32
      %parallel_loop3A_243 = arith.addi %parallel_loop3A_121, %parallel_loop3A_242 : i32
      %parallel_loop3A_244 = arith.constant 256 : i32
      %parallel_loop3A_245 = arith.addi %parallel_loop3A_243, %parallel_loop3A_244 : i32
      %parallel_loop3A_246 = arith.index_cast %parallel_loop3A_245 : i32 to index
      %parallel_loop3A_247 = tpu.vector_load %arg7[%parallel_loop3A_246] {strides = array<i32>} : memref<32768xf32, #tpu.memory_space<vmem>>, vector<16xf32>,
      tpu.vector_store %arg7[%parallel_loop3A_246], %parallel_loop3A_241 {strides = array<i32>} : memref<32768xf32, #tpu.memory_space<vmem>>, vector<16xf32>,
      %parallel_loop3A_248 = arith.index_cast %parallel_loop3A_119 : i32 to index
      %parallel_loop3A_249 = arith.constant 304 : index
      %parallel_loop3A_250 = tpu.vector_load %arg5[%parallel_loop3A_248, %parallel_loop3A_249] {strides = array<i32>} : memref<64x384xf32, #tpu.memory_space<vmem>>, vector<16xf32>,
      %parallel_loop3A_251 = arith.mulf %gather3A_40, %parallel_loop3A_250 : vector<16xf32>
      %parallel_loop3A_252 = arith.constant 48 : i32
      %parallel_loop3A_253 = arith.addi %parallel_loop3A_121, %parallel_loop3A_252 : i32
      %parallel_loop3A_254 = arith.constant 384 : i32
      %parallel_loop3A_255 = arith.addi %parallel_loop3A_253, %parallel_loop3A_254 : i32
      %parallel_loop3A_256 = arith.index_cast %parallel_loop3A_255 : i32 to index
      %parallel_loop3A_257 = tpu.vector_load %arg7[%parallel_loop3A_256] {strides = array<i32>} : memref<32768xf32, #tpu.memory_space<vmem>>, vector<16xf32>,
      tpu.vector_store %arg7[%parallel_loop3A_256], %parallel_loop3A_251 {strides = array<i32>} : memref<32768xf32, #tpu.memory_space<vmem>>, vector<16xf32>,
      %parallel_loop3A_258 = arith.constant 64 : i32
      %parallel_loop3A_259 = arith.addi %parallel_loop3A_121, %parallel_loop3A_258 : i32
      %parallel_loop3A_260 = arith.index_cast %parallel_loop3A_259 : i32 to index
      %parallel_loop3A_261 = tpu.vector_load %arg7[%parallel_loop3A_260] {strides = array<i32>} : memref<32768xf32, #tpu.memory_space<vmem>>, vector<16xf32>,
      tpu.vector_store %arg7[%parallel_loop3A_260], %broadcast_in_dim3A_42 {strides = array<i32>} : memref<32768xf32, #tpu.memory_space<vmem>>, vector<16xf32>,
      %parallel_loop3A_262 = arith.index_cast %parallel_loop3A_119 : i32 to index
      %parallel_loop3A_263 = arith.constant 192 : index
      %parallel_loop3A_264 = tpu.vector_load %arg5[%parallel_loop3A_262, %parallel_loop3A_263] {strides = array<i32>} : memref<64x384xf32, #tpu.memory_space<vmem>>, vector<16xf32>,
      %parallel_loop3A_265 = arith.mulf %gather3A_28, %parallel_loop3A_264 : vector<16xf32>
      %parallel_loop3A_266 = arith.constant 64 : i32
      %parallel_loop3A_267 = arith.addi %parallel_loop3A_121, %parallel_loop3A_266 : i32
      %parallel_loop3A_268 = arith.constant 128 : i32
      %parallel_loop3A_269 = arith.addi %parallel_loop3A_267, %parallel_loop3A_268 : i32
      %parallel_loop3A_270 = arith.index_cast %parallel_loop3A_269 : i32 to index
      %parallel_loop3A_271 = tpu.vector_load %arg7[%parallel_loop3A_270] {strides = array<i32>} : memref<32768xf32, #tpu.memory_space<vmem>>, vector<16xf32>,
      tpu.vector_store %arg7[%parallel_loop3A_270], %parallel_loop3A_265 {strides = array<i32>} : memref<32768xf32, #tpu.memory_space<vmem>>, vector<16xf32>,
      %parallel_loop3A_272 = arith.index_cast %parallel_loop3A_119 : i32 to index
      %parallel_loop3A_273 = arith.constant 64 : index
      %parallel_loop3A_274 = tpu.vector_load %arg5[%parallel_loop3A_272, %parallel_loop3A_273] {strides = array<i32>} : memref<64x384xf32, #tpu.memory_space<vmem>>, vector<16xf32>,
      %parallel_loop3A_275 = arith.mulf %gather3A_16, %parallel_loop3A_274 : vector<16xf32>
      %parallel_loop3A_276 = arith.constant 64 : i32
      %parallel_loop3A_277 = arith.addi %parallel_loop3A_121, %parallel_loop3A_276 : i32
      %parallel_loop3A_278 = arith.constant 256 : i32
      %parallel_loop3A_279 = arith.addi %parallel_loop3A_277, %parallel_loop3A_278 : i32
      %parallel_loop3A_280 = arith.index_cast %parallel_loop3A_279 : i32 to index
      %parallel_loop3A_281 = tpu.vector_load %arg7[%parallel_loop3A_280] {strides = array<i32>} : memref<32768xf32, #tpu.memory_space<vmem>>, vector<16xf32>,
      tpu.vector_store %arg7[%parallel_loop3A_280], %parallel_loop3A_275 {strides = array<i32>} : memref<32768xf32, #tpu.memory_space<vmem>>, vector<16xf32>,
      %parallel_loop3A_282 = arith.index_cast %parallel_loop3A_119 : i32 to index
      %parallel_loop3A_283 = arith.constant 320 : index
      %parallel_loop3A_284 = tpu.vector_load %arg5[%parallel_loop3A_282, %parallel_loop3A_283] {strides = array<i32>} : memref<64x384xf32, #tpu.memory_space<vmem>>, vector<16xf32>,
      %parallel_loop3A_285 = arith.mulf %gather3A_40, %parallel_loop3A_284 : vector<16xf32>
      %parallel_loop3A_286 = arith.constant 64 : i32
      %parallel_loop3A_287 = arith.addi %parallel_loop3A_121, %parallel_loop3A_286 : i32
      %parallel_loop3A_288 = arith.constant 384 : i32
      %parallel_loop3A_289 = arith.addi %parallel_loop3A_287, %parallel_loop3A_288 : i32
      %parallel_loop3A_290 = arith.index_cast %parallel_loop3A_289 : i32 to index
      %parallel_loop3A_291 = tpu.vector_load %arg7[%parallel_loop3A_290] {strides = array<i32>} : memref<32768xf32, #tpu.memory_space<vmem>>, vector<16xf32>,
      tpu.vector_store %arg7[%parallel_loop3A_290], %parallel_loop3A_285 {strides = array<i32>} : memref<32768xf32, #tpu.memory_space<vmem>>, vector<16xf32>,
      %parallel_loop3A_292 = arith.constant 80 : i32
      %parallel_loop3A_293 = arith.addi %parallel_loop3A_121, %parallel_loop3A_292 : i32
      %parallel_loop3A_294 = arith.index_cast %parallel_loop3A_293 : i32 to index
      %parallel_loop3A_295 = tpu.vector_load %arg7[%parallel_loop3A_294] {strides = array<i32>} : memref<32768xf32, #tpu.memory_space<vmem>>, vector<16xf32>,
      tpu.vector_store %arg7[%parallel_loop3A_294], %broadcast_in_dim3A_42 {strides = array<i32>} : memref<32768xf32, #tpu.memory_space<vmem>>, vector<16xf32>,
      %parallel_loop3A_296 = arith.index_cast %parallel_loop3A_119 : i32 to index
      %parallel_loop3A_297 = arith.constant 208 : index
      %parallel_loop3A_298 = tpu.vector_load %arg5[%parallel_loop3A_296, %parallel_loop3A_297] {strides = array<i32>} : memref<64x384xf32, #tpu.memory_space<vmem>>, vector<16xf32>,
      %parallel_loop3A_299 = arith.mulf %gather3A_28, %parallel_loop3A_298 : vector<16xf32>
      %parallel_loop3A_300 = arith.constant 80 : i32
      %parallel_loop3A_301 = arith.addi %parallel_loop3A_121, %parallel_loop3A_300 : i32
      %parallel_loop3A_302 = arith.constant 128 : i32
      %parallel_loop3A_303 = arith.addi %parallel_loop3A_301, %parallel_loop3A_302 : i32
      %parallel_loop3A_304 = arith.index_cast %parallel_loop3A_303 : i32 to index
      %parallel_loop3A_305 = tpu.vector_load %arg7[%parallel_loop3A_304] {strides = array<i32>} : memref<32768xf32, #tpu.memory_space<vmem>>, vector<16xf32>,
      tpu.vector_store %arg7[%parallel_loop3A_304], %parallel_loop3A_299 {strides = array<i32>} : memref<32768xf32, #tpu.memory_space<vmem>>, vector<16xf32>,
      %parallel_loop3A_306 = arith.index_cast %parallel_loop3A_119 : i32 to index
      %parallel_loop3A_307 = arith.constant 80 : index
      %parallel_loop3A_308 = tpu.vector_load %arg5[%parallel_loop3A_306, %parallel_loop3A_307] {strides = array<i32>} : memref<64x384xf32, #tpu.memory_space<vmem>>, vector<16xf32>,
      %parallel_loop3A_309 = arith.mulf %gather3A_16, %parallel_loop3A_308 : vector<16xf32>
      %parallel_loop3A_310 = arith.constant 80 : i32
      %parallel_loop3A_311 = arith.addi %parallel_loop3A_121, %parallel_loop3A_310 : i32
      %parallel_loop3A_312 = arith.constant 256 : i32
      %parallel_loop3A_313 = arith.addi %parallel_loop3A_311, %parallel_loop3A_312 : i32
      %parallel_loop3A_314 = arith.index_cast %parallel_loop3A_313 : i32 to index
      %parallel_loop3A_315 = tpu.vector_load %arg7[%parallel_loop3A_314] {strides = array<i32>} : memref<32768xf32, #tpu.memory_space<vmem>>, vector<16xf32>,
      tpu.vector_store %arg7[%parallel_loop3A_314], %parallel_loop3A_309 {strides = array<i32>} : memref<32768xf32, #tpu.memory_space<vmem>>, vector<16xf32>,
      %parallel_loop3A_316 = arith.index_cast %parallel_loop3A_119 : i32 to index
      %parallel_loop3A_317 = arith.constant 336 : index
      %parallel_loop3A_318 = tpu.vector_load %arg5[%parallel_loop3A_316, %parallel_loop3A_317] {strides = array<i32>} : memref<64x384xf32, #tpu.memory_space<vmem>>, vector<16xf32>,
      %parallel_loop3A_319 = arith.mulf %gather3A_40, %parallel_loop3A_318 : vector<16xf32>
      %parallel_loop3A_320 = arith.constant 80 : i32
      %parallel_loop3A_321 = arith.addi %parallel_loop3A_121, %parallel_loop3A_320 : i32
      %parallel_loop3A_322 = arith.constant 384 : i32
      %parallel_loop3A_323 = arith.addi %parallel_loop3A_321, %parallel_loop3A_322 : i32
      %parallel_loop3A_324 = arith.index_cast %parallel_loop3A_323 : i32 to index
      %parallel_loop3A_325 = tpu.vector_load %arg7[%parallel_loop3A_324] {strides = array<i32>} : memref<32768xf32, #tpu.memory_space<vmem>>, vector<16xf32>,
      tpu.vector_store %arg7[%parallel_loop3A_324], %parallel_loop3A_319 {strides = array<i32>} : memref<32768xf32, #tpu.memory_space<vmem>>, vector<16xf32>,
      %parallel_loop3A_326 = arith.constant 96 : i32
      %parallel_loop3A_327 = arith.addi %parallel_loop3A_121, %parallel_loop3A_326 : i32
      %parallel_loop3A_328 = arith.index_cast %parallel_loop3A_327 : i32 to index
      %parallel_loop3A_329 = tpu.vector_load %arg7[%parallel_loop3A_328] {strides = array<i32>} : memref<32768xf32, #tpu.memory_space<vmem>>, vector<16xf32>,
      tpu.vector_store %arg7[%parallel_loop3A_328], %broadcast_in_dim3A_42 {strides = array<i32>} : memref<32768xf32, #tpu.memory_space<vmem>>, vector<16xf32>,
      %parallel_loop3A_330 = arith.index_cast %parallel_loop3A_119 : i32 to index
      %parallel_loop3A_331 = arith.constant 224 : index
      %parallel_loop3A_332 = tpu.vector_load %arg5[%parallel_loop3A_330, %parallel_loop3A_331] {strides = array<i32>} : memref<64x384xf32, #tpu.memory_space<vmem>>, vector<16xf32>,
      %parallel_loop3A_333 = arith.mulf %gather3A_28, %parallel_loop3A_332 : vector<16xf32>
      %parallel_loop3A_334 = arith.constant 96 : i32
      %parallel_loop3A_335 = arith.addi %parallel_loop3A_121, %parallel_loop3A_334 : i32
      %parallel_loop3A_336 = arith.constant 128 : i32
      %parallel_loop3A_337 = arith.addi %parallel_loop3A_335, %parallel_loop3A_336 : i32
      %parallel_loop3A_338 = arith.index_cast %parallel_loop3A_337 : i32 to index
      %parallel_loop3A_339 = tpu.vector_load %arg7[%parallel_loop3A_338] {strides = array<i32>} : memref<32768xf32, #tpu.memory_space<vmem>>, vector<16xf32>,
      tpu.vector_store %arg7[%parallel_loop3A_338], %parallel_loop3A_333 {strides = array<i32>} : memref<32768xf32, #tpu.memory_space<vmem>>, vector<16xf32>,
      %parallel_loop3A_340 = arith.index_cast %parallel_loop3A_119 : i32 to index
      %parallel_loop3A_341 = arith.constant 96 : index
      %parallel_loop3A_342 = tpu.vector_load %arg5[%parallel_loop3A_340, %parallel_loop3A_341] {strides = array<i32>} : memref<64x384xf32, #tpu.memory_space<vmem>>, vector<16xf32>,
      %parallel_loop3A_343 = arith.mulf %gather3A_16, %parallel_loop3A_342 : vector<16xf32>
      %parallel_loop3A_344 = arith.constant 96 : i32
      %parallel_loop3A_345 = arith.addi %parallel_loop3A_121, %parallel_loop3A_344 : i32
      %parallel_loop3A_346 = arith.constant 256 : i32
      %parallel_loop3A_347 = arith.addi %parallel_loop3A_345, %parallel_loop3A_346 : i32
      %parallel_loop3A_348 = arith.index_cast %parallel_loop3A_347 : i32 to index
      %parallel_loop3A_349 = tpu.vector_load %arg7[%parallel_loop3A_348] {strides = array<i32>} : memref<32768xf32, #tpu.memory_space<vmem>>, vector<16xf32>,
      tpu.vector_store %arg7[%parallel_loop3A_348], %parallel_loop3A_343 {strides = array<i32>} : memref<32768xf32, #tpu.memory_space<vmem>>, vector<16xf32>,
      %parallel_loop3A_350 = arith.index_cast %parallel_loop3A_119 : i32 to index
      %parallel_loop3A_351 = arith.constant 352 : index
      %parallel_loop3A_352 = tpu.vector_load %arg5[%parallel_loop3A_350, %parallel_loop3A_351] {strides = array<i32>} : memref<64x384xf32, #tpu.memory_space<vmem>>, vector<16xf32>,
      %parallel_loop3A_353 = arith.mulf %gather3A_40, %parallel_loop3A_352 : vector<16xf32>
      %parallel_loop3A_354 = arith.constant 96 : i32
      %parallel_loop3A_355 = arith.addi %parallel_loop3A_121, %parallel_loop3A_354 : i32
      %parallel_loop3A_356 = arith.constant 384 : i32
      %parallel_loop3A_357 = arith.addi %parallel_loop3A_355, %parallel_loop3A_356 : i32
      %parallel_loop3A_358 = arith.index_cast %parallel_loop3A_357 : i32 to index
      %parallel_loop3A_359 = tpu.vector_load %arg7[%parallel_loop3A_358] {strides = array<i32>} : memref<32768xf32, #tpu.memory_space<vmem>>, vector<16xf32>,
      tpu.vector_store %arg7[%parallel_loop3A_358], %parallel_loop3A_353 {strides = array<i32>} : memref<32768xf32, #tpu.memory_space<vmem>>, vector<16xf32>,
      %parallel_loop3A_360 = arith.constant 112 : i32
      %parallel_loop3A_361 = arith.addi %parallel_loop3A_121, %parallel_loop3A_360 : i32
      %parallel_loop3A_362 = arith.index_cast %parallel_loop3A_361 : i32 to index
      %parallel_loop3A_363 = tpu.vector_load %arg7[%parallel_loop3A_362] {strides = array<i32>} : memref<32768xf32, #tpu.memory_space<vmem>>, vector<16xf32>,
      tpu.vector_store %arg7[%parallel_loop3A_362], %broadcast_in_dim3A_42 {strides = array<i32>} : memref<32768xf32, #tpu.memory_space<vmem>>, vector<16xf32>,
      %parallel_loop3A_364 = arith.index_cast %parallel_loop3A_119 : i32 to index
      %parallel_loop3A_365 = arith.constant 240 : index
      %parallel_loop3A_366 = tpu.vector_load %arg5[%parallel_loop3A_364, %parallel_loop3A_365] {strides = array<i32>} : memref<64x384xf32, #tpu.memory_space<vmem>>, vector<16xf32>,
      %parallel_loop3A_367 = arith.mulf %gather3A_28, %parallel_loop3A_366 : vector<16xf32>
      %parallel_loop3A_368 = arith.constant 112 : i32
      %parallel_loop3A_369 = arith.addi %parallel_loop3A_121, %parallel_loop3A_368 : i32
      %parallel_loop3A_370 = arith.constant 128 : i32
      %parallel_loop3A_371 = arith.addi %parallel_loop3A_369, %parallel_loop3A_370 : i32
      %parallel_loop3A_372 = arith.index_cast %parallel_loop3A_371 : i32 to index
      %parallel_loop3A_373 = tpu.vector_load %arg7[%parallel_loop3A_372] {strides = array<i32>} : memref<32768xf32, #tpu.memory_space<vmem>>, vector<16xf32>,
      tpu.vector_store %arg7[%parallel_loop3A_372], %parallel_loop3A_367 {strides = array<i32>} : memref<32768xf32, #tpu.memory_space<vmem>>, vector<16xf32>,
      %parallel_loop3A_374 = arith.index_cast %parallel_loop3A_119 : i32 to index
      %parallel_loop3A_375 = arith.constant 112 : index
      %parallel_loop3A_376 = tpu.vector_load %arg5[%parallel_loop3A_374, %parallel_loop3A_375] {strides = array<i32>} : memref<64x384xf32, #tpu.memory_space<vmem>>, vector<16xf32>,
      %parallel_loop3A_377 = arith.mulf %gather3A_16, %parallel_loop3A_376 : vector<16xf32>
      %parallel_loop3A_378 = arith.constant 112 : i32
      %parallel_loop3A_379 = arith.addi %parallel_loop3A_121, %parallel_loop3A_378 : i32
      %parallel_loop3A_380 = arith.constant 256 : i32
      %parallel_loop3A_381 = arith.addi %parallel_loop3A_379, %parallel_loop3A_380 : i32
      %parallel_loop3A_382 = arith.index_cast %parallel_loop3A_381 : i32 to index
      %parallel_loop3A_383 = tpu.vector_load %arg7[%parallel_loop3A_382] {strides = array<i32>} : memref<32768xf32, #tpu.memory_space<vmem>>, vector<16xf32>,
      tpu.vector_store %arg7[%parallel_loop3A_382], %parallel_loop3A_377 {strides = array<i32>} : memref<32768xf32, #tpu.memory_space<vmem>>, vector<16xf32>,
      %parallel_loop3A_384 = arith.index_cast %parallel_loop3A_119 : i32 to index
      %parallel_loop3A_385 = arith.constant 368 : index
      %parallel_loop3A_386 = tpu.vector_load %arg5[%parallel_loop3A_384, %parallel_loop3A_385] {strides = array<i32>} : memref<64x384xf32, #tpu.memory_space<vmem>>, vector<16xf32>,
      %parallel_loop3A_387 = arith.mulf %gather3A_40, %parallel_loop3A_386 : vector<16xf32>
      %parallel_loop3A_388 = arith.constant 112 : i32
      %parallel_loop3A_389 = arith.addi %parallel_loop3A_121, %parallel_loop3A_388 : i32
      %parallel_loop3A_390 = arith.constant 384 : i32
      %parallel_loop3A_391 = arith.addi %parallel_loop3A_389, %parallel_loop3A_390 : i32
      %parallel_loop3A_392 = arith.index_cast %parallel_loop3A_391 : i32 to index
      %parallel_loop3A_393 = tpu.vector_load %arg7[%parallel_loop3A_392] {strides = array<i32>} : memref<32768xf32, #tpu.memory_space<vmem>>, vector<16xf32>,
      tpu.vector_store %arg7[%parallel_loop3A_392], %parallel_loop3A_387 {strides = array<i32>} : memref<32768xf32, #tpu.memory_space<vmem>>, vector<16xf32>,
    } {sc.loop_unroll_factor = 4 : i64, sc.parallel_access}
    %add3A_94 = arith.constant 128 : i32
    %add3A_95 = arith.addi %mul3A_2, %add3A_94 : i32
    %mul3A_96 = arith.constant 512 : i32
    %mul3A_97 = arith.muli %add3A_95, %mul3A_96 : i32
    %dma_start3A_98 = tpu.memref_slice %arg4[%mul3A_97] : memref<4194304xf32, #tpu.memory_space<hbm>> -> memref<32768xf32, #tpu.memory_space<hbm>>
    %dma_start3A_99 = tpu.memref_slice %arg4[%mul3A_97] : memref<4194304xf32, #tpu.memory_space<hbm>> -> memref<32768xf32, #tpu.memory_space<hbm>>
    tpu.enqueue_dma source(%arg7 : memref<32768xf32, #tpu.memory_space<vmem>>) target(%dma_start3A_99 : memref<32768xf32, #tpu.memory_space<hbm>>) target_semaphore(%arg11 : memref<!tpu.dma_semaphore, #tpu.memory_space<semaphore_mem>>)
    %dma_wait3A_100 = tpu.memref_slice %arg4[%mul3A_76] : memref<4194304xf32, #tpu.memory_space<hbm>> -> memref<32768xf32, #tpu.memory_space<hbm>>
    %dma_wait3A_101 = tpu.memref_slice %arg4[%mul3A_76] : memref<4194304xf32, #tpu.memory_space<hbm>> -> memref<32768xf32, #tpu.memory_space<hbm>>
    tpu.wait_dma2 semaphore(%arg11 : memref<!tpu.dma_semaphore, #tpu.memory_space<semaphore_mem>>) src(%arg8 : memref<32768xf32, #tpu.memory_space<vmem>>) dst(%dma_wait3A_101 : memref<32768xf32, #tpu.memory_space<hbm>>)
    %dma_wait3A_102 = arith.constant 0 : i32
    %dma_wait3A_103 = tpu.memref_slice %arg2[%add3A_80, %dma_wait3A_102] : memref<8192x512xf32, #tpu.memory_space<hbm>> -> memref<64x384xf32, #tpu.memory_space<hbm>>
    %dma_wait3A_104 = arith.constant 0 : i32
    %dma_wait3A_105 = tpu.memref_slice %arg2[%add3A_80, %dma_wait3A_104] : memref<8192x512xf32, #tpu.memory_space<hbm>> -> memref<64x384xf32, #tpu.memory_space<hbm>>
    tpu.wait_dma2 semaphore(%arg10 : memref<!tpu.dma_semaphore, #tpu.memory_space<semaphore_mem>>) src(%dma_wait3A_105 : memref<64x384xf32, #tpu.memory_space<hbm>>) dst(%arg6 : memref<64x384xf32, #tpu.memory_space<vmem>>)
    %parallel_loop3A_106 = arith.constant 0 : i32
    %parallel_loop3A_107 = arith.constant 64 : i32
    %parallel_loop3A_108 = arith.constant 1 : i32
    scf.for %parallel_loop3A_119 = %parallel_loop3A_106 to %parallel_loop3A_107 step %parallel_loop3A_108  : i32 {
      %parallel_loop3A_120 = arith.constant 512 : i32
      %parallel_loop3A_121 = arith.muli %parallel_loop3A_119, %parallel_loop3A_120 : i32
      %parallel_loop3A_122 = arith.constant 0 : i32
      %parallel_loop3A_123 = arith.addi %parallel_loop3A_121, %parallel_loop3A_122 : i32
      %parallel_loop3A_124 = arith.index_cast %parallel_loop3A_123 : i32 to index
      %parallel_loop3A_125 = tpu.vector_load %arg8[%parallel_loop3A_124] {strides = array<i32>} : memref<32768xf32, #tpu.memory_space<vmem>>, vector<16xf32>,
      tpu.vector_store %arg8[%parallel_loop3A_124], %broadcast_in_dim3A_42 {strides = array<i32>} : memref<32768xf32, #tpu.memory_space<vmem>>, vector<16xf32>,
      %parallel_loop3A_126 = arith.index_cast %parallel_loop3A_119 : i32 to index
      %parallel_loop3A_127 = arith.constant 128 : index
      %parallel_loop3A_128 = tpu.vector_load %arg6[%parallel_loop3A_126, %parallel_loop3A_127] {strides = array<i32>} : memref<64x384xf32, #tpu.memory_space<vmem>>, vector<16xf32>,
      %parallel_loop3A_129 = arith.mulf %gather3A_28, %parallel_loop3A_128 : vector<16xf32>
      %parallel_loop3A_130 = arith.constant 0 : i32
      %parallel_loop3A_131 = arith.addi %parallel_loop3A_121, %parallel_loop3A_130 : i32
      %parallel_loop3A_132 = arith.constant 128 : i32
      %parallel_loop3A_133 = arith.addi %parallel_loop3A_131, %parallel_loop3A_132 : i32
      %parallel_loop3A_134 = arith.index_cast %parallel_loop3A_133 : i32 to index
      %parallel_loop3A_135 = tpu.vector_load %arg8[%parallel_loop3A_134] {strides = array<i32>} : memref<32768xf32, #tpu.memory_space<vmem>>, vector<16xf32>,
      tpu.vector_store %arg8[%parallel_loop3A_134], %parallel_loop3A_129 {strides = array<i32>} : memref<32768xf32, #tpu.memory_space<vmem>>, vector<16xf32>,
      %parallel_loop3A_136 = arith.index_cast %parallel_loop3A_119 : i32 to index
      %parallel_loop3A_137 = arith.constant 0 : index
      %parallel_loop3A_138 = tpu.vector_load %arg6[%parallel_loop3A_136, %parallel_loop3A_137] {strides = array<i32>} : memref<64x384xf32, #tpu.memory_space<vmem>>, vector<16xf32>,
      %parallel_loop3A_139 = arith.mulf %gather3A_16, %parallel_loop3A_138 : vector<16xf32>
      %parallel_loop3A_140 = arith.constant 0 : i32
      %parallel_loop3A_141 = arith.addi %parallel_loop3A_121, %parallel_loop3A_140 : i32
      %parallel_loop3A_142 = arith.constant 256 : i32
      %parallel_loop3A_143 = arith.addi %parallel_loop3A_141, %parallel_loop3A_142 : i32
      %parallel_loop3A_144 = arith.index_cast %parallel_loop3A_143 : i32 to index
      %parallel_loop3A_145 = tpu.vector_load %arg8[%parallel_loop3A_144] {strides = array<i32>} : memref<32768xf32, #tpu.memory_space<vmem>>, vector<16xf32>,
      tpu.vector_store %arg8[%parallel_loop3A_144], %parallel_loop3A_139 {strides = array<i32>} : memref<32768xf32, #tpu.memory_space<vmem>>, vector<16xf32>,
      %parallel_loop3A_146 = arith.index_cast %parallel_loop3A_119 : i32 to index
      %parallel_loop3A_147 = arith.constant 256 : index
      %parallel_loop3A_148 = tpu.vector_load %arg6[%parallel_loop3A_146, %parallel_loop3A_147] {strides = array<i32>} : memref<64x384xf32, #tpu.memory_space<vmem>>, vector<16xf32>,
      %parallel_loop3A_149 = arith.mulf %gather3A_40, %parallel_loop3A_148 : vector<16xf32>
      %parallel_loop3A_150 = arith.constant 0 : i32
      %parallel_loop3A_151 = arith.addi %parallel_loop3A_121, %parallel_loop3A_150 : i32
      %parallel_loop3A_152 = arith.constant 384 : i32
      %parallel_loop3A_153 = arith.addi %parallel_loop3A_151, %parallel_loop3A_152 : i32
      %parallel_loop3A_154 = arith.index_cast %parallel_loop3A_153 : i32 to index
      %parallel_loop3A_155 = tpu.vector_load %arg8[%parallel_loop3A_154] {strides = array<i32>} : memref<32768xf32, #tpu.memory_space<vmem>>, vector<16xf32>,
      tpu.vector_store %arg8[%parallel_loop3A_154], %parallel_loop3A_149 {strides = array<i32>} : memref<32768xf32, #tpu.memory_space<vmem>>, vector<16xf32>,
      %parallel_loop3A_156 = arith.constant 16 : i32
      %parallel_loop3A_157 = arith.addi %parallel_loop3A_121, %parallel_loop3A_156 : i32
      %parallel_loop3A_158 = arith.index_cast %parallel_loop3A_157 : i32 to index
      %parallel_loop3A_159 = tpu.vector_load %arg8[%parallel_loop3A_158] {strides = array<i32>} : memref<32768xf32, #tpu.memory_space<vmem>>, vector<16xf32>,
      tpu.vector_store %arg8[%parallel_loop3A_158], %broadcast_in_dim3A_42 {strides = array<i32>} : memref<32768xf32, #tpu.memory_space<vmem>>, vector<16xf32>,
      %parallel_loop3A_160 = arith.index_cast %parallel_loop3A_119 : i32 to index
      %parallel_loop3A_161 = arith.constant 144 : index
      %parallel_loop3A_162 = tpu.vector_load %arg6[%parallel_loop3A_160, %parallel_loop3A_161] {strides = array<i32>} : memref<64x384xf32, #tpu.memory_space<vmem>>, vector<16xf32>,
      %parallel_loop3A_163 = arith.mulf %gather3A_28, %parallel_loop3A_162 : vector<16xf32>
      %parallel_loop3A_164 = arith.constant 16 : i32
      %parallel_loop3A_165 = arith.addi %parallel_loop3A_121, %parallel_loop3A_164 : i32
      %parallel_loop3A_166 = arith.constant 128 : i32
      %parallel_loop3A_167 = arith.addi %parallel_loop3A_165, %parallel_loop3A_166 : i32
      %parallel_loop3A_168 = arith.index_cast %parallel_loop3A_167 : i32 to index
      %parallel_loop3A_169 = tpu.vector_load %arg8[%parallel_loop3A_168] {strides = array<i32>} : memref<32768xf32, #tpu.memory_space<vmem>>, vector<16xf32>,
      tpu.vector_store %arg8[%parallel_loop3A_168], %parallel_loop3A_163 {strides = array<i32>} : memref<32768xf32, #tpu.memory_space<vmem>>, vector<16xf32>,
      %parallel_loop3A_170 = arith.index_cast %parallel_loop3A_119 : i32 to index
      %parallel_loop3A_171 = arith.constant 16 : index
      %parallel_loop3A_172 = tpu.vector_load %arg6[%parallel_loop3A_170, %parallel_loop3A_171] {strides = array<i32>} : memref<64x384xf32, #tpu.memory_space<vmem>>, vector<16xf32>,
      %parallel_loop3A_173 = arith.mulf %gather3A_16, %parallel_loop3A_172 : vector<16xf32>
      %parallel_loop3A_174 = arith.constant 16 : i32
      %parallel_loop3A_175 = arith.addi %parallel_loop3A_121, %parallel_loop3A_174 : i32
      %parallel_loop3A_176 = arith.constant 256 : i32
      %parallel_loop3A_177 = arith.addi %parallel_loop3A_175, %parallel_loop3A_176 : i32
      %parallel_loop3A_178 = arith.index_cast %parallel_loop3A_177 : i32 to index
      %parallel_loop3A_179 = tpu.vector_load %arg8[%parallel_loop3A_178] {strides = array<i32>} : memref<32768xf32, #tpu.memory_space<vmem>>, vector<16xf32>,
      tpu.vector_store %arg8[%parallel_loop3A_178], %parallel_loop3A_173 {strides = array<i32>} : memref<32768xf32, #tpu.memory_space<vmem>>, vector<16xf32>,
      %parallel_loop3A_180 = arith.index_cast %parallel_loop3A_119 : i32 to index
      %parallel_loop3A_181 = arith.constant 272 : index
      %parallel_loop3A_182 = tpu.vector_load %arg6[%parallel_loop3A_180, %parallel_loop3A_181] {strides = array<i32>} : memref<64x384xf32, #tpu.memory_space<vmem>>, vector<16xf32>,
      %parallel_loop3A_183 = arith.mulf %gather3A_40, %parallel_loop3A_182 : vector<16xf32>
      %parallel_loop3A_184 = arith.constant 16 : i32
      %parallel_loop3A_185 = arith.addi %parallel_loop3A_121, %parallel_loop3A_184 : i32
      %parallel_loop3A_186 = arith.constant 384 : i32
      %parallel_loop3A_187 = arith.addi %parallel_loop3A_185, %parallel_loop3A_186 : i32
      %parallel_loop3A_188 = arith.index_cast %parallel_loop3A_187 : i32 to index
      %parallel_loop3A_189 = tpu.vector_load %arg8[%parallel_loop3A_188] {strides = array<i32>} : memref<32768xf32, #tpu.memory_space<vmem>>, vector<16xf32>,
      tpu.vector_store %arg8[%parallel_loop3A_188], %parallel_loop3A_183 {strides = array<i32>} : memref<32768xf32, #tpu.memory_space<vmem>>, vector<16xf32>,
      %parallel_loop3A_190 = arith.constant 32 : i32
      %parallel_loop3A_191 = arith.addi %parallel_loop3A_121, %parallel_loop3A_190 : i32
      %parallel_loop3A_192 = arith.index_cast %parallel_loop3A_191 : i32 to index
      %parallel_loop3A_193 = tpu.vector_load %arg8[%parallel_loop3A_192] {strides = array<i32>} : memref<32768xf32, #tpu.memory_space<vmem>>, vector<16xf32>,
      tpu.vector_store %arg8[%parallel_loop3A_192], %broadcast_in_dim3A_42 {strides = array<i32>} : memref<32768xf32, #tpu.memory_space<vmem>>, vector<16xf32>,
      %parallel_loop3A_194 = arith.index_cast %parallel_loop3A_119 : i32 to index
      %parallel_loop3A_195 = arith.constant 160 : index
      %parallel_loop3A_196 = tpu.vector_load %arg6[%parallel_loop3A_194, %parallel_loop3A_195] {strides = array<i32>} : memref<64x384xf32, #tpu.memory_space<vmem>>, vector<16xf32>,
      %parallel_loop3A_197 = arith.mulf %gather3A_28, %parallel_loop3A_196 : vector<16xf32>
      %parallel_loop3A_198 = arith.constant 32 : i32
      %parallel_loop3A_199 = arith.addi %parallel_loop3A_121, %parallel_loop3A_198 : i32
      %parallel_loop3A_200 = arith.constant 128 : i32
      %parallel_loop3A_201 = arith.addi %parallel_loop3A_199, %parallel_loop3A_200 : i32
      %parallel_loop3A_202 = arith.index_cast %parallel_loop3A_201 : i32 to index
      %parallel_loop3A_203 = tpu.vector_load %arg8[%parallel_loop3A_202] {strides = array<i32>} : memref<32768xf32, #tpu.memory_space<vmem>>, vector<16xf32>,
      tpu.vector_store %arg8[%parallel_loop3A_202], %parallel_loop3A_197 {strides = array<i32>} : memref<32768xf32, #tpu.memory_space<vmem>>, vector<16xf32>,
      %parallel_loop3A_204 = arith.index_cast %parallel_loop3A_119 : i32 to index
      %parallel_loop3A_205 = arith.constant 32 : index
      %parallel_loop3A_206 = tpu.vector_load %arg6[%parallel_loop3A_204, %parallel_loop3A_205] {strides = array<i32>} : memref<64x384xf32, #tpu.memory_space<vmem>>, vector<16xf32>,
      %parallel_loop3A_207 = arith.mulf %gather3A_16, %parallel_loop3A_206 : vector<16xf32>
      %parallel_loop3A_208 = arith.constant 32 : i32
      %parallel_loop3A_209 = arith.addi %parallel_loop3A_121, %parallel_loop3A_208 : i32
      %parallel_loop3A_210 = arith.constant 256 : i32
      %parallel_loop3A_211 = arith.addi %parallel_loop3A_209, %parallel_loop3A_210 : i32
      %parallel_loop3A_212 = arith.index_cast %parallel_loop3A_211 : i32 to index
      %parallel_loop3A_213 = tpu.vector_load %arg8[%parallel_loop3A_212] {strides = array<i32>} : memref<32768xf32, #tpu.memory_space<vmem>>, vector<16xf32>,
      tpu.vector_store %arg8[%parallel_loop3A_212], %parallel_loop3A_207 {strides = array<i32>} : memref<32768xf32, #tpu.memory_space<vmem>>, vector<16xf32>,
      %parallel_loop3A_214 = arith.index_cast %parallel_loop3A_119 : i32 to index
      %parallel_loop3A_215 = arith.constant 288 : index
      %parallel_loop3A_216 = tpu.vector_load %arg6[%parallel_loop3A_214, %parallel_loop3A_215] {strides = array<i32>} : memref<64x384xf32, #tpu.memory_space<vmem>>, vector<16xf32>,
      %parallel_loop3A_217 = arith.mulf %gather3A_40, %parallel_loop3A_216 : vector<16xf32>
      %parallel_loop3A_218 = arith.constant 32 : i32
      %parallel_loop3A_219 = arith.addi %parallel_loop3A_121, %parallel_loop3A_218 : i32
      %parallel_loop3A_220 = arith.constant 384 : i32
      %parallel_loop3A_221 = arith.addi %parallel_loop3A_219, %parallel_loop3A_220 : i32
      %parallel_loop3A_222 = arith.index_cast %parallel_loop3A_221 : i32 to index
      %parallel_loop3A_223 = tpu.vector_load %arg8[%parallel_loop3A_222] {strides = array<i32>} : memref<32768xf32, #tpu.memory_space<vmem>>, vector<16xf32>,
      tpu.vector_store %arg8[%parallel_loop3A_222], %parallel_loop3A_217 {strides = array<i32>} : memref<32768xf32, #tpu.memory_space<vmem>>, vector<16xf32>,
      %parallel_loop3A_224 = arith.constant 48 : i32
      %parallel_loop3A_225 = arith.addi %parallel_loop3A_121, %parallel_loop3A_224 : i32
      %parallel_loop3A_226 = arith.index_cast %parallel_loop3A_225 : i32 to index
      %parallel_loop3A_227 = tpu.vector_load %arg8[%parallel_loop3A_226] {strides = array<i32>} : memref<32768xf32, #tpu.memory_space<vmem>>, vector<16xf32>,
      tpu.vector_store %arg8[%parallel_loop3A_226], %broadcast_in_dim3A_42 {strides = array<i32>} : memref<32768xf32, #tpu.memory_space<vmem>>, vector<16xf32>,
      %parallel_loop3A_228 = arith.index_cast %parallel_loop3A_119 : i32 to index
      %parallel_loop3A_229 = arith.constant 176 : index
      %parallel_loop3A_230 = tpu.vector_load %arg6[%parallel_loop3A_228, %parallel_loop3A_229] {strides = array<i32>} : memref<64x384xf32, #tpu.memory_space<vmem>>, vector<16xf32>,
      %parallel_loop3A_231 = arith.mulf %gather3A_28, %parallel_loop3A_230 : vector<16xf32>
      %parallel_loop3A_232 = arith.constant 48 : i32
      %parallel_loop3A_233 = arith.addi %parallel_loop3A_121, %parallel_loop3A_232 : i32
      %parallel_loop3A_234 = arith.constant 128 : i32
      %parallel_loop3A_235 = arith.addi %parallel_loop3A_233, %parallel_loop3A_234 : i32
      %parallel_loop3A_236 = arith.index_cast %parallel_loop3A_235 : i32 to index
      %parallel_loop3A_237 = tpu.vector_load %arg8[%parallel_loop3A_236] {strides = array<i32>} : memref<32768xf32, #tpu.memory_space<vmem>>, vector<16xf32>,
      tpu.vector_store %arg8[%parallel_loop3A_236], %parallel_loop3A_231 {strides = array<i32>} : memref<32768xf32, #tpu.memory_space<vmem>>, vector<16xf32>,
      %parallel_loop3A_238 = arith.index_cast %parallel_loop3A_119 : i32 to index
      %parallel_loop3A_239 = arith.constant 48 : index
      %parallel_loop3A_240 = tpu.vector_load %arg6[%parallel_loop3A_238, %parallel_loop3A_239] {strides = array<i32>} : memref<64x384xf32, #tpu.memory_space<vmem>>, vector<16xf32>,
      %parallel_loop3A_241 = arith.mulf %gather3A_16, %parallel_loop3A_240 : vector<16xf32>
      %parallel_loop3A_242 = arith.constant 48 : i32
      %parallel_loop3A_243 = arith.addi %parallel_loop3A_121, %parallel_loop3A_242 : i32
      %parallel_loop3A_244 = arith.constant 256 : i32
      %parallel_loop3A_245 = arith.addi %parallel_loop3A_243, %parallel_loop3A_244 : i32
      %parallel_loop3A_246 = arith.index_cast %parallel_loop3A_245 : i32 to index
      %parallel_loop3A_247 = tpu.vector_load %arg8[%parallel_loop3A_246] {strides = array<i32>} : memref<32768xf32, #tpu.memory_space<vmem>>, vector<16xf32>,
      tpu.vector_store %arg8[%parallel_loop3A_246], %parallel_loop3A_241 {strides = array<i32>} : memref<32768xf32, #tpu.memory_space<vmem>>, vector<16xf32>,
      %parallel_loop3A_248 = arith.index_cast %parallel_loop3A_119 : i32 to index
      %parallel_loop3A_249 = arith.constant 304 : index
      %parallel_loop3A_250 = tpu.vector_load %arg6[%parallel_loop3A_248, %parallel_loop3A_249] {strides = array<i32>} : memref<64x384xf32, #tpu.memory_space<vmem>>, vector<16xf32>,
      %parallel_loop3A_251 = arith.mulf %gather3A_40, %parallel_loop3A_250 : vector<16xf32>
      %parallel_loop3A_252 = arith.constant 48 : i32
      %parallel_loop3A_253 = arith.addi %parallel_loop3A_121, %parallel_loop3A_252 : i32
      %parallel_loop3A_254 = arith.constant 384 : i32
      %parallel_loop3A_255 = arith.addi %parallel_loop3A_253, %parallel_loop3A_254 : i32
      %parallel_loop3A_256 = arith.index_cast %parallel_loop3A_255 : i32 to index
      %parallel_loop3A_257 = tpu.vector_load %arg8[%parallel_loop3A_256] {strides = array<i32>} : memref<32768xf32, #tpu.memory_space<vmem>>, vector<16xf32>,
      tpu.vector_store %arg8[%parallel_loop3A_256], %parallel_loop3A_251 {strides = array<i32>} : memref<32768xf32, #tpu.memory_space<vmem>>, vector<16xf32>,
      %parallel_loop3A_258 = arith.constant 64 : i32
      %parallel_loop3A_259 = arith.addi %parallel_loop3A_121, %parallel_loop3A_258 : i32
      %parallel_loop3A_260 = arith.index_cast %parallel_loop3A_259 : i32 to index
      %parallel_loop3A_261 = tpu.vector_load %arg8[%parallel_loop3A_260] {strides = array<i32>} : memref<32768xf32, #tpu.memory_space<vmem>>, vector<16xf32>,
      tpu.vector_store %arg8[%parallel_loop3A_260], %broadcast_in_dim3A_42 {strides = array<i32>} : memref<32768xf32, #tpu.memory_space<vmem>>, vector<16xf32>,
      %parallel_loop3A_262 = arith.index_cast %parallel_loop3A_119 : i32 to index
      %parallel_loop3A_263 = arith.constant 192 : index
      %parallel_loop3A_264 = tpu.vector_load %arg6[%parallel_loop3A_262, %parallel_loop3A_263] {strides = array<i32>} : memref<64x384xf32, #tpu.memory_space<vmem>>, vector<16xf32>,
      %parallel_loop3A_265 = arith.mulf %gather3A_28, %parallel_loop3A_264 : vector<16xf32>
      %parallel_loop3A_266 = arith.constant 64 : i32
      %parallel_loop3A_267 = arith.addi %parallel_loop3A_121, %parallel_loop3A_266 : i32
      %parallel_loop3A_268 = arith.constant 128 : i32
      %parallel_loop3A_269 = arith.addi %parallel_loop3A_267, %parallel_loop3A_268 : i32
      %parallel_loop3A_270 = arith.index_cast %parallel_loop3A_269 : i32 to index
      %parallel_loop3A_271 = tpu.vector_load %arg8[%parallel_loop3A_270] {strides = array<i32>} : memref<32768xf32, #tpu.memory_space<vmem>>, vector<16xf32>,
      tpu.vector_store %arg8[%parallel_loop3A_270], %parallel_loop3A_265 {strides = array<i32>} : memref<32768xf32, #tpu.memory_space<vmem>>, vector<16xf32>,
      %parallel_loop3A_272 = arith.index_cast %parallel_loop3A_119 : i32 to index
      %parallel_loop3A_273 = arith.constant 64 : index
      %parallel_loop3A_274 = tpu.vector_load %arg6[%parallel_loop3A_272, %parallel_loop3A_273] {strides = array<i32>} : memref<64x384xf32, #tpu.memory_space<vmem>>, vector<16xf32>,
      %parallel_loop3A_275 = arith.mulf %gather3A_16, %parallel_loop3A_274 : vector<16xf32>
      %parallel_loop3A_276 = arith.constant 64 : i32
      %parallel_loop3A_277 = arith.addi %parallel_loop3A_121, %parallel_loop3A_276 : i32
      %parallel_loop3A_278 = arith.constant 256 : i32
      %parallel_loop3A_279 = arith.addi %parallel_loop3A_277, %parallel_loop3A_278 : i32
      %parallel_loop3A_280 = arith.index_cast %parallel_loop3A_279 : i32 to index
      %parallel_loop3A_281 = tpu.vector_load %arg8[%parallel_loop3A_280] {strides = array<i32>} : memref<32768xf32, #tpu.memory_space<vmem>>, vector<16xf32>,
      tpu.vector_store %arg8[%parallel_loop3A_280], %parallel_loop3A_275 {strides = array<i32>} : memref<32768xf32, #tpu.memory_space<vmem>>, vector<16xf32>,
      %parallel_loop3A_282 = arith.index_cast %parallel_loop3A_119 : i32 to index
      %parallel_loop3A_283 = arith.constant 320 : index
      %parallel_loop3A_284 = tpu.vector_load %arg6[%parallel_loop3A_282, %parallel_loop3A_283] {strides = array<i32>} : memref<64x384xf32, #tpu.memory_space<vmem>>, vector<16xf32>,
      %parallel_loop3A_285 = arith.mulf %gather3A_40, %parallel_loop3A_284 : vector<16xf32>
      %parallel_loop3A_286 = arith.constant 64 : i32
      %parallel_loop3A_287 = arith.addi %parallel_loop3A_121, %parallel_loop3A_286 : i32
      %parallel_loop3A_288 = arith.constant 384 : i32
      %parallel_loop3A_289 = arith.addi %parallel_loop3A_287, %parallel_loop3A_288 : i32
      %parallel_loop3A_290 = arith.index_cast %parallel_loop3A_289 : i32 to index
      %parallel_loop3A_291 = tpu.vector_load %arg8[%parallel_loop3A_290] {strides = array<i32>} : memref<32768xf32, #tpu.memory_space<vmem>>, vector<16xf32>,
      tpu.vector_store %arg8[%parallel_loop3A_290], %parallel_loop3A_285 {strides = array<i32>} : memref<32768xf32, #tpu.memory_space<vmem>>, vector<16xf32>,
      %parallel_loop3A_292 = arith.constant 80 : i32
      %parallel_loop3A_293 = arith.addi %parallel_loop3A_121, %parallel_loop3A_292 : i32
      %parallel_loop3A_294 = arith.index_cast %parallel_loop3A_293 : i32 to index
      %parallel_loop3A_295 = tpu.vector_load %arg8[%parallel_loop3A_294] {strides = array<i32>} : memref<32768xf32, #tpu.memory_space<vmem>>, vector<16xf32>,
      tpu.vector_store %arg8[%parallel_loop3A_294], %broadcast_in_dim3A_42 {strides = array<i32>} : memref<32768xf32, #tpu.memory_space<vmem>>, vector<16xf32>,
      %parallel_loop3A_296 = arith.index_cast %parallel_loop3A_119 : i32 to index
      %parallel_loop3A_297 = arith.constant 208 : index
      %parallel_loop3A_298 = tpu.vector_load %arg6[%parallel_loop3A_296, %parallel_loop3A_297] {strides = array<i32>} : memref<64x384xf32, #tpu.memory_space<vmem>>, vector<16xf32>,
      %parallel_loop3A_299 = arith.mulf %gather3A_28, %parallel_loop3A_298 : vector<16xf32>
      %parallel_loop3A_300 = arith.constant 80 : i32
      %parallel_loop3A_301 = arith.addi %parallel_loop3A_121, %parallel_loop3A_300 : i32
      %parallel_loop3A_302 = arith.constant 128 : i32
      %parallel_loop3A_303 = arith.addi %parallel_loop3A_301, %parallel_loop3A_302 : i32
      %parallel_loop3A_304 = arith.index_cast %parallel_loop3A_303 : i32 to index
      %parallel_loop3A_305 = tpu.vector_load %arg8[%parallel_loop3A_304] {strides = array<i32>} : memref<32768xf32, #tpu.memory_space<vmem>>, vector<16xf32>,
      tpu.vector_store %arg8[%parallel_loop3A_304], %parallel_loop3A_299 {strides = array<i32>} : memref<32768xf32, #tpu.memory_space<vmem>>, vector<16xf32>,
      %parallel_loop3A_306 = arith.index_cast %parallel_loop3A_119 : i32 to index
      %parallel_loop3A_307 = arith.constant 80 : index
      %parallel_loop3A_308 = tpu.vector_load %arg6[%parallel_loop3A_306, %parallel_loop3A_307] {strides = array<i32>} : memref<64x384xf32, #tpu.memory_space<vmem>>, vector<16xf32>,
      %parallel_loop3A_309 = arith.mulf %gather3A_16, %parallel_loop3A_308 : vector<16xf32>
      %parallel_loop3A_310 = arith.constant 80 : i32
      %parallel_loop3A_311 = arith.addi %parallel_loop3A_121, %parallel_loop3A_310 : i32
      %parallel_loop3A_312 = arith.constant 256 : i32
      %parallel_loop3A_313 = arith.addi %parallel_loop3A_311, %parallel_loop3A_312 : i32
      %parallel_loop3A_314 = arith.index_cast %parallel_loop3A_313 : i32 to index
      %parallel_loop3A_315 = tpu.vector_load %arg8[%parallel_loop3A_314] {strides = array<i32>} : memref<32768xf32, #tpu.memory_space<vmem>>, vector<16xf32>,
      tpu.vector_store %arg8[%parallel_loop3A_314], %parallel_loop3A_309 {strides = array<i32>} : memref<32768xf32, #tpu.memory_space<vmem>>, vector<16xf32>,
      %parallel_loop3A_316 = arith.index_cast %parallel_loop3A_119 : i32 to index
      %parallel_loop3A_317 = arith.constant 336 : index
      %parallel_loop3A_318 = tpu.vector_load %arg6[%parallel_loop3A_316, %parallel_loop3A_317] {strides = array<i32>} : memref<64x384xf32, #tpu.memory_space<vmem>>, vector<16xf32>,
      %parallel_loop3A_319 = arith.mulf %gather3A_40, %parallel_loop3A_318 : vector<16xf32>
      %parallel_loop3A_320 = arith.constant 80 : i32
      %parallel_loop3A_321 = arith.addi %parallel_loop3A_121, %parallel_loop3A_320 : i32
      %parallel_loop3A_322 = arith.constant 384 : i32
      %parallel_loop3A_323 = arith.addi %parallel_loop3A_321, %parallel_loop3A_322 : i32
      %parallel_loop3A_324 = arith.index_cast %parallel_loop3A_323 : i32 to index
      %parallel_loop3A_325 = tpu.vector_load %arg8[%parallel_loop3A_324] {strides = array<i32>} : memref<32768xf32, #tpu.memory_space<vmem>>, vector<16xf32>,
      tpu.vector_store %arg8[%parallel_loop3A_324], %parallel_loop3A_319 {strides = array<i32>} : memref<32768xf32, #tpu.memory_space<vmem>>, vector<16xf32>,
      %parallel_loop3A_326 = arith.constant 96 : i32
      %parallel_loop3A_327 = arith.addi %parallel_loop3A_121, %parallel_loop3A_326 : i32
      %parallel_loop3A_328 = arith.index_cast %parallel_loop3A_327 : i32 to index
      %parallel_loop3A_329 = tpu.vector_load %arg8[%parallel_loop3A_328] {strides = array<i32>} : memref<32768xf32, #tpu.memory_space<vmem>>, vector<16xf32>,
      tpu.vector_store %arg8[%parallel_loop3A_328], %broadcast_in_dim3A_42 {strides = array<i32>} : memref<32768xf32, #tpu.memory_space<vmem>>, vector<16xf32>,
      %parallel_loop3A_330 = arith.index_cast %parallel_loop3A_119 : i32 to index
      %parallel_loop3A_331 = arith.constant 224 : index
      %parallel_loop3A_332 = tpu.vector_load %arg6[%parallel_loop3A_330, %parallel_loop3A_331] {strides = array<i32>} : memref<64x384xf32, #tpu.memory_space<vmem>>, vector<16xf32>,
      %parallel_loop3A_333 = arith.mulf %gather3A_28, %parallel_loop3A_332 : vector<16xf32>
      %parallel_loop3A_334 = arith.constant 96 : i32
      %parallel_loop3A_335 = arith.addi %parallel_loop3A_121, %parallel_loop3A_334 : i32
      %parallel_loop3A_336 = arith.constant 128 : i32
      %parallel_loop3A_337 = arith.addi %parallel_loop3A_335, %parallel_loop3A_336 : i32
      %parallel_loop3A_338 = arith.index_cast %parallel_loop3A_337 : i32 to index
      %parallel_loop3A_339 = tpu.vector_load %arg8[%parallel_loop3A_338] {strides = array<i32>} : memref<32768xf32, #tpu.memory_space<vmem>>, vector<16xf32>,
      tpu.vector_store %arg8[%parallel_loop3A_338], %parallel_loop3A_333 {strides = array<i32>} : memref<32768xf32, #tpu.memory_space<vmem>>, vector<16xf32>,
      %parallel_loop3A_340 = arith.index_cast %parallel_loop3A_119 : i32 to index
      %parallel_loop3A_341 = arith.constant 96 : index
      %parallel_loop3A_342 = tpu.vector_load %arg6[%parallel_loop3A_340, %parallel_loop3A_341] {strides = array<i32>} : memref<64x384xf32, #tpu.memory_space<vmem>>, vector<16xf32>,
      %parallel_loop3A_343 = arith.mulf %gather3A_16, %parallel_loop3A_342 : vector<16xf32>
      %parallel_loop3A_344 = arith.constant 96 : i32
      %parallel_loop3A_345 = arith.addi %parallel_loop3A_121, %parallel_loop3A_344 : i32
      %parallel_loop3A_346 = arith.constant 256 : i32
      %parallel_loop3A_347 = arith.addi %parallel_loop3A_345, %parallel_loop3A_346 : i32
      %parallel_loop3A_348 = arith.index_cast %parallel_loop3A_347 : i32 to index
      %parallel_loop3A_349 = tpu.vector_load %arg8[%parallel_loop3A_348] {strides = array<i32>} : memref<32768xf32, #tpu.memory_space<vmem>>, vector<16xf32>,
      tpu.vector_store %arg8[%parallel_loop3A_348], %parallel_loop3A_343 {strides = array<i32>} : memref<32768xf32, #tpu.memory_space<vmem>>, vector<16xf32>,
      %parallel_loop3A_350 = arith.index_cast %parallel_loop3A_119 : i32 to index
      %parallel_loop3A_351 = arith.constant 352 : index
      %parallel_loop3A_352 = tpu.vector_load %arg6[%parallel_loop3A_350, %parallel_loop3A_351] {strides = array<i32>} : memref<64x384xf32, #tpu.memory_space<vmem>>, vector<16xf32>,
      %parallel_loop3A_353 = arith.mulf %gather3A_40, %parallel_loop3A_352 : vector<16xf32>
      %parallel_loop3A_354 = arith.constant 96 : i32
      %parallel_loop3A_355 = arith.addi %parallel_loop3A_121, %parallel_loop3A_354 : i32
      %parallel_loop3A_356 = arith.constant 384 : i32
      %parallel_loop3A_357 = arith.addi %parallel_loop3A_355, %parallel_loop3A_356 : i32
      %parallel_loop3A_358 = arith.index_cast %parallel_loop3A_357 : i32 to index
      %parallel_loop3A_359 = tpu.vector_load %arg8[%parallel_loop3A_358] {strides = array<i32>} : memref<32768xf32, #tpu.memory_space<vmem>>, vector<16xf32>,
      tpu.vector_store %arg8[%parallel_loop3A_358], %parallel_loop3A_353 {strides = array<i32>} : memref<32768xf32, #tpu.memory_space<vmem>>, vector<16xf32>,
      %parallel_loop3A_360 = arith.constant 112 : i32
      %parallel_loop3A_361 = arith.addi %parallel_loop3A_121, %parallel_loop3A_360 : i32
      %parallel_loop3A_362 = arith.index_cast %parallel_loop3A_361 : i32 to index
      %parallel_loop3A_363 = tpu.vector_load %arg8[%parallel_loop3A_362] {strides = array<i32>} : memref<32768xf32, #tpu.memory_space<vmem>>, vector<16xf32>,
      tpu.vector_store %arg8[%parallel_loop3A_362], %broadcast_in_dim3A_42 {strides = array<i32>} : memref<32768xf32, #tpu.memory_space<vmem>>, vector<16xf32>,
      %parallel_loop3A_364 = arith.index_cast %parallel_loop3A_119 : i32 to index
      %parallel_loop3A_365 = arith.constant 240 : index
      %parallel_loop3A_366 = tpu.vector_load %arg6[%parallel_loop3A_364, %parallel_loop3A_365] {strides = array<i32>} : memref<64x384xf32, #tpu.memory_space<vmem>>, vector<16xf32>,
      %parallel_loop3A_367 = arith.mulf %gather3A_28, %parallel_loop3A_366 : vector<16xf32>
      %parallel_loop3A_368 = arith.constant 112 : i32
      %parallel_loop3A_369 = arith.addi %parallel_loop3A_121, %parallel_loop3A_368 : i32
      %parallel_loop3A_370 = arith.constant 128 : i32
      %parallel_loop3A_371 = arith.addi %parallel_loop3A_369, %parallel_loop3A_370 : i32
      %parallel_loop3A_372 = arith.index_cast %parallel_loop3A_371 : i32 to index
      %parallel_loop3A_373 = tpu.vector_load %arg8[%parallel_loop3A_372] {strides = array<i32>} : memref<32768xf32, #tpu.memory_space<vmem>>, vector<16xf32>,
      tpu.vector_store %arg8[%parallel_loop3A_372], %parallel_loop3A_367 {strides = array<i32>} : memref<32768xf32, #tpu.memory_space<vmem>>, vector<16xf32>,
      %parallel_loop3A_374 = arith.index_cast %parallel_loop3A_119 : i32 to index
      %parallel_loop3A_375 = arith.constant 112 : index
      %parallel_loop3A_376 = tpu.vector_load %arg6[%parallel_loop3A_374, %parallel_loop3A_375] {strides = array<i32>} : memref<64x384xf32, #tpu.memory_space<vmem>>, vector<16xf32>,
      %parallel_loop3A_377 = arith.mulf %gather3A_16, %parallel_loop3A_376 : vector<16xf32>
      %parallel_loop3A_378 = arith.constant 112 : i32
      %parallel_loop3A_379 = arith.addi %parallel_loop3A_121, %parallel_loop3A_378 : i32
      %parallel_loop3A_380 = arith.constant 256 : i32
      %parallel_loop3A_381 = arith.addi %parallel_loop3A_379, %parallel_loop3A_380 : i32
      %parallel_loop3A_382 = arith.index_cast %parallel_loop3A_381 : i32 to index
      %parallel_loop3A_383 = tpu.vector_load %arg8[%parallel_loop3A_382] {strides = array<i32>} : memref<32768xf32, #tpu.memory_space<vmem>>, vector<16xf32>,
      tpu.vector_store %arg8[%parallel_loop3A_382], %parallel_loop3A_377 {strides = array<i32>} : memref<32768xf32, #tpu.memory_space<vmem>>, vector<16xf32>,
      %parallel_loop3A_384 = arith.index_cast %parallel_loop3A_119 : i32 to index
      %parallel_loop3A_385 = arith.constant 368 : index
      %parallel_loop3A_386 = tpu.vector_load %arg6[%parallel_loop3A_384, %parallel_loop3A_385] {strides = array<i32>} : memref<64x384xf32, #tpu.memory_space<vmem>>, vector<16xf32>,
      %parallel_loop3A_387 = arith.mulf %gather3A_40, %parallel_loop3A_386 : vector<16xf32>
      %parallel_loop3A_388 = arith.constant 112 : i32
      %parallel_loop3A_389 = arith.addi %parallel_loop3A_121, %parallel_loop3A_388 : i32
      %parallel_loop3A_390 = arith.constant 384 : i32
      %parallel_loop3A_391 = arith.addi %parallel_loop3A_389, %parallel_loop3A_390 : i32
      %parallel_loop3A_392 = arith.index_cast %parallel_loop3A_391 : i32 to index
      %parallel_loop3A_393 = tpu.vector_load %arg8[%parallel_loop3A_392] {strides = array<i32>} : memref<32768xf32, #tpu.memory_space<vmem>>, vector<16xf32>,
      tpu.vector_store %arg8[%parallel_loop3A_392], %parallel_loop3A_387 {strides = array<i32>} : memref<32768xf32, #tpu.memory_space<vmem>>, vector<16xf32>,
    } {sc.loop_unroll_factor = 4 : i64, sc.parallel_access}
    %add3A_109 = arith.constant 192 : i32
    %add3A_110 = arith.addi %mul3A_2, %add3A_109 : i32
    %mul3A_111 = arith.constant 512 : i32
    %mul3A_112 = arith.muli %add3A_110, %mul3A_111 : i32
    %dma_start3A_113 = tpu.memref_slice %arg4[%mul3A_112] : memref<4194304xf32, #tpu.memory_space<hbm>> -> memref<32768xf32, #tpu.memory_space<hbm>>
    %dma_start3A_114 = tpu.memref_slice %arg4[%mul3A_112] : memref<4194304xf32, #tpu.memory_space<hbm>> -> memref<32768xf32, #tpu.memory_space<hbm>>
    tpu.enqueue_dma source(%arg8 : memref<32768xf32, #tpu.memory_space<vmem>>) target(%dma_start3A_114 : memref<32768xf32, #tpu.memory_space<hbm>>) target_semaphore(%arg11 : memref<!tpu.dma_semaphore, #tpu.memory_space<semaphore_mem>>)
    %dma_wait3A_115 = tpu.memref_slice %arg4[%mul3A_97] : memref<4194304xf32, #tpu.memory_space<hbm>> -> memref<32768xf32, #tpu.memory_space<hbm>>
    %dma_wait3A_116 = tpu.memref_slice %arg4[%mul3A_97] : memref<4194304xf32, #tpu.memory_space<hbm>> -> memref<32768xf32, #tpu.memory_space<hbm>>
    tpu.wait_dma2 semaphore(%arg11 : memref<!tpu.dma_semaphore, #tpu.memory_space<semaphore_mem>>) src(%arg7 : memref<32768xf32, #tpu.memory_space<vmem>>) dst(%dma_wait3A_116 : memref<32768xf32, #tpu.memory_space<hbm>>)
    %dma_wait3A_117 = tpu.memref_slice %arg4[%mul3A_112] : memref<4194304xf32, #tpu.memory_space<hbm>> -> memref<32768xf32, #tpu.memory_space<hbm>>
    %dma_wait3A_118 = tpu.memref_slice %arg4[%mul3A_112] : memref<4194304xf32, #tpu.memory_space<hbm>> -> memref<32768xf32, #tpu.memory_space<hbm>>
    tpu.wait_dma2 semaphore(%arg11 : memref<!tpu.dma_semaphore, #tpu.memory_space<semaphore_mem>>) src(%arg8 : memref<32768xf32, #tpu.memory_space<vmem>>) dst(%dma_wait3A_118 : memref<32768xf32, #tpu.memory_space<hbm>>)
    return
  }
}

</mosaic_0001>

<sc_bundles>
// kernel: _sc_spmm.3.cloned.1.call-start
scs
__scs_entry_jumppad:
0x0: {  	(pc) =	sbr.rel $0x88, $3  }
0x1: {  	(tag) =	ssettag $0x0;
	lr =	simm.s32 $0x1  }
0x2: {  	[smem:$0x3F9F] =	sst lr;
	_ =	strace $0xD0000000  }
0x3: {  	_ = 	snop  }
0x4: {  	_ = 	snop  }
0x5: {  	_ = 	snop  }
0x6: {  	_ = 	snop  }
0x7: {  	_ = 	snop  }
__scs_overlays_trampoline_lowered:
0x8: {  	[smem:$0x3FAE] =	sst s0  }
0x9: {  	[smem:$0x3FAF] =	sst s1  }
0xa: {  	[smem:$0x3FB0] =	sst s2  }
0xb: {  	[smem:$0x3FB1] =	sst s3  }
0xc: {  	[smem:$0x3FB2] =	sst s4  }
0xd: {  	[smem:$0x3FB3] =	sst s5  }
0xe: {  	[smem:$0x3FB4] =	sst s6  }
0xf: {  	[smem:$0x3FB5] =	sst s7  }
0x10: {  	[smem:$0x3FB6] =	sst s8  }
0x11: {  	[smem:$0x3FB7] =	sst s9;
	s0 =	simm.s32 @!p0 $0x0  }
0x12: {  	s1 =	sld [smem:$0x3F9D];
	s0 =	simm.s32 @p0 $0x1  }
0x13: {  	[smem:$0x3FB8] =	sst s0;
	s0 =	simm.s32 @!p1 $0x0  }
0x14: {  	s2 =	sld [smem:$0x3F9C];
	s0 =	simm.s32 @p1 $0x1  }
0x15: {  	[smem:$0x3FB9] =	sst s0;
	s0 =	simm.s32 @!p2 $0x0  }
0x16: {  	s3 =	sld [smem:$0x3FDB];
	s0 =	simm.s32 @p2 $0x1  }
0x17: {  	s4 =	simm.s32 $0x1BF5;
	[smem:$0x3FBB] =	sst s0  }
0x18: {  	s0 =	sld [smem:$0x3F9E];
	_ =	swait.ge [sflag:s4], $0x0  }
0x19: {  	s7 =	sld [smem:$0x3F9F]  }
0x1a: {  	s8 =	sadd.s32 $0xFFFFE003, lr  }
0x1b: {  	s9 =	sadd.s32 $0xFFFFFEF7, lr;
	s5 =	simm.s32 $0xFFFFFFFF;
	p2 =	slt.u32 s8, $0xFFFFF086  }
0x1c: {  	p1 =	slt.u32 s9, $0xF7A;
	s5 =	simm.s32 @!p2 $0x0  }
0x1d: {  	s5 =	simm.s32 @p1 $0x1;
	p0 =	seq.s32 s7, s2  }
0x1e: {  	s7 =	smul.u32 @!p0 $0xF7A, s2;
	p2 =	seq.s32 @!p0 s5, $0x0  }
0x1f: {  	s9 =	smul.u32 $0xF7A, s1;
	s8 =	simm.s32 @!p0 $0x1BF5;
	p2 =	por !p2, p0  }
0x20: {  	[sflag:s8] =	ssyncset.s32 @!p0 $0xFFFFF086;
	s6 =	sadd.s32 @!p0 s3, s7;
	s7 =	simm.s32 @!p0 $0x108  }
0x21: {  	s3 =	sadd.s32 s3, s9;
	s6 =	sadd.s32 @!p0 $0x88, s6;
	s7 =	simm.s32 @p2 $0x1082  }
0x22: {  	[simem:s7], [sflag:s8] =	dma.local @!p0 [hbm:s6], $0xF7A  }
0x23: {  	s9 =	sor.u32 $0xD0000000, s2;
	s6 =	simm.s32 $0x108;
	_ =	swait.ge @!p0 [sflag:s8], $0x0  }
0x24: {  	s3 =	sadd.s32 $0x88, s3;
	s6 =	simm.s32 @!p1 $0x1082;
	[sflag:s4] =	ssyncset.s32 $0xFFFFF086  }
0x25: {  	[simem:s6], [sflag:s4] =	dma.local [hbm:s3], $0xF7A  }
0x26: {  	[smem:$0x3F9F] =	sst s1;
	(tag) =	ssettag s2;
	_ =	strace s9  }
0x27: {  	s1 =	sld [smem:$0x3FAF]  }
0x28: {  	s2 =	sld [smem:$0x3FB0]  }
0x29: {  	s4 =	sld [smem:$0x3FB2]  }
0x2a: {  	p0 =	seq.s32 s5, $0x0;
	s5 =	sld [smem:$0x3FB3]  }
0x2b: {  	s6 =	sld [smem:$0x3FB4]  }
0x2c: {  	s7 =	sld [smem:$0x3FB5]  }
0x2d: {  	s3 =	simm.s32 $0x108;
	s8 =	sld [smem:$0x3FB6]  }
0x2e: {  	s3 =	simm.s32 @!p0 $0x1082;
	s9 =	sld [smem:$0x3FB7]  }
0x2f: {  	lr =	sadd.s32 s0, s3;
	s0 =	sld [smem:$0x3FAE]  }
0x30: {  	s3 =	sld [smem:$0x3FB1]  }
0x31: {  	[smem:$0x3FBA] =	sst s10  }
0x32: {  	s10 =	sld [smem:$0x3FB8];
	_ =	sdelay $0x3  }
0x33: {  	p0 =	seq.s32 s10, $0x1;
	s10 =	sld [smem:$0x3FBA];
	_ =	sdelay $0x3  }
0x34: {  	[smem:$0x3FBA] =	sst s10  }
0x35: {  	s10 =	sld [smem:$0x3FB9];
	_ =	sdelay $0x3  }
0x36: {  	p1 =	seq.s32 s10, $0x1;
	s10 =	sld [smem:$0x3FBA];
	_ =	sdelay $0x3  }
0x37: {  	[smem:$0x3FBA] =	sst s10  }
0x38: {  	s10 =	sld [smem:$0x3FBB]  }
0x39: {  	_ = 	snop;
	(pc) =	sbr.ind lr, $3  }
0x3a: {  	_ = 	snop  }
0x3b: {  	_ = 	snop  }
0x3c: {  	p2 =	seq.s32 s10, $0x1;
	s10 =	sld [smem:$0x3FBA]  }
0x3d: {  	_ =	shalt  }
0x3e: {  	_ =	shalt  }
0x3f: {  	_ =	shalt  }
0x40: {  	_ =	shalt  }
0x41: {  	_ =	shalt  }
0x42: {  	_ =	shalt  }
0x43: {  	_ =	shalt  }
0x44: {  	_ =	shalt  }
0x45: {  	_ =	shalt  }
0x46: {  	_ =	shalt  }
0x47: {  	_ =	shalt  }
0x48: {  	_ =	shalt  }
0x49: {  	_ =	shalt  }
0x4a: {  	_ =	shalt  }
0x4b: {  	_ =	shalt  }
0x4c: {  	_ =	shalt  }
0x4d: {  	_ =	shalt  }
0x4e: {  	_ =	shalt  }
0x4f: {  	_ =	shalt  }
0x50: {  	_ =	shalt  }
0x51: {  	_ =	shalt  }
0x52: {  	_ =	shalt  }
0x53: {  	_ =	shalt  }
0x54: {  	_ =	shalt  }
0x55: {  	_ =	shalt  }
0x56: {  	_ =	shalt  }
0x57: {  	_ =	shalt  }
0x58: {  	_ =	shalt  }
0x59: {  	_ =	shalt  }
0x5a: {  	_ =	shalt  }
0x5b: {  	_ =	shalt  }
0x5c: {  	_ =	shalt  }
0x5d: {  	_ =	shalt  }
0x5e: {  	_ =	shalt  }
0x5f: {  	_ =	shalt  }
0x60: {  	_ =	shalt  }
0x61: {  	_ =	shalt  }
0x62: {  	_ =	shalt  }
0x63: {  	_ =	shalt  }
0x64: {  	_ =	shalt  }
0x65: {  	_ =	shalt  }
0x66: {  	_ =	shalt  }
0x67: {  	_ =	shalt  }
0x68: {  	_ =	shalt  }
0x69: {  	_ =	shalt  }
0x6a: {  	_ =	shalt  }
0x6b: {  	_ =	shalt  }
0x6c: {  	_ =	shalt  }
0x6d: {  	_ =	shalt  }
0x6e: {  	_ =	shalt  }
0x6f: {  	_ =	shalt  }
0x70: {  	_ =	shalt  }
0x71: {  	_ =	shalt  }
0x72: {  	_ =	shalt  }
0x73: {  	_ =	shalt  }
0x74: {  	_ =	shalt  }
0x75: {  	_ =	shalt  }
0x76: {  	_ =	shalt  }
0x77: {  	_ =	shalt  }
0x78: {  	_ =	shalt  }
0x79: {  	_ =	shalt  }
0x7a: {  	_ =	shalt  }
0x7b: {  	_ =	shalt  }
0x7c: {  	_ =	shalt  }
0x7d: {  	_ =	shalt  }
0x7e: {  	_ =	shalt  }
0x7f: {  	_ =	shalt  }
0x80: {  	_ =	shalt  }
0x81: {  	_ =	shalt  }
0x82: {  	_ =	shalt  }
0x83: {  	_ =	shalt  }
0x84: {  	_ =	shalt  }
0x85: {  	_ =	shalt  }
0x86: {  	_ =	shalt  }
0x87: {  	_ =	shalt  }
.Lfunc_end0:
.L_simem_size_0:
called_computation_lowered:
.L_overlay_start_0:
0x88: {  	s2 =	sld [smem:$0x3FD9]  }
0x89: {  	s3 =	sld [smem:$0x3FFE];
	_ =	sdelay $0x1  }
0x8a: {  	s1 =	srdreg.scid  }
0x8b: {  	s0 =	sand.u32 $0x1, s1  }
0x8c: {  	s17 =	sshll.u32 s0, $0xA;
	s2 =	sadd.s32 s3, s2  }
0x8d: {  	s2 =	sadd.s32 s2, s17  }
0x8e: {  	[smem:$0x3FC6] =	sst s2  }
0x8f: {  	_ = 	snop  }
0x90: {  	s2 =	sld [smem:$0x3FC8]  }
0x91: {  	s18 =	sld [smem:$0x3FD0];
	(tm) =	ssettm $0x1  }
0x92: {  	s4 =	sld [smem:$0x3FFB];
	_ =	sdelay $0x3  }
0x93: {  	_ =	strace s4  }
0x94: {  	s4 =	sld [smem:$0x3FFC];
	_ =	sdelay $0x3  }
0x95: {  	_ =	strace s4  }
0x96: {  	s4 =	sld [smem:$0x3FFD];
	_ =	sdelay $0x3  }
0x97: {  	_ =	strace s4  }
0x98: {  	_ =	strace $0x8FFFFFFF  }
0x99: {  	s19 =	sld [smem:$0x3FDB];
	_ =	sdelay $0x1  }
0x9a: {  	s5 =	simm.s32 $_scs_section_size  }
0x9b: {  	s6 =	simm.s32 $_size__tile_overlayer_lowered;
	s7 =	simm.s32 $_tile_overlayer_lowered  }
0x9c: {  	s22 =	simm.s32 $0x1BFF;
	s21 =	sshll.u32 s7, $0x1;
	s4 =	sadd.s32 s5, s19  }
0x9d: {  	s8 =	simm.s32 $0x0;
	s20 =	sshll.u32 s6, $0x1;
	s6 =	sadd.s32 s21, s4  }
0x9e: {  	[timem:s8], [sflag:s22] =	dma.local [hbm:s6], s20  }
0x9f: {  	_ =	swait.ge [sflag:s22], s20  }
0xa0: {  	s5 =	ssub.s32 $0x0, s20;
	[sflag:s22] =	ssyncset.done $0x0  }
0xa1: {  	[sflag:s22] =	ssyncadd.s32 s5;
	_ =	sdelay $0x1  }
0xa2: {  	s23 =	simm.s32 $0x1B8B  }
0xa3: {  	_ =	swait.ge [sflag:s23], $0x1  }
0xa4: {  	[sflag:s23] =	ssyncset.done $0x0  }
0xa5: {  	s25 =	simm.s32 $0x1B8E;
	s24 =	sld [smem:$0x3FFE];
	[sflag:s23] =	ssyncadd.s32 $0xFFFFFFFF  }
0xa6: {  	s26 =	simm.s32 $execute0_lowered;
	[smem:$0x3FD2] =	sst s25  }
0xa7: {  	s6 =	sshll.u32 s26, $0x1;
	_ =	strace $0x80000046;
	[dreg:$0x1] =	wrdreg $0xFFFFFFFF  }
0xa8: {  	s28 =	simm.s32 $_size_execute0_lowered;
	s4 =	sadd.s32 s4, s6;
	[dreg:$0x0] =	wrdreg $0x0  }
0xa9: {  	s6 =	sshll.u32 s28, $0x1;
	[dreg:$0x2] =	wrdreg s4  }
0xaa: {  	[dreg:$0x3] =	wrdreg s6  }
0xab: {  	[dreg:$0x4] =	wrdreg $0xC0  }
0xac: {  	_ =	task [dreg:s8], $0x5FFFF  }
0xad: {  	[dreg:$0x1] =	wrdreg $0xFFFFFFFF  }
0xae: {  	[dreg:$0x0] =	wrdreg $0x60  }
0xaf: {  	[dreg:$0x2] =	wrdreg s24  }
0xb0: {  	[dreg:$0x3] =	wrdreg s2  }
0xb1: {  	[dreg:$0x4] =	wrdreg s18  }
0xb2: {  	[dreg:$0x5] =	wrdreg $0x9  }
0xb3: {  	_ =	task.clear_ibuf [dreg:s8], $0x6FFFF;
	_ =	strace $0x90000046  }
0xb4: {  	s29 =	simm.s32 $0x9;
	_ =	strace $0x80000048  }
0xb5: {  	_ =	swait.ge [sflag:s29], $0x1  }
0xb6: {  	[sflag:s29] =	ssyncadd.s32 $0xFFFFFFFF  }
0xb7: {  	_ =	strace $0x90000048  }
0xb8: {  	_ =	sfence  }
0xb9: {  	s30 =	sld [smem:$0x0];
	_ =	sdelay $0x2  }
0xba: {  	s31 =	sshll.u32 s1, $0xD;
	s1 =	sshrl.u32 s1, $0x2  }
0xbb: {  	s3 =	sand.u32 $0x4000, s31;
	s1 =	sadd.s32 s1, s30  }
0xbc: {  	s0 =	sor.u32 s3, s0;
	s1 =	sshll.u32 s1, $0x11  }
0xbd: {  	s0 =	sor.u32 s1, s0  }
0xbe: {  	s0 =	sadd.s32 $0x8F2B, s0  }
0xbf: {  	[sflag:s0] =	ssyncadd.remote.s32 $0x1  }
0xc0: {  	_ =	sfence.sel $0xFFFF  }
0xc1: {  	[dreg:$0x0] =	wrdreg $0xFFFFFFFF;
	(pc) =	sbr.abs _section_cstart, $3  }
0xc2: {  	[dreg:$0x1] =	wrdreg $0xFFFFFFFF  }
0xc3: {  	_ =	task.clear_ibuf [dreg:s8], $0x2FFFF;
	_ =	strace $0x9FFFFFFF  }
0xc4: {  	(tm) =	ssettm $0x7FFFFFFF  }
0xc5: {  	_ =	shalt  }
tec
execute0_lowered:
.L_overlay_start_1:
0x0: {  	(tag) =	ssettag $0x1  }
0x1: {  	s0 =	rddreg [dreg:$0x0]  }
0x2: {  	s1 =	rddreg [dreg:$0x2]  }
0x3: {  	s3 =	simm.s32 $0x0;
	s2 =	srdreg.scid;
	s5 =	stileid.u32  }
0x4: {  	s13 =	simm.s32 $0x180;
	s14 =	simm.s32 $0x200;
	s16 =	simm.s32 $0x3  }
0x5: {  	s8 =	simm.s32 $0x6000;
	s18 =	simm.s32 $0x1;
	s9 =	simm.s32 $0xC000  }
0x6: {  	s21 =	simm.s32 $0x2;
	s22 =	simm.s32 $0x0;
	s2 =	sand.u32 $0x1, s2  }
0x7: {  	s5 =	sshll.u32 s5, $0xF;
	s4 =	ssub.s32 $0x2, s2;
	s2 =	sshll.u32 s2, $0xE  }
0x8: {  	[smem:$0x7FF] =	sst s3;
	s0 =	sadd.s32 $0x400, s0;
	s2 =	sor.u32 s2, s5  }
0x9: {  	_ =	strace $0x80000047;
	s6 =	sshrl.u32 s4, $0x1;
	s28 =	sadd.s32 s0, s2  }
0xa: {  	s5 =	sor.u32 $0x1000, s2;
	s30 =	sadd.s32 s1, s2;
	[dreg:$0x4] =	wrdreg s28  }
0xb: {  	s10 =	sor.u32 $0x2000, s2;
	s29 =	sadd.s32 s0, s5;
	[dreg:$0x6] =	wrdreg s30  }
0xc: {  	s4 =	ssub.s32 s4, s6;
	s31 =	sadd.s32 s0, s10;
	[dreg:$0x5] =	wrdreg s29  }
0xd: {  	s2 =	sor.u32 $0x3000, s2;
	s5 =	sadd.s32 s1, s5;
	[dreg:$0x7] =	wrdreg s31  }
0xe: {  	v0 =	vimm.s32 $0x0;
	s0 =	sadd.s32 s0, s2;
	s10 =	sadd.s32 s1, s10;
	[dreg:$0x8] =	wrdreg s5  }
0xf: {  	v1 =	vimm.s32 $0x1;
	v2 =	vimm.s32 $0x2;
	v3 =	vimm.f32 $0.0e+00;
	s11 =	sadd.s32 s1, s2;
	s12 =	smax.u32 s4, $0x1;
	[dreg:$0x9] =	wrdreg s0  }
.LBB2_1:
0x10: {  	s0 =	rddreg [dreg:$0x4]  }
0x11: {  	[tilespmem:s3], [sflag:$0x1] =	stream.strided.gather [hbm4b:s0+s13], $0x6000, s14, s13, $0x38;
	[tilespmem:$0x1C010] =	vst v63  }
0x12: {  	s2 =	rddreg [dreg:$0x1];
	s1 =	simm.s32 $0x1C000  }
0x13: {  	[tilespmem:s1], [sflag:$0x3] =	stream.linear.gather [hbm4b:s2+s3], $0x10, $0x38;
	[tilespmem:$0x1C010] =	vst v63  }
0x14: {  	_ =	swait.ge [sflag:s16], $0x10  }
0x15: {  	[sflag:s16] =	ssyncset.done $0x0  }
0x16: {  	s4 =	rddreg [dreg:$0x5];
	[sflag:s16] =	ssyncadd.s32 $0xFFFFFFF0  }
0x17: {  	v6 =	vld [tilespmem:$0x1C000];
	[tilespmem:s8], [sflag:$0x1] =	stream.strided.gather [hbm4b:s4+s13], $0x6000, s14, s13, $0x38  }
0x18: {  	s5 =	sor.u32 $0x2, s3;
	_ =	swait.ge [sflag:s18], $0x6000  }
0x19: {  	s6 =	sshll.u32 s5, $0x9;
	s0 =	smul.u32 $0x600, s5;
	[sflag:s18] =	ssyncset.done $0x0  }
0x1a: {  	s23 =	sand.u32 $0x3FFFFE00, s6;
	[sflag:s18] =	ssyncadd.s32 $0xFFFFA000  }
0x1b: {  	s25 =	sshra.s32 s0, $0x2;
	[tilespmem:s23+$0xC000] =	vst v3  }
0x1c: {  	v5 =	vld [tilespmem:s25+$0x80];
	_ =	sdelay $0x2  }
0x1d: {  	v4 =	vperm.xlane v6, v1;
	_ =	sdelay $0x1  }
0x1e: {  	v5 =	vmul.f32 v5, v4;
	_ =	sdelay $0x1  }
0x1f: {  	[tilespmem:s23+$0xC080] =	vst v5  }
0x20: {  	s7 =	simm.s32 $0x0;
	s15 =	smul.u32 $0x600, s3;
	s17 =	sor.u32 $0x1, s3;
	v7 =	vld [tilespmem:s25+$0x0]  }
0x21: {  	s24 =	sand.u32 $0x3FFFFE00, s7;
	s19 =	sshll.u32 s17, $0x9  }
0x22: {  	s26 =	sshra.s32 s15, $0x2;
	s0 =	smul.u32 $0x600, s17;
	s2 =	sor.u32 $0x3, s3;
	[tilespmem:s24+$0xC000] =	vst v3  }
0x23: {  	s28 =	sand.u32 $0x3FFFFE00, s19;
	s20 =	smul.u32 $0x600, s2;
	s2 =	sshll.u32 s2, $0x9;
	v8 =	vld [tilespmem:s26+$0x80];
	v5 =	vperm.xlane v6, v0  }
0x24: {  	s30 =	sshra.s32 s0, $0x2;
	s29 =	sand.u32 $0x3FFFFE00, s2;
	[tilespmem:s28+$0xC000] =	vst v3  }
0x25: {  	s31 =	sshra.s32 s20, $0x2;
	[tilespmem:s29+$0xC000] =	vst v3;
	v9 =	vld [tilespmem:s30+$0x80];
	v7 =	vmul.f32 v7, v5  }
0x26: {  	v10 =	vld [tilespmem:s31+$0x80]  }
0x27: {  	[tilespmem:s23+$0xC100] =	vst v7  }
0x28: {  	v8 =	vmul.f32 v8, v4;
	v7 =	vld [tilespmem:s25+$0x100];
	_ =	sdelay $0x1  }
0x29: {  	v9 =	vmul.f32 v9, v4;
	[tilespmem:s24+$0xC080] =	vst v8  }
0x2a: {  	v10 =	vmul.f32 v10, v4;
	v6 =	vperm.xlane v6, v2;
	v8 =	vld [tilespmem:s26+$0x0]  }
0x2b: {  	[tilespmem:s28+$0xC080] =	vst v9  }
0x2c: {  	[tilespmem:s29+$0xC080] =	vst v10;
	v9 =	vld [tilespmem:s30+$0x0];
	v7 =	vmul.f32 v7, v6  }
0x2d: {  	v10 =	vld [tilespmem:s31+$0x0];
	[tilespmem:s23+$0xC010] =	vst v3  }
0x2e: {  	[tilespmem:s23+$0xC180] =	vst v7  }
0x2f: {  	v8 =	vmul.f32 v8, v5;
	v7 =	vld [tilespmem:s25+$0x90];
	_ =	sdelay $0x1  }
0x30: {  	v9 =	vmul.f32 v9, v5;
	[tilespmem:s24+$0xC100] =	vst v8  }
0x31: {  	v10 =	vmul.f32 v10, v5;
	v8 =	vld [tilespmem:s26+$0x100]  }
0x32: {  	[tilespmem:s28+$0xC100] =	vst v9  }
0x33: {  	[tilespmem:s29+$0xC100] =	vst v10;
	v9 =	vld [tilespmem:s30+$0x100];
	v7 =	vmul.f32 v7, v4  }
0x34: {  	v10 =	vld [tilespmem:s31+$0x100]  }
0x35: {  	[tilespmem:s23+$0xC090] =	vst v7  }
0x36: {  	[tilespmem:s24+$0xC010] =	vst v3;
	v8 =	vmul.f32 v8, v6;
	v7 =	vld [tilespmem:s25+$0x10]  }
0x37: {  	[tilespmem:s28+$0xC010] =	vst v3  }
0x38: {  	v9 =	vmul.f32 v9, v6;
	[tilespmem:s24+$0xC180] =	vst v8  }
0x39: {  	[tilespmem:s29+$0xC010] =	vst v3;
	v10 =	vmul.f32 v10, v6;
	v8 =	vld [tilespmem:s26+$0x90]  }
0x3a: {  	[tilespmem:s28+$0xC180] =	vst v9  }
0x3b: {  	[tilespmem:s29+$0xC180] =	vst v10;
	v9 =	vld [tilespmem:s30+$0x90];
	v7 =	vmul.f32 v7, v5  }
0x3c: {  	v10 =	vld [tilespmem:s31+$0x90]  }
0x3d: {  	[tilespmem:s23+$0xC110] =	vst v7  }
0x3e: {  	v8 =	vmul.f32 v8, v4;
	v7 =	vld [tilespmem:s25+$0x110];
	_ =	sdelay $0x1  }
0x3f: {  	v9 =	vmul.f32 v9, v4;
	[tilespmem:s24+$0xC090] =	vst v8  }
0x40: {  	v10 =	vmul.f32 v10, v4;
	v8 =	vld [tilespmem:s26+$0x10]  }
0x41: {  	[tilespmem:s28+$0xC090] =	vst v9  }
0x42: {  	[tilespmem:s29+$0xC090] =	vst v10;
	v9 =	vld [tilespmem:s30+$0x10];
	v7 =	vmul.f32 v7, v6  }
0x43: {  	v10 =	vld [tilespmem:s31+$0x10];
	[tilespmem:s23+$0xC020] =	vst v3  }
0x44: {  	[tilespmem:s23+$0xC190] =	vst v7  }
0x45: {  	v8 =	vmul.f32 v8, v5;
	v7 =	vld [tilespmem:s25+$0xA0];
	_ =	sdelay $0x1  }
0x46: {  	v9 =	vmul.f32 v9, v5;
	[tilespmem:s24+$0xC110] =	vst v8  }
0x47: {  	v10 =	vmul.f32 v10, v5;
	v8 =	vld [tilespmem:s26+$0x110]  }
0x48: {  	[tilespmem:s28+$0xC110] =	vst v9  }
0x49: {  	[tilespmem:s29+$0xC110] =	vst v10;
	v9 =	vld [tilespmem:s30+$0x110];
	v7 =	vmul.f32 v7, v4  }
0x4a: {  	v10 =	vld [tilespmem:s31+$0x110]  }
0x4b: {  	[tilespmem:s23+$0xC0A0] =	vst v7  }
0x4c: {  	[tilespmem:s24+$0xC020] =	vst v3;
	v8 =	vmul.f32 v8, v6;
	v7 =	vld [tilespmem:s25+$0x20]  }
0x4d: {  	[tilespmem:s28+$0xC020] =	vst v3  }
0x4e: {  	v9 =	vmul.f32 v9, v6;
	[tilespmem:s24+$0xC190] =	vst v8  }
0x4f: {  	[tilespmem:s29+$0xC020] =	vst v3;
	v10 =	vmul.f32 v10, v6;
	v8 =	vld [tilespmem:s26+$0xA0]  }
0x50: {  	[tilespmem:s28+$0xC190] =	vst v9  }
0x51: {  	[tilespmem:s29+$0xC190] =	vst v10;
	v9 =	vld [tilespmem:s30+$0xA0];
	v7 =	vmul.f32 v7, v5  }
0x52: {  	v10 =	vld [tilespmem:s31+$0xA0]  }
0x53: {  	[tilespmem:s23+$0xC120] =	vst v7  }
0x54: {  	v8 =	vmul.f32 v8, v4;
	v7 =	vld [tilespmem:s25+$0x120];
	_ =	sdelay $0x1  }
0x55: {  	v9 =	vmul.f32 v9, v4;
	[tilespmem:s24+$0xC0A0] =	vst v8  }
0x56: {  	v10 =	vmul.f32 v10, v4;
	v8 =	vld [tilespmem:s26+$0x20]  }
0x57: {  	[tilespmem:s28+$0xC0A0] =	vst v9  }
0x58: {  	[tilespmem:s29+$0xC0A0] =	vst v10;
	v9 =	vld [tilespmem:s30+$0x20];
	v7 =	vmul.f32 v7, v6  }
0x59: {  	[tilespmem:s23+$0xC030] =	vst v3  }
0x5a: {  	v10 =	vld [tilespmem:s31+$0x20];
	[tilespmem:s23+$0xC1A0] =	vst v7  }
0x5b: {  	v8 =	vmul.f32 v8, v5;
	v7 =	vld [tilespmem:s25+$0xB0];
	_ =	sdelay $0x1  }
0x5c: {  	v9 =	vmul.f32 v9, v5;
	[tilespmem:s24+$0xC120] =	vst v8  }
0x5d: {  	v8 =	vld [tilespmem:s26+$0x120]  }
0x5e: {  	v10 =	vmul.f32 v10, v5;
	[tilespmem:s28+$0xC120] =	vst v9  }
0x5f: {  	v9 =	vld [tilespmem:s30+$0x120];
	v7 =	vmul.f32 v7, v4  }
0x60: {  	[tilespmem:s29+$0xC120] =	vst v10  }
0x61: {  	v10 =	vld [tilespmem:s31+$0x120];
	[tilespmem:s23+$0xC0B0] =	vst v7  }
0x62: {  	v8 =	vmul.f32 v8, v6;
	v7 =	vld [tilespmem:s25+$0x30]  }
0x63: {  	[tilespmem:s24+$0xC030] =	vst v3  }
0x64: {  	[tilespmem:s24+$0xC1A0] =	vst v8;
	v8 =	vmul.f32 v9, v6  }
0x65: {  	[tilespmem:s28+$0xC030] =	vst v3;
	v9 =	vld [tilespmem:s26+$0xB0]  }
0x66: {  	[tilespmem:s28+$0xC1A0] =	vst v8  }
0x67: {  	v8 =	vmul.f32 v10, v6;
	v10 =	vld [tilespmem:s30+$0xB0];
	v7 =	vmul.f32 v7, v5;
	_ =	sdelay $0x1  }
0x68: {  	[tilespmem:s23+$0xC130] =	vst v7  }
0x69: {  	[tilespmem:s29+$0xC1A0] =	vst v8;
	v8 =	vmul.f32 v9, v4;
	v7 =	vld [tilespmem:s25+$0x130]  }
0x6a: {  	[tilespmem:s29+$0xC030] =	vst v3  }
0x6b: {  	[tilespmem:s24+$0xC0B0] =	vst v8;
	v8 =	vmul.f32 v10, v4;
	v10 =	vld [tilespmem:s31+$0xB0]  }
0x6c: {  	v9 =	vld [tilespmem:s26+$0x30];
	_ =	sdelay $0x1  }
0x6d: {  	[tilespmem:s28+$0xC0B0] =	vst v8;
	v7 =	vmul.f32 v7, v6  }
0x6e: {  	v8 =	vld [tilespmem:s30+$0x30];
	[tilespmem:s23+$0xC040] =	vst v3  }
0x6f: {  	v10 =	vmul.f32 v10, v4;
	[tilespmem:s23+$0xC1B0] =	vst v7  }
0x70: {  	v9 =	vmul.f32 v9, v5;
	v7 =	vld [tilespmem:s25+$0xC0]  }
0x71: {  	[tilespmem:s29+$0xC0B0] =	vst v10  }
0x72: {  	[tilespmem:s24+$0xC130] =	vst v9;
	v10 =	vld [tilespmem:s31+$0x30]  }
0x73: {  	v8 =	vmul.f32 v8, v5;
	v9 =	vld [tilespmem:s26+$0x130];
	_ =	sdelay $0x1  }
0x74: {  	[tilespmem:s28+$0xC130] =	vst v8;
	v7 =	vmul.f32 v7, v4  }
0x75: {  	v8 =	vld [tilespmem:s30+$0x130]  }
0x76: {  	[tilespmem:s23+$0xC0C0] =	vst v7  }
0x77: {  	v9 =	vmul.f32 v9, v6;
	v7 =	vmul.f32 v10, v5;
	v10 =	vld [tilespmem:s25+$0x40]  }
0x78: {  	[tilespmem:s24+$0xC040] =	vst v3  }
0x79: {  	[tilespmem:s24+$0xC1B0] =	vst v9  }
0x7a: {  	v8 =	vmul.f32 v8, v6;
	[tilespmem:s29+$0xC130] =	vst v7;
	v7 =	vld [tilespmem:s26+$0xC0]  }
0x7b: {  	[tilespmem:s28+$0xC040] =	vst v3;
	v9 =	vld [tilespmem:s31+$0x130]  }
0x7c: {  	[tilespmem:s28+$0xC1B0] =	vst v8;
	v10 =	vmul.f32 v10, v5  }
0x7d: {  	v8 =	vld [tilespmem:s30+$0xC0]  }
0x7e: {  	[tilespmem:s23+$0xC140] =	vst v10  }
0x7f: {  	v7 =	vmul.f32 v7, v4;
	v10 =	vld [tilespmem:s25+$0x140]  }
0x80: {  	[tilespmem:s29+$0xC040] =	vst v3;
	v9 =	vmul.f32 v9, v6  }
0x81: {  	[tilespmem:s24+$0xC0C0] =	vst v7  }
0x82: {  	v8 =	vmul.f32 v8, v4;
	v7 =	vld [tilespmem:s26+$0x40];
	[tilespmem:s29+$0xC1B0] =	vst v9  }
0x83: {  	v9 =	vld [tilespmem:s31+$0xC0]  }
0x84: {  	[tilespmem:s28+$0xC0C0] =	vst v8;
	v8 =	vmul.f32 v10, v6  }
0x85: {  	v11 =	vld [tilespmem:s30+$0x40];
	[tilespmem:s23+$0xC050] =	vst v3  }
0x86: {  	[tilespmem:s23+$0xC1C0] =	vst v8  }
0x87: {  	v7 =	vmul.f32 v7, v5;
	v8 =	vld [tilespmem:s25+$0xD0]  }
0x88: {  	v10 =	vmul.f32 v9, v4  }
0x89: {  	[tilespmem:s24+$0xC140] =	vst v7  }
0x8a: {  	s1 =	simm.s32 $0x4;
	v9 =	vmul.f32 v11, v5;
	v7 =	vld [tilespmem:s26+$0x140];
	[tilespmem:s29+$0xC0C0] =	vst v10  }
.LBB2_2:
0x8b: {  	s2 =	sor.u32 $0x1, s1  }
0x8c: {  	s4 =	sor.u32 $0x3, s1;
	v8 =	vmul.f32 v8, v4;
	s5 =	smov.u32 s1;
	s0 =	sadd.s32 $0x4, s1  }
0x8d: {  	s15 =	sshll.u32 s2, $0x9;
	s17 =	sor.u32 $0x2, s5;
	s20 =	smul.u32 $0x600, s4;
	[tilespmem:s28+$0xC140] =	vst v9  }
0x8e: {  	s15 =	sand.u32 $0x3FFFFE00, s15;
	s19 =	sshll.u32 s17, $0x9;
	s17 =	smul.u32 $0x600, s17;
	v9 =	vld [tilespmem:s30+$0x140];
	[tilespmem:s23+$0xC0D0] =	vst v8  }
0x8f: {  	s6 =	smul.u32 $0x600, s2;
	s4 =	sshll.u32 s4, $0x9;
	[tilespmem:s15+$0xC000] =	vst v3;
	s2 =	sand.u32 $0x3FFFFE00, s19;
	v8 =	vld [tilespmem:s25+$0x50]  }
0x90: {  	p0 =	slt.u32 s1, $0x3C;
	[tilespmem:s2+$0xC000] =	vst v3;
	s19 =	sshra.s32 s17, $0x2;
	s17 =	sand.u32 $0x3FFFFE00, s4  }
0x91: {  	s1 =	sshll.u32 s5, $0x9;
	s20 =	sshra.s32 s20, $0x2;
	s4 =	smul.u32 $0x600, s5;
	v10 =	vld [tilespmem:s19+$0x80];
	[tilespmem:s17+$0xC000] =	vst v3  }
0x92: {  	s1 =	sand.u32 $0x3FFFFE00, s1;
	v7 =	vmul.f32 v7, v6;
	v11 =	vld [tilespmem:s20+$0x80];
	[tilespmem:s28+$0xC050] =	vst v3  }
0x93: {  	s5 =	sshra.s32 s4, $0x2;
	[tilespmem:s1+$0xC000] =	vst v3;
	v12 =	vld [tilespmem:s31+$0x40]  }
0x94: {  	v13 =	vld [tilespmem:s5+$0x80];
	[tilespmem:s24+$0xC1C0] =	vst v7;
	v7 =	vmul.f32 v8, v5  }
0x95: {  	s4 =	sshra.s32 s6, $0x2;
	v8 =	vmul.f32 v9, v6;
	[tilespmem:s24+$0xC050] =	vst v3  }
0x96: {  	v9 =	vmul.f32 v10, v4;
	v10 =	vld [tilespmem:s26+$0xD0];
	[tilespmem:s23+$0xC150] =	vst v7  }
0x97: {  	v7 =	vmul.f32 v11, v4;
	[tilespmem:s28+$0xC1C0] =	vst v8;
	v8 =	vld [tilespmem:s25+$0x150]  }
0x98: {  	v11 =	vld [tilespmem:s4+$0x80];
	[tilespmem:s2+$0xC080] =	vst v9;
	v9 =	vmul.f32 v12, v5  }
0x99: {  	v12 =	vmul.f32 v13, v4;
	v13 =	vld [tilespmem:s19+$0x0];
	[tilespmem:s17+$0xC080] =	vst v7  }
0x9a: {  	v7 =	vld [tilespmem:s20+$0x0];
	[tilespmem:s29+$0xC140] =	vst v9  }
0x9b: {  	[tilespmem:s1+$0xC080] =	vst v12;
	v9 =	vld [tilespmem:s31+$0x140]  }
0x9c: {  	v12 =	vld [tilespmem:s5+$0x0];
	v8 =	vmul.f32 v8, v6;
	[tilespmem:s23+$0xC060] =	vst v3  }
0x9d: {  	v10 =	vmul.f32 v10, v4;
	v14 =	vld [tilespmem:s30+$0xD0];
	[tilespmem:s29+$0xC050] =	vst v3  }
0x9e: {  	v13 =	vmul.f32 v13, v5;
	[tilespmem:s23+$0xC1D0] =	vst v8  }
0x9f: {  	v7 =	vmul.f32 v7, v5;
	[tilespmem:s24+$0xC0D0] =	vst v10;
	v8 =	vld [tilespmem:s25+$0xE0]  }
0xa0: {  	v10 =	vmul.f32 v11, v4;
	[tilespmem:s2+$0xC100] =	vst v13;
	v11 =	vld [tilespmem:s26+$0x50]  }
0xa1: {  	v12 =	vmul.f32 v12, v5;
	v13 =	vld [tilespmem:s19+$0x100];
	[tilespmem:s17+$0xC100] =	vst v7  }
0xa2: {  	[tilespmem:s15+$0xC080] =	vst v10;
	v7 =	vld [tilespmem:s20+$0x100]  }
0xa3: {  	[tilespmem:s1+$0xC100] =	vst v12;
	v10 =	vld [tilespmem:s4+$0x0]  }
0xa4: {  	v12 =	vld [tilespmem:s5+$0x100];
	[tilespmem:s2+$0xC010] =	vst v3;
	v8 =	vmul.f32 v8, v4  }
0xa5: {  	[tilespmem:s1+$0xC010] =	vst v3  }
0xa6: {  	v13 =	vmul.f32 v13, v6;
	[tilespmem:s23+$0xC0E0] =	vst v8  }
0xa7: {  	v7 =	vmul.f32 v7, v6;
	[tilespmem:s17+$0xC010] =	vst v3;
	v8 =	vld [tilespmem:s25+$0x60]  }
0xa8: {  	v10 =	vmul.f32 v10, v5;
	[tilespmem:s2+$0xC180] =	vst v13  }
0xa9: {  	v12 =	vmul.f32 v12, v6;
	v13 =	vld [tilespmem:s19+$0x90];
	[tilespmem:s17+$0xC180] =	vst v7  }
0xaa: {  	[tilespmem:s15+$0xC100] =	vst v10;
	v7 =	vld [tilespmem:s20+$0x90];
	v10 =	vmul.f32 v11, v5  }
0xab: {  	[tilespmem:s1+$0xC180] =	vst v12;
	v11 =	vld [tilespmem:s4+$0x100]  }
0xac: {  	[tilespmem:s24+$0xC150] =	vst v10;
	v8 =	vmul.f32 v8, v5  }
0xad: {  	[tilespmem:s15+$0xC010] =	vst v3;
	v10 =	vld [tilespmem:s26+$0x150]  }
0xae: {  	v12 =	vld [tilespmem:s5+$0x90];
	v13 =	vmul.f32 v13, v4;
	[tilespmem:s23+$0xC160] =	vst v8  }
0xaf: {  	v7 =	vmul.f32 v7, v4;
	[tilespmem:s24+$0xC060] =	vst v3;
	v8 =	vld [tilespmem:s25+$0x160]  }
0xb0: {  	v11 =	vmul.f32 v11, v6;
	[tilespmem:s2+$0xC090] =	vst v13  }
0xb1: {  	v13 =	vld [tilespmem:s19+$0x10];
	[tilespmem:s17+$0xC090] =	vst v7  }
0xb2: {  	[tilespmem:s15+$0xC180] =	vst v11;
	v7 =	vld [tilespmem:s20+$0x10];
	v11 =	vmul.f32 v14, v4  }
0xb3: {  	v12 =	vmul.f32 v12, v4;
	v14 =	vld [tilespmem:s4+$0x90];
	[tilespmem:s23+$0xC070] =	vst v3  }
0xb4: {  	[tilespmem:s28+$0xC0D0] =	vst v11;
	v8 =	vmul.f32 v8, v6  }
0xb5: {  	v10 =	vmul.f32 v10, v6;
	[tilespmem:s1+$0xC090] =	vst v12;
	v11 =	vld [tilespmem:s30+$0x50]  }
0xb6: {  	v12 =	vld [tilespmem:s5+$0x10];
	v13 =	vmul.f32 v13, v5;
	[tilespmem:s23+$0xC1E0] =	vst v8  }
0xb7: {  	v7 =	vmul.f32 v7, v5;
	[tilespmem:s24+$0xC1D0] =	vst v10;
	v8 =	vld [tilespmem:s25+$0xF0]  }
0xb8: {  	v10 =	vmul.f32 v14, v4;
	[tilespmem:s2+$0xC110] =	vst v13;
	v13 =	vld [tilespmem:s26+$0xE0]  }
0xb9: {  	v14 =	vld [tilespmem:s19+$0x110];
	[tilespmem:s17+$0xC110] =	vst v7;
	v7 =	vmul.f32 v9, v6  }
0xba: {  	[tilespmem:s15+$0xC090] =	vst v10;
	v9 =	vld [tilespmem:s20+$0x110];
	v10 =	vmul.f32 v11, v5  }
0xbb: {  	[tilespmem:s29+$0xC1C0] =	vst v7  }
0xbc: {  	v7 =	vmul.f32 v12, v5;
	[tilespmem:s28+$0xC150] =	vst v10;
	v10 =	vld [tilespmem:s31+$0xD0]  }
0xbd: {  	[tilespmem:s17+$0xC020] =	vst v3;
	v11 =	vld [tilespmem:s30+$0x150]  }
0xbe: {  	[tilespmem:s1+$0xC110] =	vst v7;
	v12 =	vld [tilespmem:s4+$0x10];
	v7 =	vmul.f32 v14, v6  }
0xbf: {  	v14 =	vld [tilespmem:s5+$0x110];
	[tilespmem:s2+$0xC020] =	vst v3;
	v9 =	vmul.f32 v9, v6  }
0xc0: {  	[tilespmem:s2+$0xC190] =	vst v7  }
0xc1: {  	v13 =	vmul.f32 v13, v4;
	[tilespmem:s1+$0xC020] =	vst v3;
	v15 =	vld [tilespmem:s19+$0xA0];
	v10 =	vmul.f32 v10, v4  }
0xc2: {  	v7 =	vmul.f32 v8, v4;
	[tilespmem:s17+$0xC190] =	vst v9  }
0xc3: {  	v8 =	vmul.f32 v12, v5;
	v9 =	vld [tilespmem:s20+$0xA0];
	[tilespmem:s29+$0xC0D0] =	vst v10  }
0xc4: {  	v10 =	vmul.f32 v14, v6;
	[tilespmem:s24+$0xC0E0] =	vst v13;
	v12 =	vld [tilespmem:s31+$0x50]  }
0xc5: {  	[tilespmem:s15+$0xC110] =	vst v8;
	v8 =	vld [tilespmem:s26+$0x60]  }
0xc6: {  	[tilespmem:s1+$0xC190] =	vst v10;
	v10 =	vld [tilespmem:s4+$0x110];
	v13 =	vmul.f32 v15, v4  }
0xc7: {  	v11 =	vmul.f32 v11, v6;
	v14 =	vld [tilespmem:s5+$0xA0];
	[tilespmem:s15+$0xC020] =	vst v3  }
0xc8: {  	[tilespmem:s2+$0xC0A0] =	vst v13  }
0xc9: {  	v13 =	vld [tilespmem:s19+$0x20];
	[tilespmem:s28+$0xC1D0] =	vst v11;
	v11 =	vmul.f32 v12, v5  }
0xca: {  	v8 =	vmul.f32 v8, v5;
	[tilespmem:s28+$0xC060] =	vst v3  }
0xcb: {  	v10 =	vmul.f32 v10, v6;
	v12 =	vld [tilespmem:s30+$0xE0];
	[tilespmem:s29+$0xC150] =	vst v11  }
0xcc: {  	v9 =	vmul.f32 v9, v4;
	v11 =	vmul.f32 v14, v4;
	[tilespmem:s24+$0xC160] =	vst v8;
	v8 =	vld [tilespmem:s31+$0x150]  }
0xcd: {  	[tilespmem:s15+$0xC190] =	vst v10;
	v10 =	vld [tilespmem:s26+$0x160]  }
0xce: {  	v14 =	vld [tilespmem:s4+$0xA0];
	v13 =	vmul.f32 v13, v5;
	[tilespmem:s17+$0xC0A0] =	vst v9  }
0xcf: {  	v9 =	vld [tilespmem:s20+$0x20];
	[tilespmem:s29+$0xC060] =	vst v3  }
0xd0: {  	[tilespmem:s2+$0xC120] =	vst v13  }
0xd1: {  	[tilespmem:s1+$0xC0A0] =	vst v11;
	v11 =	vld [tilespmem:s19+$0x120];
	v8 =	vmul.f32 v8, v6  }
0xd2: {  	v10 =	vmul.f32 v10, v6;
	[tilespmem:s24+$0xC070] =	vst v3  }
0xd3: {  	v13 =	vld [tilespmem:s5+$0x20];
	v14 =	vmul.f32 v14, v4;
	[tilespmem:s29+$0xC1D0] =	vst v8  }
0xd4: {  	v8 =	vmul.f32 v12, v4;
	[tilespmem:s24+$0xC1E0] =	vst v10;
	v10 =	vld [tilespmem:s31+$0xE0]  }
0xd5: {  	[tilespmem:s15+$0xC0A0] =	vst v14;
	v12 =	vld [tilespmem:s26+$0xF0]  }
0xd6: {  	v14 =	vld [tilespmem:s4+$0x20];
	v11 =	vmul.f32 v11, v6;
	[tilespmem:s28+$0xC0E0] =	vst v8  }
0xd7: {  	v8 =	vmul.f32 v9, v5;
	[tilespmem:s2+$0xC030] =	vst v3;
	v9 =	vld [tilespmem:s30+$0x60]  }
0xd8: {  	v13 =	vmul.f32 v13, v5;
	[tilespmem:s2+$0xC1A0] =	vst v11  }
0xd9: {  	v11 =	vld [tilespmem:s19+$0xB0];
	[tilespmem:s17+$0xC120] =	vst v8;
	v8 =	vmul.f32 v10, v4  }
0xda: {  	[tilespmem:s1+$0xC120] =	vst v13;
	v10 =	vld [tilespmem:s20+$0x120]  }
0xdb: {  	v13 =	vld [tilespmem:s5+$0x120];
	v14 =	vmul.f32 v14, v5;
	[tilespmem:s29+$0xC0E0] =	vst v8  }
0xdc: {  	[tilespmem:s1+$0xC030] =	vst v3;
	v8 =	vmul.f32 v9, v5;
	v9 =	vld [tilespmem:s31+$0x60]  }
0xdd: {  	[tilespmem:s15+$0xC120] =	vst v14  }
0xde: {  	v14 =	vld [tilespmem:s4+$0x120];
	v11 =	vmul.f32 v11, v4;
	[tilespmem:s28+$0xC160] =	vst v8  }
0xdf: {  	[tilespmem:s15+$0xC030] =	vst v3;
	v8 =	vld [tilespmem:s30+$0x160]  }
0xe0: {  	v13 =	vmul.f32 v13, v6;
	[tilespmem:s2+$0xC0B0] =	vst v11  }
0xe1: {  	v11 =	vld [tilespmem:s19+$0x30];
	[tilespmem:s28+$0xC070] =	vst v3;
	v9 =	vmul.f32 v9, v5  }
0xe2: {  	v10 =	vmul.f32 v10, v6;
	[tilespmem:s1+$0xC1A0] =	vst v13  }
0xe3: {  	v13 =	vmul.f32 v14, v6;
	[tilespmem:s29+$0xC160] =	vst v9  }
0xe4: {  	[tilespmem:s17+$0xC1A0] =	vst v10;
	v8 =	vmul.f32 v8, v6;
	v9 =	vld [tilespmem:s31+$0x160]  }
0xe5: {  	v10 =	vld [tilespmem:s5+$0xB0];
	[tilespmem:s15+$0xC1A0] =	vst v13  }
0xe6: {  	v13 =	vld [tilespmem:s4+$0xB0];
	v11 =	vmul.f32 v11, v5;
	[tilespmem:s28+$0xC1E0] =	vst v8  }
0xe7: {  	[tilespmem:s17+$0xC030] =	vst v3;
	v8 =	vld [tilespmem:s30+$0xF0]  }
0xe8: {  	[tilespmem:s2+$0xC130] =	vst v11;
	v11 =	vld [tilespmem:s20+$0xB0]  }
0xe9: {  	v14 =	vld [tilespmem:s19+$0x130];
	v9 =	vmul.f32 v9, v6;
	[tilespmem:s29+$0xC070] =	vst v3  }
0xea: {  	v10 =	vmul.f32 v10, v4;
	[tilespmem:s2+$0xC040] =	vst v3  }
0xeb: {  	v12 =	vmul.f32 v12, v4;
	[tilespmem:s29+$0xC1E0] =	vst v9  }
0xec: {  	v9 =	vmul.f32 v13, v4;
	[tilespmem:s1+$0xC0B0] =	vst v10;
	v10 =	vld [tilespmem:s31+$0xF0]  }
0xed: {  	v8 =	vmul.f32 v8, v4;
	v13 =	vld [tilespmem:s5+$0x30];
	[tilespmem:s24+$0xC0F0] =	vst v12  }
0xee: {  	[tilespmem:s15+$0xC0B0] =	vst v9;
	v9 =	vmul.f32 v14, v6;
	v12 =	vld [tilespmem:s26+$0x70]  }
0xef: {  	v11 =	vmul.f32 v11, v4;
	v14 =	vld [tilespmem:s4+$0x30];
	[tilespmem:s28+$0xC0F0] =	vst v8  }
0xf0: {  	[tilespmem:s2+$0xC1B0] =	vst v9;
	v8 =	vld [tilespmem:s30+$0x70]  }
0xf1: {  	v9 =	vld [tilespmem:s19+$0xC0];
	[tilespmem:s17+$0xC0B0] =	vst v11;
	v10 =	vmul.f32 v10, v4  }
0xf2: {  	v11 =	vmul.f32 v13, v5;
	v13 =	vld [tilespmem:s20+$0x30];
	[tilespmem:s23+$0xC0F0] =	vst v7  }
0xf3: {  	v7 =	vmul.f32 v12, v5;
	v12 =	vld [tilespmem:s25+$0x70];
	[tilespmem:s29+$0xC0F0] =	vst v10  }
0xf4: {  	[tilespmem:s1+$0xC130] =	vst v11;
	v10 =	vld [tilespmem:s31+$0x70]  }
0xf5: {  	v14 =	vmul.f32 v14, v5;
	v11 =	vld [tilespmem:s5+$0x130];
	[tilespmem:s24+$0xC170] =	vst v7  }
0xf6: {  	[tilespmem:s1+$0xC040] =	vst v3;
	v7 =	vmul.f32 v9, v4;
	v9 =	vld [tilespmem:s26+$0x170];
	s26 =	smov.u32 s5  }
0xf7: {  	[tilespmem:s15+$0xC130] =	vst v14  }
0xf8: {  	v14 =	vld [tilespmem:s4+$0x130];
	[tilespmem:s2+$0xC0C0] =	vst v7;
	v7 =	vmul.f32 v8, v5;
	v8 =	vmul.f32 v12, v5  }
0xf9: {  	v13 =	vmul.f32 v13, v5;
	[tilespmem:s15+$0xC040] =	vst v3;
	v12 =	vld [tilespmem:s19+$0x40]  }
0xfa: {  	v11 =	vmul.f32 v11, v6;
	[tilespmem:s28+$0xC170] =	vst v7  }
0xfb: {  	[tilespmem:s17+$0xC130] =	vst v13;
	v7 =	vld [tilespmem:s30+$0x170];
	s30 =	smov.u32 s4  }
0xfc: {  	v10 =	vmul.f32 v10, v5;
	[tilespmem:s1+$0xC1B0] =	vst v11;
	v11 =	vld [tilespmem:s20+$0x130]  }
0xfd: {  	v13 =	vld [tilespmem:s26+$0xC0];
	v14 =	vmul.f32 v14, v6;
	[tilespmem:s17+$0xC040] =	vst v3  }
0xfe: {  	v12 =	vmul.f32 v12, v5;
	[tilespmem:s29+$0xC170] =	vst v10  }
0xff: {  	v9 =	vmul.f32 v9, v6;
	[tilespmem:s15+$0xC1B0] =	vst v14;
	v10 =	vld [tilespmem:s31+$0x170];
	s31 =	smov.u32 s20  }
0x100: {  	v14 =	vld [tilespmem:s30+$0xC0];
	[tilespmem:s2+$0xC140] =	vst v12  }
0x101: {  	v7 =	vmul.f32 v7, v6;
	v12 =	vld [tilespmem:s19+$0x140];
	[tilespmem:s23+$0xC170] =	vst v8  }
0x102: {  	v8 =	vmul.f32 v13, v4;
	[tilespmem:s2+$0xC050] =	vst v3;
	v13 =	vld [tilespmem:s25+$0x170];
	s25 =	smov.u32 s19  }
0x103: {  	v11 =	vmul.f32 v11, v6;
	[tilespmem:s28+$0xC1F0] =	vst v7;
	s28 =	smov.u32 s15  }
0x104: {  	[tilespmem:s1+$0xC0C0] =	vst v8;
	v7 =	vmul.f32 v10, v6  }
0x105: {  	v10 =	vld [tilespmem:s26+$0x40];
	v8 =	vmul.f32 v14, v4;
	[tilespmem:s17+$0xC1B0] =	vst v11  }
0x106: {  	v11 =	vmul.f32 v12, v6;
	v12 =	vld [tilespmem:s31+$0xC0];
	[tilespmem:s29+$0xC1F0] =	vst v7;
	s29 =	smov.u32 s17  }
0x107: {  	[tilespmem:s28+$0xC0C0] =	vst v8;
	v7 =	vmul.f32 v13, v6  }
0x108: {  	v13 =	vld [tilespmem:s30+$0x40];
	[tilespmem:s2+$0xC1C0] =	vst v11  }
.Ltmp0:
0x109: {  	v8 =	vld [tilespmem:s25+$0xD0];
	[tilespmem:s23+$0xC1F0] =	vst v7;
	s23 =	smov.u32 s2;
	(pc) =	sbr.rel @p0 .LBB2_2-.Ltmp0, $4  }
0x10a: {  	v7 =	vmul.f32 v10, v5;
	[tilespmem:s24+$0xC1F0] =	vst v9;
	s24 =	smov.u32 s1  }
0x10b: {  	v10 =	vmul.f32 v12, v4  }
0x10c: {  	[tilespmem:s24+$0xC140] =	vst v7  }
0x10d: {  	s1 =	smov.u32 s0;
	v7 =	vld [tilespmem:s26+$0x140];
	v9 =	vmul.f32 v13, v5;
	[tilespmem:s29+$0xC0C0] =	vst v10  }
0x10e: {  	v10 =	vld [tilespmem:s31+$0x40];
	_ =	sdelay $0x3  }
0x10f: {  	[tilespmem:s28+$0xC140] =	vst v9  }
0x110: {  	v9 =	vld [tilespmem:s30+$0x140];
	v10 =	vmul.f32 v10, v5;
	_ =	sdelay $0x1  }
0x111: {  	[tilespmem:s29+$0xC140] =	vst v10  }
0x112: {  	v10 =	vld [tilespmem:s31+$0x140];
	_ =	sdelay $0x1  }
0x113: {  	[tilespmem:s24+$0xC050] =	vst v3;
	v9 =	vmul.f32 v9, v6  }
0x114: {  	[tilespmem:s28+$0xC050] =	vst v3;
	v7 =	vmul.f32 v7, v6  }
0x115: {  	[tilespmem:s28+$0xC1C0] =	vst v9  }
0x116: {  	[tilespmem:s24+$0xC1C0] =	vst v7;
	v9 =	vld [tilespmem:s30+$0xD0];
	v10 =	vmul.f32 v10, v6  }
0x117: {  	[tilespmem:s29+$0xC050] =	vst v3  }
0x118: {  	v8 =	vmul.f32 v8, v4;
	[tilespmem:s29+$0xC1C0] =	vst v10;
	v10 =	vld [tilespmem:s26+$0xD0]  }
0x119: {  	v7 =	vld [tilespmem:s31+$0xD0]  }
0x11a: {  	[tilespmem:s23+$0xC0D0] =	vst v8  }
0x11b: {  	v8 =	vld [tilespmem:s25+$0x50];
	v9 =	vmul.f32 v9, v4;
	_ =	sdelay $0x1  }
0x11c: {  	[tilespmem:s28+$0xC0D0] =	vst v9;
	v10 =	vmul.f32 v10, v4  }
0x11d: {  	v9 =	vld [tilespmem:s30+$0x50];
	v7 =	vmul.f32 v7, v4  }
0x11e: {  	[tilespmem:s24+$0xC0D0] =	vst v10  }
0x11f: {  	v8 =	vmul.f32 v8, v5;
	[tilespmem:s29+$0xC0D0] =	vst v7;
	v10 =	vld [tilespmem:s26+$0x50]  }
0x120: {  	v7 =	vld [tilespmem:s31+$0x50]  }
0x121: {  	[tilespmem:s23+$0xC150] =	vst v8  }
0x122: {  	v8 =	vld [tilespmem:s25+$0x150];
	v9 =	vmul.f32 v9, v5;
	_ =	sdelay $0x1  }
0x123: {  	[tilespmem:s28+$0xC150] =	vst v9;
	v10 =	vmul.f32 v10, v5  }
0x124: {  	v9 =	vld [tilespmem:s30+$0x150];
	v7 =	vmul.f32 v7, v5  }
0x125: {  	[tilespmem:s24+$0xC150] =	vst v10  }
0x126: {  	v8 =	vmul.f32 v8, v6;
	[tilespmem:s29+$0xC150] =	vst v7;
	v10 =	vld [tilespmem:s26+$0x150]  }
0x127: {  	[tilespmem:s23+$0xC060] =	vst v3;
	v7 =	vld [tilespmem:s31+$0x150]  }
0x128: {  	[tilespmem:s23+$0xC1D0] =	vst v8  }
0x129: {  	[tilespmem:s28+$0xC060] =	vst v3;
	v9 =	vmul.f32 v9, v6  }
0x12a: {  	v8 =	vld [tilespmem:s25+$0xE0];
	[tilespmem:s24+$0xC060] =	vst v3  }
0x12b: {  	[tilespmem:s28+$0xC1D0] =	vst v9;
	v10 =	vmul.f32 v10, v6  }
0x12c: {  	[tilespmem:s29+$0xC060] =	vst v3;
	v9 =	vld [tilespmem:s30+$0xE0];
	v7 =	vmul.f32 v7, v6  }
0x12d: {  	[tilespmem:s24+$0xC1D0] =	vst v10  }
0x12e: {  	[tilespmem:s29+$0xC1D0] =	vst v7;
	v10 =	vld [tilespmem:s26+$0xE0]  }
0x12f: {  	v8 =	vmul.f32 v8, v4;
	v7 =	vld [tilespmem:s31+$0xE0];
	_ =	sdelay $0x1  }
0x130: {  	[tilespmem:s23+$0xC0E0] =	vst v8;
	v8 =	vmul.f32 v9, v4  }
0x131: {  	v9 =	vld [tilespmem:s25+$0x60]  }
0x132: {  	[tilespmem:s28+$0xC0E0] =	vst v8;
	v10 =	vmul.f32 v10, v4  }
0x133: {  	v8 =	vld [tilespmem:s30+$0x60];
	v7 =	vmul.f32 v7, v4  }
0x134: {  	[tilespmem:s24+$0xC0E0] =	vst v10  }
0x135: {  	[tilespmem:s29+$0xC0E0] =	vst v7;
	v10 =	vld [tilespmem:s26+$0x60]  }
0x136: {  	v9 =	vmul.f32 v9, v5;
	v7 =	vld [tilespmem:s31+$0x60];
	_ =	sdelay $0x1  }
0x137: {  	[tilespmem:s23+$0xC160] =	vst v9;
	v8 =	vmul.f32 v8, v5  }
0x138: {  	v9 =	vld [tilespmem:s25+$0x160]  }
0x139: {  	[tilespmem:s28+$0xC160] =	vst v8;
	v10 =	vmul.f32 v10, v5  }
0x13a: {  	v8 =	vld [tilespmem:s30+$0x160];
	v7 =	vmul.f32 v7, v5  }
0x13b: {  	[tilespmem:s24+$0xC160] =	vst v10  }
0x13c: {  	[tilespmem:s29+$0xC160] =	vst v7;
	v10 =	vld [tilespmem:s26+$0x160]  }
0x13d: {  	[tilespmem:s23+$0xC070] =	vst v3;
	v9 =	vmul.f32 v9, v6;
	v7 =	vld [tilespmem:s31+$0x160]  }
0x13e: {  	[tilespmem:s28+$0xC070] =	vst v3  }
0x13f: {  	[tilespmem:s23+$0xC1E0] =	vst v9;
	v8 =	vmul.f32 v8, v6  }
0x140: {  	[tilespmem:s24+$0xC070] =	vst v3  }
0x141: {  	[tilespmem:s28+$0xC1E0] =	vst v8;
	v8 =	vmul.f32 v10, v6  }
0x142: {  	[tilespmem:s29+$0xC070] =	vst v3;
	v9 =	vld [tilespmem:s30+$0xF0];
	v7 =	vmul.f32 v7, v6  }
0x143: {  	v10 =	vld [tilespmem:s25+$0xF0];
	[tilespmem:s24+$0xC1E0] =	vst v8  }
0x144: {  	[tilespmem:s29+$0xC1E0] =	vst v7;
	v8 =	vld [tilespmem:s26+$0xF0]  }
0x145: {  	v7 =	vld [tilespmem:s31+$0xF0];
	_ =	sdelay $0x1  }
0x146: {  	v9 =	vmul.f32 v9, v4  }
0x147: {  	v10 =	vmul.f32 v10, v4  }
0x148: {  	[tilespmem:s28+$0xC0F0] =	vst v9;
	v8 =	vmul.f32 v8, v4  }
0x149: {  	v9 =	vld [tilespmem:s30+$0x70];
	[tilespmem:s23+$0xC0F0] =	vst v10;
	v7 =	vmul.f32 v7, v4  }
0x14a: {  	[tilespmem:s24+$0xC0F0] =	vst v8;
	v8 =	vld [tilespmem:s25+$0x70]  }
0x14b: {  	[tilespmem:s29+$0xC0F0] =	vst v7;
	v10 =	vld [tilespmem:s26+$0x70]  }
0x14c: {  	v7 =	vld [tilespmem:s31+$0x70];
	_ =	sdelay $0x1  }
0x14d: {  	v9 =	vmul.f32 v9, v5  }
0x14e: {  	v8 =	vmul.f32 v8, v5  }
0x14f: {  	[tilespmem:s28+$0xC170] =	vst v9;
	v9 =	vmul.f32 v10, v5  }
0x150: {  	v10 =	vld [tilespmem:s30+$0x170];
	v7 =	vmul.f32 v7, v5;
	[tilespmem:s23+$0xC170] =	vst v8  }
0x151: {  	[tilespmem:s24+$0xC170] =	vst v9;
	v8 =	vld [tilespmem:s25+$0x170]  }
0x152: {  	[tilespmem:s29+$0xC170] =	vst v7;
	v9 =	vld [tilespmem:s26+$0x170]  }
0x153: {  	v7 =	vld [tilespmem:s31+$0x170];
	_ =	sdelay $0x1  }
0x154: {  	v10 =	vmul.f32 v10, v6  }
0x155: {  	v8 =	vmul.f32 v8, v6  }
0x156: {  	[tilespmem:s28+$0xC1F0] =	vst v10;
	v9 =	vmul.f32 v9, v6  }
0x157: {  	v7 =	vmul.f32 v7, v6;
	[tilespmem:s23+$0xC1F0] =	vst v8  }
0x158: {  	[tilespmem:s24+$0xC1F0] =	vst v9  }
0x159: {  	[tilespmem:s29+$0xC1F0] =	vst v7  }
0x15a: {  	s0 =	simm.s32 $0x0;
	s1 =	rddreg [dreg:$0x6]  }
0x15b: {  	[hbm4b:s1+s0] =	stream.linear.scatter [tilespmem:s9], [sflag:$0x2], $0x8000, $0x38;
	[tilespmem:$0x1C010] =	vst v63  }
0x15c: {  	s5 =	rddreg [dreg:$0x7]  }
0x15d: {  	[tilespmem:s0], [sflag:$0x1] =	stream.strided.gather [hbm4b:s5+s13], $0x6000, s14, s13, $0x38;
	[tilespmem:$0x1C010] =	vst v63  }
0x15e: {  	s6 =	sor.u32 $0x2, s0;
	_ =	swait.ge [sflag:s18], $0x6000  }
0x15f: {  	s2 =	sshll.u32 s6, $0x9;
	s1 =	smul.u32 $0x600, s6;
	[sflag:s18] =	ssyncset.done $0x0  }
0x160: {  	s23 =	sand.u32 $0x3FFFFE00, s2;
	[sflag:s18] =	ssyncadd.s32 $0xFFFFA000  }
0x161: {  	s25 =	sshra.s32 s1, $0x2;
	[tilespmem:s23+$0x14000] =	vst v3  }
0x162: {  	v7 =	vld [tilespmem:s25+$0x6080];
	_ =	sdelay $0x4  }
0x163: {  	v7 =	vmul.f32 v7, v4;
	_ =	sdelay $0x1  }
0x164: {  	[tilespmem:s23+$0x14080] =	vst v7  }
0x165: {  	s7 =	simm.s32 $0x0;
	s15 =	smul.u32 $0x600, s0;
	s17 =	sor.u32 $0x1, s0;
	v7 =	vld [tilespmem:s25+$0x6000]  }
0x166: {  	s19 =	sshll.u32 s17, $0x9;
	s24 =	sand.u32 $0x3FFFFE00, s7  }
0x167: {  	s26 =	sshra.s32 s15, $0x2;
	s1 =	smul.u32 $0x600, s17;
	s0 =	sor.u32 $0x3, s0;
	[tilespmem:s24+$0x14000] =	vst v3  }
0x168: {  	s28 =	sand.u32 $0x3FFFFE00, s19;
	s20 =	smul.u32 $0x600, s0;
	s0 =	sshll.u32 s0, $0x9;
	v8 =	vld [tilespmem:s26+$0x6080]  }
0x169: {  	s30 =	sshra.s32 s1, $0x2;
	s29 =	sand.u32 $0x3FFFFE00, s0;
	[tilespmem:s28+$0x14000] =	vst v3  }
0x16a: {  	s31 =	sshra.s32 s20, $0x2;
	[tilespmem:s29+$0x14000] =	vst v3;
	v9 =	vld [tilespmem:s30+$0x6080];
	v7 =	vmul.f32 v7, v5  }
0x16b: {  	v10 =	vld [tilespmem:s31+$0x6080]  }
0x16c: {  	[tilespmem:s23+$0x14100] =	vst v7  }
0x16d: {  	v8 =	vmul.f32 v8, v4;
	v7 =	vld [tilespmem:s25+$0x6100];
	_ =	sdelay $0x1  }
0x16e: {  	v9 =	vmul.f32 v9, v4;
	[tilespmem:s24+$0x14080] =	vst v8  }
0x16f: {  	v10 =	vmul.f32 v10, v4;
	v8 =	vld [tilespmem:s26+$0x6000]  }
0x170: {  	[tilespmem:s28+$0x14080] =	vst v9  }
0x171: {  	[tilespmem:s29+$0x14080] =	vst v10;
	v9 =	vld [tilespmem:s30+$0x6000];
	v7 =	vmul.f32 v7, v6  }
0x172: {  	v10 =	vld [tilespmem:s31+$0x6000];
	[tilespmem:s23+$0x14010] =	vst v3  }
0x173: {  	[tilespmem:s23+$0x14180] =	vst v7  }
0x174: {  	v8 =	vmul.f32 v8, v5;
	v7 =	vld [tilespmem:s25+$0x6090];
	_ =	sdelay $0x1  }
0x175: {  	v9 =	vmul.f32 v9, v5;
	[tilespmem:s24+$0x14100] =	vst v8  }
0x176: {  	v10 =	vmul.f32 v10, v5;
	v8 =	vld [tilespmem:s26+$0x6100]  }
0x177: {  	[tilespmem:s28+$0x14100] =	vst v9  }
0x178: {  	[tilespmem:s29+$0x14100] =	vst v10;
	v9 =	vld [tilespmem:s30+$0x6100];
	v7 =	vmul.f32 v7, v4  }
0x179: {  	v10 =	vld [tilespmem:s31+$0x6100]  }
0x17a: {  	[tilespmem:s23+$0x14090] =	vst v7  }
0x17b: {  	[tilespmem:s24+$0x14010] =	vst v3;
	v8 =	vmul.f32 v8, v6;
	v7 =	vld [tilespmem:s25+$0x6010]  }
0x17c: {  	[tilespmem:s28+$0x14010] =	vst v3  }
0x17d: {  	v9 =	vmul.f32 v9, v6;
	[tilespmem:s24+$0x14180] =	vst v8  }
0x17e: {  	[tilespmem:s29+$0x14010] =	vst v3;
	v10 =	vmul.f32 v10, v6;
	v8 =	vld [tilespmem:s26+$0x6090]  }
0x17f: {  	[tilespmem:s28+$0x14180] =	vst v9  }
0x180: {  	[tilespmem:s29+$0x14180] =	vst v10;
	v9 =	vld [tilespmem:s30+$0x6090];
	v7 =	vmul.f32 v7, v5  }
0x181: {  	v10 =	vld [tilespmem:s31+$0x6090]  }
0x182: {  	[tilespmem:s23+$0x14110] =	vst v7  }
0x183: {  	v8 =	vmul.f32 v8, v4;
	v7 =	vld [tilespmem:s25+$0x6110];
	_ =	sdelay $0x1  }
0x184: {  	v9 =	vmul.f32 v9, v4;
	[tilespmem:s24+$0x14090] =	vst v8  }
0x185: {  	v10 =	vmul.f32 v10, v4;
	v8 =	vld [tilespmem:s26+$0x6010]  }
0x186: {  	[tilespmem:s28+$0x14090] =	vst v9  }
0x187: {  	[tilespmem:s29+$0x14090] =	vst v10;
	v9 =	vld [tilespmem:s30+$0x6010];
	v7 =	vmul.f32 v7, v6  }
0x188: {  	v10 =	vld [tilespmem:s31+$0x6010];
	[tilespmem:s23+$0x14020] =	vst v3  }
0x189: {  	[tilespmem:s23+$0x14190] =	vst v7  }
0x18a: {  	v8 =	vmul.f32 v8, v5;
	v7 =	vld [tilespmem:s25+$0x60A0];
	_ =	sdelay $0x1  }
0x18b: {  	v9 =	vmul.f32 v9, v5;
	[tilespmem:s24+$0x14110] =	vst v8  }
0x18c: {  	v10 =	vmul.f32 v10, v5;
	v8 =	vld [tilespmem:s26+$0x6110]  }
0x18d: {  	[tilespmem:s28+$0x14110] =	vst v9  }
0x18e: {  	[tilespmem:s29+$0x14110] =	vst v10;
	v9 =	vld [tilespmem:s30+$0x6110];
	v7 =	vmul.f32 v7, v4  }
0x18f: {  	v10 =	vld [tilespmem:s31+$0x6110]  }
0x190: {  	[tilespmem:s23+$0x140A0] =	vst v7  }
0x191: {  	[tilespmem:s24+$0x14020] =	vst v3;
	v8 =	vmul.f32 v8, v6;
	v7 =	vld [tilespmem:s25+$0x6020]  }
0x192: {  	[tilespmem:s28+$0x14020] =	vst v3  }
0x193: {  	v9 =	vmul.f32 v9, v6;
	[tilespmem:s24+$0x14190] =	vst v8  }
0x194: {  	[tilespmem:s29+$0x14020] =	vst v3;
	v10 =	vmul.f32 v10, v6;
	v8 =	vld [tilespmem:s26+$0x60A0]  }
0x195: {  	[tilespmem:s28+$0x14190] =	vst v9  }
0x196: {  	[tilespmem:s29+$0x14190] =	vst v10;
	v9 =	vld [tilespmem:s30+$0x60A0];
	v7 =	vmul.f32 v7, v5  }
0x197: {  	v10 =	vld [tilespmem:s31+$0x60A0]  }
0x198: {  	[tilespmem:s23+$0x14120] =	vst v7  }
0x199: {  	v8 =	vmul.f32 v8, v4;
	v7 =	vld [tilespmem:s25+$0x6120];
	_ =	sdelay $0x1  }
0x19a: {  	v9 =	vmul.f32 v9, v4;
	[tilespmem:s24+$0x140A0] =	vst v8  }
0x19b: {  	v10 =	vmul.f32 v10, v4;
	v8 =	vld [tilespmem:s26+$0x6020]  }
0x19c: {  	[tilespmem:s28+$0x140A0] =	vst v9  }
0x19d: {  	[tilespmem:s29+$0x140A0] =	vst v10;
	v9 =	vld [tilespmem:s30+$0x6020];
	v7 =	vmul.f32 v7, v6  }
0x19e: {  	[tilespmem:s23+$0x14030] =	vst v3  }
0x19f: {  	v10 =	vld [tilespmem:s31+$0x6020];
	[tilespmem:s23+$0x141A0] =	vst v7  }
0x1a0: {  	v8 =	vmul.f32 v8, v5;
	v7 =	vld [tilespmem:s25+$0x60B0];
	_ =	sdelay $0x1  }
0x1a1: {  	v9 =	vmul.f32 v9, v5;
	[tilespmem:s24+$0x14120] =	vst v8  }
0x1a2: {  	v8 =	vld [tilespmem:s26+$0x6120]  }
0x1a3: {  	v10 =	vmul.f32 v10, v5;
	[tilespmem:s28+$0x14120] =	vst v9  }
0x1a4: {  	v9 =	vld [tilespmem:s30+$0x6120];
	v7 =	vmul.f32 v7, v4  }
0x1a5: {  	[tilespmem:s29+$0x14120] =	vst v10  }
0x1a6: {  	v10 =	vld [tilespmem:s31+$0x6120];
	[tilespmem:s23+$0x140B0] =	vst v7  }
0x1a7: {  	v8 =	vmul.f32 v8, v6;
	v7 =	vld [tilespmem:s25+$0x6030]  }
0x1a8: {  	[tilespmem:s24+$0x14030] =	vst v3  }
0x1a9: {  	[tilespmem:s24+$0x141A0] =	vst v8;
	v8 =	vmul.f32 v9, v6  }
0x1aa: {  	[tilespmem:s28+$0x14030] =	vst v3;
	v9 =	vld [tilespmem:s26+$0x60B0]  }
0x1ab: {  	[tilespmem:s28+$0x141A0] =	vst v8  }
0x1ac: {  	v8 =	vmul.f32 v10, v6;
	v10 =	vld [tilespmem:s30+$0x60B0];
	v7 =	vmul.f32 v7, v5;
	_ =	sdelay $0x1  }
0x1ad: {  	[tilespmem:s23+$0x14130] =	vst v7  }
0x1ae: {  	[tilespmem:s29+$0x141A0] =	vst v8;
	v8 =	vmul.f32 v9, v4;
	v7 =	vld [tilespmem:s25+$0x6130]  }
0x1af: {  	[tilespmem:s29+$0x14030] =	vst v3  }
0x1b0: {  	[tilespmem:s24+$0x140B0] =	vst v8;
	v8 =	vmul.f32 v10, v4;
	v10 =	vld [tilespmem:s31+$0x60B0]  }
0x1b1: {  	v9 =	vld [tilespmem:s26+$0x6030];
	_ =	sdelay $0x1  }
0x1b2: {  	[tilespmem:s28+$0x140B0] =	vst v8;
	v7 =	vmul.f32 v7, v6  }
0x1b3: {  	v8 =	vld [tilespmem:s30+$0x6030];
	[tilespmem:s23+$0x14040] =	vst v3  }
0x1b4: {  	v10 =	vmul.f32 v10, v4;
	[tilespmem:s23+$0x141B0] =	vst v7  }
0x1b5: {  	v9 =	vmul.f32 v9, v5;
	v7 =	vld [tilespmem:s25+$0x60C0]  }
0x1b6: {  	[tilespmem:s29+$0x140B0] =	vst v10  }
0x1b7: {  	[tilespmem:s24+$0x14130] =	vst v9;
	v10 =	vld [tilespmem:s31+$0x6030]  }
0x1b8: {  	v8 =	vmul.f32 v8, v5;
	v9 =	vld [tilespmem:s26+$0x6130];
	_ =	sdelay $0x1  }
0x1b9: {  	[tilespmem:s28+$0x14130] =	vst v8;
	v7 =	vmul.f32 v7, v4  }
0x1ba: {  	v8 =	vld [tilespmem:s30+$0x6130]  }
0x1bb: {  	[tilespmem:s23+$0x140C0] =	vst v7  }
0x1bc: {  	v9 =	vmul.f32 v9, v6;
	v7 =	vmul.f32 v10, v5;
	v10 =	vld [tilespmem:s25+$0x6040]  }
0x1bd: {  	[tilespmem:s24+$0x14040] =	vst v3  }
0x1be: {  	[tilespmem:s24+$0x141B0] =	vst v9  }
0x1bf: {  	v8 =	vmul.f32 v8, v6;
	[tilespmem:s29+$0x14130] =	vst v7;
	v7 =	vld [tilespmem:s26+$0x60C0]  }
0x1c0: {  	[tilespmem:s28+$0x14040] =	vst v3;
	v9 =	vld [tilespmem:s31+$0x6130]  }
0x1c1: {  	[tilespmem:s28+$0x141B0] =	vst v8;
	v10 =	vmul.f32 v10, v5  }
0x1c2: {  	v8 =	vld [tilespmem:s30+$0x60C0]  }
0x1c3: {  	[tilespmem:s23+$0x14140] =	vst v10  }
0x1c4: {  	v7 =	vmul.f32 v7, v4;
	v10 =	vld [tilespmem:s25+$0x6140]  }
0x1c5: {  	[tilespmem:s29+$0x14040] =	vst v3;
	v9 =	vmul.f32 v9, v6  }
0x1c6: {  	[tilespmem:s24+$0x140C0] =	vst v7  }
0x1c7: {  	v8 =	vmul.f32 v8, v4;
	v7 =	vld [tilespmem:s26+$0x6040];
	[tilespmem:s29+$0x141B0] =	vst v9  }
0x1c8: {  	v9 =	vld [tilespmem:s31+$0x60C0]  }
0x1c9: {  	[tilespmem:s28+$0x140C0] =	vst v8;
	v8 =	vmul.f32 v10, v6  }
0x1ca: {  	v11 =	vld [tilespmem:s30+$0x6040];
	[tilespmem:s23+$0x14050] =	vst v3  }
0x1cb: {  	[tilespmem:s23+$0x141C0] =	vst v8  }
0x1cc: {  	v7 =	vmul.f32 v7, v5;
	v8 =	vld [tilespmem:s25+$0x60D0]  }
0x1cd: {  	v10 =	vmul.f32 v9, v4  }
0x1ce: {  	[tilespmem:s24+$0x14140] =	vst v7  }
0x1cf: {  	s1 =	simm.s32 $0x4;
	v9 =	vmul.f32 v11, v5;
	v7 =	vld [tilespmem:s26+$0x6140];
	[tilespmem:s29+$0x140C0] =	vst v10  }
.LBB2_4:
0x1d0: {  	s2 =	sor.u32 $0x1, s1  }
0x1d1: {  	s4 =	sor.u32 $0x3, s1;
	v8 =	vmul.f32 v8, v4;
	s5 =	smov.u32 s1;
	s0 =	sadd.s32 $0x4, s1  }
0x1d2: {  	s6 =	sshll.u32 s2, $0x9;
	s17 =	sor.u32 $0x2, s5;
	s20 =	smul.u32 $0x600, s4;
	[tilespmem:s28+$0x14140] =	vst v9  }
0x1d3: {  	s15 =	sand.u32 $0x3FFFFE00, s6;
	s6 =	sshll.u32 s17, $0x9;
	s17 =	smul.u32 $0x600, s17;
	v9 =	vld [tilespmem:s30+$0x6140];
	[tilespmem:s23+$0x140D0] =	vst v8  }
0x1d4: {  	s7 =	smul.u32 $0x600, s2;
	s4 =	sshll.u32 s4, $0x9;
	[tilespmem:s15+$0x14000] =	vst v3;
	s2 =	sand.u32 $0x3FFFFE00, s6;
	v8 =	vld [tilespmem:s25+$0x6050]  }
0x1d5: {  	p0 =	slt.u32 s1, $0x3C;
	[tilespmem:s2+$0x14000] =	vst v3;
	s19 =	sshra.s32 s17, $0x2;
	s17 =	sand.u32 $0x3FFFFE00, s4  }
0x1d6: {  	s1 =	sshll.u32 s5, $0x9;
	s20 =	sshra.s32 s20, $0x2;
	s4 =	smul.u32 $0x600, s5;
	v10 =	vld [tilespmem:s19+$0x6080];
	[tilespmem:s17+$0x14000] =	vst v3  }
0x1d7: {  	s1 =	sand.u32 $0x3FFFFE00, s1;
	v7 =	vmul.f32 v7, v6;
	v11 =	vld [tilespmem:s20+$0x6080];
	[tilespmem:s28+$0x14050] =	vst v3  }
0x1d8: {  	s5 =	sshra.s32 s4, $0x2;
	[tilespmem:s1+$0x14000] =	vst v3;
	v12 =	vld [tilespmem:s31+$0x6040]  }
0x1d9: {  	v13 =	vld [tilespmem:s5+$0x6080];
	[tilespmem:s24+$0x141C0] =	vst v7;
	v7 =	vmul.f32 v8, v5  }
0x1da: {  	s4 =	sshra.s32 s7, $0x2;
	v8 =	vmul.f32 v9, v6;
	[tilespmem:s24+$0x14050] =	vst v3  }
0x1db: {  	v9 =	vmul.f32 v10, v4;
	v10 =	vld [tilespmem:s26+$0x60D0];
	[tilespmem:s23+$0x14150] =	vst v7  }
0x1dc: {  	v7 =	vmul.f32 v11, v4;
	[tilespmem:s28+$0x141C0] =	vst v8;
	v8 =	vld [tilespmem:s25+$0x6150]  }
0x1dd: {  	v11 =	vld [tilespmem:s4+$0x6080];
	[tilespmem:s2+$0x14080] =	vst v9;
	v9 =	vmul.f32 v12, v5  }
0x1de: {  	v12 =	vmul.f32 v13, v4;
	v13 =	vld [tilespmem:s19+$0x6000];
	[tilespmem:s17+$0x14080] =	vst v7  }
0x1df: {  	v7 =	vld [tilespmem:s20+$0x6000];
	[tilespmem:s29+$0x14140] =	vst v9  }
0x1e0: {  	[tilespmem:s1+$0x14080] =	vst v12;
	v9 =	vld [tilespmem:s31+$0x6140]  }
0x1e1: {  	v12 =	vld [tilespmem:s5+$0x6000];
	v8 =	vmul.f32 v8, v6;
	[tilespmem:s23+$0x14060] =	vst v3  }
0x1e2: {  	v10 =	vmul.f32 v10, v4;
	v14 =	vld [tilespmem:s30+$0x60D0];
	[tilespmem:s29+$0x14050] =	vst v3  }
0x1e3: {  	v13 =	vmul.f32 v13, v5;
	[tilespmem:s23+$0x141D0] =	vst v8  }
0x1e4: {  	v7 =	vmul.f32 v7, v5;
	[tilespmem:s24+$0x140D0] =	vst v10;
	v8 =	vld [tilespmem:s25+$0x60E0]  }
0x1e5: {  	v10 =	vmul.f32 v11, v4;
	[tilespmem:s2+$0x14100] =	vst v13;
	v11 =	vld [tilespmem:s26+$0x6050]  }
0x1e6: {  	v12 =	vmul.f32 v12, v5;
	v13 =	vld [tilespmem:s19+$0x6100];
	[tilespmem:s17+$0x14100] =	vst v7  }
0x1e7: {  	[tilespmem:s15+$0x14080] =	vst v10;
	v7 =	vld [tilespmem:s20+$0x6100]  }
0x1e8: {  	[tilespmem:s1+$0x14100] =	vst v12;
	v10 =	vld [tilespmem:s4+$0x6000]  }
0x1e9: {  	v12 =	vld [tilespmem:s5+$0x6100];
	[tilespmem:s2+$0x14010] =	vst v3;
	v8 =	vmul.f32 v8, v4  }
0x1ea: {  	[tilespmem:s1+$0x14010] =	vst v3  }
0x1eb: {  	v13 =	vmul.f32 v13, v6;
	[tilespmem:s23+$0x140E0] =	vst v8  }
0x1ec: {  	v7 =	vmul.f32 v7, v6;
	[tilespmem:s17+$0x14010] =	vst v3;
	v8 =	vld [tilespmem:s25+$0x6060]  }
0x1ed: {  	v10 =	vmul.f32 v10, v5;
	[tilespmem:s2+$0x14180] =	vst v13  }
0x1ee: {  	v12 =	vmul.f32 v12, v6;
	v13 =	vld [tilespmem:s19+$0x6090];
	[tilespmem:s17+$0x14180] =	vst v7  }
0x1ef: {  	[tilespmem:s15+$0x14100] =	vst v10;
	v7 =	vld [tilespmem:s20+$0x6090];
	v10 =	vmul.f32 v11, v5  }
0x1f0: {  	[tilespmem:s1+$0x14180] =	vst v12;
	v11 =	vld [tilespmem:s4+$0x6100]  }
0x1f1: {  	[tilespmem:s24+$0x14150] =	vst v10;
	v8 =	vmul.f32 v8, v5  }
0x1f2: {  	[tilespmem:s15+$0x14010] =	vst v3;
	v10 =	vld [tilespmem:s26+$0x6150]  }
0x1f3: {  	v12 =	vld [tilespmem:s5+$0x6090];
	v13 =	vmul.f32 v13, v4;
	[tilespmem:s23+$0x14160] =	vst v8  }
0x1f4: {  	v7 =	vmul.f32 v7, v4;
	[tilespmem:s24+$0x14060] =	vst v3;
	v8 =	vld [tilespmem:s25+$0x6160]  }
0x1f5: {  	v11 =	vmul.f32 v11, v6;
	[tilespmem:s2+$0x14090] =	vst v13  }
0x1f6: {  	v13 =	vld [tilespmem:s19+$0x6010];
	[tilespmem:s17+$0x14090] =	vst v7  }
0x1f7: {  	[tilespmem:s15+$0x14180] =	vst v11;
	v7 =	vld [tilespmem:s20+$0x6010];
	v11 =	vmul.f32 v14, v4  }
0x1f8: {  	v12 =	vmul.f32 v12, v4;
	v14 =	vld [tilespmem:s4+$0x6090];
	[tilespmem:s23+$0x14070] =	vst v3  }
0x1f9: {  	[tilespmem:s28+$0x140D0] =	vst v11;
	v8 =	vmul.f32 v8, v6  }
0x1fa: {  	v10 =	vmul.f32 v10, v6;
	[tilespmem:s1+$0x14090] =	vst v12;
	v11 =	vld [tilespmem:s30+$0x6050]  }
0x1fb: {  	v12 =	vld [tilespmem:s5+$0x6010];
	v13 =	vmul.f32 v13, v5;
	[tilespmem:s23+$0x141E0] =	vst v8  }
0x1fc: {  	v7 =	vmul.f32 v7, v5;
	[tilespmem:s24+$0x141D0] =	vst v10;
	v8 =	vld [tilespmem:s25+$0x60F0]  }
0x1fd: {  	v10 =	vmul.f32 v14, v4;
	[tilespmem:s2+$0x14110] =	vst v13;
	v13 =	vld [tilespmem:s26+$0x60E0]  }
0x1fe: {  	v14 =	vld [tilespmem:s19+$0x6110];
	[tilespmem:s17+$0x14110] =	vst v7;
	v7 =	vmul.f32 v9, v6  }
0x1ff: {  	[tilespmem:s15+$0x14090] =	vst v10;
	v9 =	vld [tilespmem:s20+$0x6110];
	v10 =	vmul.f32 v11, v5  }
0x200: {  	[tilespmem:s29+$0x141C0] =	vst v7  }
0x201: {  	v7 =	vmul.f32 v12, v5;
	[tilespmem:s28+$0x14150] =	vst v10;
	v10 =	vld [tilespmem:s31+$0x60D0]  }
0x202: {  	[tilespmem:s17+$0x14020] =	vst v3;
	v11 =	vld [tilespmem:s30+$0x6150]  }
0x203: {  	[tilespmem:s1+$0x14110] =	vst v7;
	v12 =	vld [tilespmem:s4+$0x6010];
	v7 =	vmul.f32 v14, v6  }
0x204: {  	v14 =	vld [tilespmem:s5+$0x6110];
	[tilespmem:s2+$0x14020] =	vst v3;
	v9 =	vmul.f32 v9, v6  }
0x205: {  	[tilespmem:s2+$0x14190] =	vst v7  }
0x206: {  	v13 =	vmul.f32 v13, v4;
	[tilespmem:s1+$0x14020] =	vst v3;
	v15 =	vld [tilespmem:s19+$0x60A0];
	v10 =	vmul.f32 v10, v4  }
0x207: {  	v7 =	vmul.f32 v8, v4;
	[tilespmem:s17+$0x14190] =	vst v9  }
0x208: {  	v8 =	vmul.f32 v12, v5;
	v9 =	vld [tilespmem:s20+$0x60A0];
	[tilespmem:s29+$0x140D0] =	vst v10  }
0x209: {  	v10 =	vmul.f32 v14, v6;
	[tilespmem:s24+$0x140E0] =	vst v13;
	v12 =	vld [tilespmem:s31+$0x6050]  }
0x20a: {  	[tilespmem:s15+$0x14110] =	vst v8;
	v8 =	vld [tilespmem:s26+$0x6060]  }
0x20b: {  	[tilespmem:s1+$0x14190] =	vst v10;
	v10 =	vld [tilespmem:s4+$0x6110];
	v13 =	vmul.f32 v15, v4  }
0x20c: {  	v11 =	vmul.f32 v11, v6;
	v14 =	vld [tilespmem:s5+$0x60A0];
	[tilespmem:s15+$0x14020] =	vst v3  }
0x20d: {  	[tilespmem:s2+$0x140A0] =	vst v13  }
0x20e: {  	v13 =	vld [tilespmem:s19+$0x6020];
	[tilespmem:s28+$0x141D0] =	vst v11;
	v11 =	vmul.f32 v12, v5  }
0x20f: {  	v8 =	vmul.f32 v8, v5;
	[tilespmem:s28+$0x14060] =	vst v3  }
0x210: {  	v10 =	vmul.f32 v10, v6;
	v12 =	vld [tilespmem:s30+$0x60E0];
	[tilespmem:s29+$0x14150] =	vst v11  }
0x211: {  	v9 =	vmul.f32 v9, v4;
	v11 =	vmul.f32 v14, v4;
	[tilespmem:s24+$0x14160] =	vst v8;
	v8 =	vld [tilespmem:s31+$0x6150]  }
0x212: {  	[tilespmem:s15+$0x14190] =	vst v10;
	v10 =	vld [tilespmem:s26+$0x6160]  }
0x213: {  	v14 =	vld [tilespmem:s4+$0x60A0];
	v13 =	vmul.f32 v13, v5;
	[tilespmem:s17+$0x140A0] =	vst v9  }
0x214: {  	v9 =	vld [tilespmem:s20+$0x6020];
	[tilespmem:s29+$0x14060] =	vst v3  }
0x215: {  	[tilespmem:s2+$0x14120] =	vst v13  }
0x216: {  	[tilespmem:s1+$0x140A0] =	vst v11;
	v11 =	vld [tilespmem:s19+$0x6120];
	v8 =	vmul.f32 v8, v6  }
0x217: {  	v10 =	vmul.f32 v10, v6;
	[tilespmem:s24+$0x14070] =	vst v3  }
0x218: {  	v13 =	vld [tilespmem:s5+$0x6020];
	v14 =	vmul.f32 v14, v4;
	[tilespmem:s29+$0x141D0] =	vst v8  }
0x219: {  	v8 =	vmul.f32 v12, v4;
	[tilespmem:s24+$0x141E0] =	vst v10;
	v10 =	vld [tilespmem:s31+$0x60E0]  }
0x21a: {  	[tilespmem:s15+$0x140A0] =	vst v14;
	v12 =	vld [tilespmem:s26+$0x60F0]  }
0x21b: {  	v14 =	vld [tilespmem:s4+$0x6020];
	v11 =	vmul.f32 v11, v6;
	[tilespmem:s28+$0x140E0] =	vst v8  }
0x21c: {  	v8 =	vmul.f32 v9, v5;
	[tilespmem:s2+$0x14030] =	vst v3;
	v9 =	vld [tilespmem:s30+$0x6060]  }
0x21d: {  	v13 =	vmul.f32 v13, v5;
	[tilespmem:s2+$0x141A0] =	vst v11  }
0x21e: {  	v11 =	vld [tilespmem:s19+$0x60B0];
	[tilespmem:s17+$0x14120] =	vst v8;
	v8 =	vmul.f32 v10, v4  }
0x21f: {  	[tilespmem:s1+$0x14120] =	vst v13;
	v10 =	vld [tilespmem:s20+$0x6120]  }
0x220: {  	v13 =	vld [tilespmem:s5+$0x6120];
	v14 =	vmul.f32 v14, v5;
	[tilespmem:s29+$0x140E0] =	vst v8  }
0x221: {  	[tilespmem:s1+$0x14030] =	vst v3;
	v8 =	vmul.f32 v9, v5;
	v9 =	vld [tilespmem:s31+$0x6060]  }
0x222: {  	[tilespmem:s15+$0x14120] =	vst v14  }
0x223: {  	v14 =	vld [tilespmem:s4+$0x6120];
	v11 =	vmul.f32 v11, v4;
	[tilespmem:s28+$0x14160] =	vst v8  }
0x224: {  	[tilespmem:s15+$0x14030] =	vst v3;
	v8 =	vld [tilespmem:s30+$0x6160]  }
0x225: {  	v13 =	vmul.f32 v13, v6;
	[tilespmem:s2+$0x140B0] =	vst v11  }
0x226: {  	v11 =	vld [tilespmem:s19+$0x6030];
	[tilespmem:s28+$0x14070] =	vst v3;
	v9 =	vmul.f32 v9, v5  }
0x227: {  	v10 =	vmul.f32 v10, v6;
	[tilespmem:s1+$0x141A0] =	vst v13  }
0x228: {  	v13 =	vmul.f32 v14, v6;
	[tilespmem:s29+$0x14160] =	vst v9  }
0x229: {  	[tilespmem:s17+$0x141A0] =	vst v10;
	v8 =	vmul.f32 v8, v6;
	v9 =	vld [tilespmem:s31+$0x6160]  }
0x22a: {  	v10 =	vld [tilespmem:s5+$0x60B0];
	[tilespmem:s15+$0x141A0] =	vst v13  }
0x22b: {  	v13 =	vld [tilespmem:s4+$0x60B0];
	v11 =	vmul.f32 v11, v5;
	[tilespmem:s28+$0x141E0] =	vst v8  }
0x22c: {  	[tilespmem:s17+$0x14030] =	vst v3;
	v8 =	vld [tilespmem:s30+$0x60F0]  }
0x22d: {  	[tilespmem:s2+$0x14130] =	vst v11;
	v11 =	vld [tilespmem:s20+$0x60B0]  }
0x22e: {  	v14 =	vld [tilespmem:s19+$0x6130];
	v9 =	vmul.f32 v9, v6;
	[tilespmem:s29+$0x14070] =	vst v3  }
0x22f: {  	v10 =	vmul.f32 v10, v4;
	[tilespmem:s2+$0x14040] =	vst v3  }
0x230: {  	v12 =	vmul.f32 v12, v4;
	[tilespmem:s29+$0x141E0] =	vst v9  }
0x231: {  	v9 =	vmul.f32 v13, v4;
	[tilespmem:s1+$0x140B0] =	vst v10;
	v10 =	vld [tilespmem:s31+$0x60F0]  }
0x232: {  	v8 =	vmul.f32 v8, v4;
	v13 =	vld [tilespmem:s5+$0x6030];
	[tilespmem:s24+$0x140F0] =	vst v12  }
0x233: {  	[tilespmem:s15+$0x140B0] =	vst v9;
	v9 =	vmul.f32 v14, v6;
	v12 =	vld [tilespmem:s26+$0x6070]  }
0x234: {  	v11 =	vmul.f32 v11, v4;
	v14 =	vld [tilespmem:s4+$0x6030];
	[tilespmem:s28+$0x140F0] =	vst v8  }
0x235: {  	[tilespmem:s2+$0x141B0] =	vst v9;
	v8 =	vld [tilespmem:s30+$0x6070]  }
0x236: {  	v9 =	vld [tilespmem:s19+$0x60C0];
	[tilespmem:s17+$0x140B0] =	vst v11;
	v10 =	vmul.f32 v10, v4  }
0x237: {  	v11 =	vmul.f32 v13, v5;
	v13 =	vld [tilespmem:s20+$0x6030];
	[tilespmem:s23+$0x140F0] =	vst v7  }
0x238: {  	v7 =	vmul.f32 v12, v5;
	v12 =	vld [tilespmem:s25+$0x6070];
	[tilespmem:s29+$0x140F0] =	vst v10  }
0x239: {  	[tilespmem:s1+$0x14130] =	vst v11;
	v10 =	vld [tilespmem:s31+$0x6070]  }
0x23a: {  	v14 =	vmul.f32 v14, v5;
	v11 =	vld [tilespmem:s5+$0x6130];
	[tilespmem:s24+$0x14170] =	vst v7  }
0x23b: {  	[tilespmem:s1+$0x14040] =	vst v3;
	v7 =	vmul.f32 v9, v4;
	v9 =	vld [tilespmem:s26+$0x6170];
	s26 =	smov.u32 s5  }
0x23c: {  	[tilespmem:s15+$0x14130] =	vst v14  }
0x23d: {  	v14 =	vld [tilespmem:s4+$0x6130];
	[tilespmem:s2+$0x140C0] =	vst v7;
	v7 =	vmul.f32 v8, v5;
	v8 =	vmul.f32 v12, v5  }
0x23e: {  	v13 =	vmul.f32 v13, v5;
	[tilespmem:s15+$0x14040] =	vst v3;
	v12 =	vld [tilespmem:s19+$0x6040]  }
0x23f: {  	v11 =	vmul.f32 v11, v6;
	[tilespmem:s28+$0x14170] =	vst v7  }
0x240: {  	[tilespmem:s17+$0x14130] =	vst v13;
	v7 =	vld [tilespmem:s30+$0x6170];
	s30 =	smov.u32 s4  }
0x241: {  	v10 =	vmul.f32 v10, v5;
	[tilespmem:s1+$0x141B0] =	vst v11;
	v11 =	vld [tilespmem:s20+$0x6130]  }
0x242: {  	v13 =	vld [tilespmem:s26+$0x60C0];
	v14 =	vmul.f32 v14, v6;
	[tilespmem:s17+$0x14040] =	vst v3  }
0x243: {  	v12 =	vmul.f32 v12, v5;
	[tilespmem:s29+$0x14170] =	vst v10  }
0x244: {  	v9 =	vmul.f32 v9, v6;
	[tilespmem:s15+$0x141B0] =	vst v14;
	v10 =	vld [tilespmem:s31+$0x6170];
	s31 =	smov.u32 s20  }
0x245: {  	v14 =	vld [tilespmem:s30+$0x60C0];
	[tilespmem:s2+$0x14140] =	vst v12  }
0x246: {  	v7 =	vmul.f32 v7, v6;
	v12 =	vld [tilespmem:s19+$0x6140];
	[tilespmem:s23+$0x14170] =	vst v8  }
0x247: {  	v8 =	vmul.f32 v13, v4;
	[tilespmem:s2+$0x14050] =	vst v3;
	v13 =	vld [tilespmem:s25+$0x6170];
	s25 =	smov.u32 s19  }
0x248: {  	v11 =	vmul.f32 v11, v6;
	[tilespmem:s28+$0x141F0] =	vst v7;
	s28 =	smov.u32 s15  }
0x249: {  	[tilespmem:s1+$0x140C0] =	vst v8;
	v7 =	vmul.f32 v10, v6  }
0x24a: {  	v10 =	vld [tilespmem:s26+$0x6040];
	v8 =	vmul.f32 v14, v4;
	[tilespmem:s17+$0x141B0] =	vst v11  }
0x24b: {  	v11 =	vmul.f32 v12, v6;
	v12 =	vld [tilespmem:s31+$0x60C0];
	[tilespmem:s29+$0x141F0] =	vst v7;
	s29 =	smov.u32 s17  }
0x24c: {  	[tilespmem:s28+$0x140C0] =	vst v8;
	v7 =	vmul.f32 v13, v6  }
0x24d: {  	v13 =	vld [tilespmem:s30+$0x6040];
	[tilespmem:s2+$0x141C0] =	vst v11  }
.Ltmp1:
0x24e: {  	v8 =	vld [tilespmem:s25+$0x60D0];
	[tilespmem:s23+$0x141F0] =	vst v7;
	s23 =	smov.u32 s2;
	(pc) =	sbr.rel @p0 .LBB2_4-.Ltmp1, $4  }
0x24f: {  	v7 =	vmul.f32 v10, v5;
	[tilespmem:s24+$0x141F0] =	vst v9;
	s24 =	smov.u32 s1  }
0x250: {  	v10 =	vmul.f32 v12, v4  }
0x251: {  	[tilespmem:s24+$0x14140] =	vst v7  }
0x252: {  	s1 =	smov.u32 s0;
	v7 =	vld [tilespmem:s26+$0x6140];
	v9 =	vmul.f32 v13, v5;
	[tilespmem:s29+$0x140C0] =	vst v10  }
0x253: {  	v10 =	vld [tilespmem:s31+$0x6040];
	_ =	sdelay $0x3  }
0x254: {  	[tilespmem:s28+$0x14140] =	vst v9  }
0x255: {  	v9 =	vld [tilespmem:s30+$0x6140];
	v10 =	vmul.f32 v10, v5;
	_ =	sdelay $0x1  }
0x256: {  	[tilespmem:s29+$0x14140] =	vst v10  }
0x257: {  	v10 =	vld [tilespmem:s31+$0x6140];
	_ =	sdelay $0x1  }
0x258: {  	[tilespmem:s24+$0x14050] =	vst v3;
	v9 =	vmul.f32 v9, v6  }
0x259: {  	[tilespmem:s28+$0x14050] =	vst v3;
	v7 =	vmul.f32 v7, v6  }
0x25a: {  	[tilespmem:s28+$0x141C0] =	vst v9  }
0x25b: {  	[tilespmem:s24+$0x141C0] =	vst v7;
	v9 =	vld [tilespmem:s30+$0x60D0];
	v10 =	vmul.f32 v10, v6  }
0x25c: {  	[tilespmem:s29+$0x14050] =	vst v3  }
0x25d: {  	v8 =	vmul.f32 v8, v4;
	[tilespmem:s29+$0x141C0] =	vst v10;
	v10 =	vld [tilespmem:s26+$0x60D0]  }
0x25e: {  	v7 =	vld [tilespmem:s31+$0x60D0]  }
0x25f: {  	[tilespmem:s23+$0x140D0] =	vst v8  }
0x260: {  	v8 =	vld [tilespmem:s25+$0x6050];
	v9 =	vmul.f32 v9, v4;
	_ =	sdelay $0x1  }
0x261: {  	[tilespmem:s28+$0x140D0] =	vst v9;
	v10 =	vmul.f32 v10, v4  }
0x262: {  	v9 =	vld [tilespmem:s30+$0x6050];
	v7 =	vmul.f32 v7, v4  }
0x263: {  	[tilespmem:s24+$0x140D0] =	vst v10  }
0x264: {  	v8 =	vmul.f32 v8, v5;
	[tilespmem:s29+$0x140D0] =	vst v7;
	v10 =	vld [tilespmem:s26+$0x6050]  }
0x265: {  	v7 =	vld [tilespmem:s31+$0x6050]  }
0x266: {  	[tilespmem:s23+$0x14150] =	vst v8  }
0x267: {  	v8 =	vld [tilespmem:s25+$0x6150];
	v9 =	vmul.f32 v9, v5;
	_ =	sdelay $0x1  }
0x268: {  	[tilespmem:s28+$0x14150] =	vst v9;
	v10 =	vmul.f32 v10, v5  }
0x269: {  	v9 =	vld [tilespmem:s30+$0x6150];
	v7 =	vmul.f32 v7, v5  }
0x26a: {  	[tilespmem:s24+$0x14150] =	vst v10  }
0x26b: {  	v8 =	vmul.f32 v8, v6;
	[tilespmem:s29+$0x14150] =	vst v7;
	v10 =	vld [tilespmem:s26+$0x6150]  }
0x26c: {  	[tilespmem:s23+$0x14060] =	vst v3;
	v7 =	vld [tilespmem:s31+$0x6150]  }
0x26d: {  	[tilespmem:s23+$0x141D0] =	vst v8  }
0x26e: {  	[tilespmem:s28+$0x14060] =	vst v3;
	v9 =	vmul.f32 v9, v6  }
0x26f: {  	v8 =	vld [tilespmem:s25+$0x60E0];
	[tilespmem:s24+$0x14060] =	vst v3  }
0x270: {  	[tilespmem:s28+$0x141D0] =	vst v9;
	v10 =	vmul.f32 v10, v6  }
0x271: {  	[tilespmem:s29+$0x14060] =	vst v3;
	v9 =	vld [tilespmem:s30+$0x60E0];
	v7 =	vmul.f32 v7, v6  }
0x272: {  	[tilespmem:s24+$0x141D0] =	vst v10  }
0x273: {  	[tilespmem:s29+$0x141D0] =	vst v7;
	v10 =	vld [tilespmem:s26+$0x60E0]  }
0x274: {  	v8 =	vmul.f32 v8, v4;
	v7 =	vld [tilespmem:s31+$0x60E0];
	_ =	sdelay $0x1  }
0x275: {  	[tilespmem:s23+$0x140E0] =	vst v8;
	v8 =	vmul.f32 v9, v4  }
0x276: {  	v9 =	vld [tilespmem:s25+$0x6060]  }
0x277: {  	[tilespmem:s28+$0x140E0] =	vst v8;
	v10 =	vmul.f32 v10, v4  }
0x278: {  	v8 =	vld [tilespmem:s30+$0x6060];
	v7 =	vmul.f32 v7, v4  }
0x279: {  	[tilespmem:s24+$0x140E0] =	vst v10  }
0x27a: {  	[tilespmem:s29+$0x140E0] =	vst v7;
	v10 =	vld [tilespmem:s26+$0x6060]  }
0x27b: {  	v9 =	vmul.f32 v9, v5;
	v7 =	vld [tilespmem:s31+$0x6060];
	_ =	sdelay $0x1  }
0x27c: {  	[tilespmem:s23+$0x14160] =	vst v9;
	v8 =	vmul.f32 v8, v5  }
0x27d: {  	v9 =	vld [tilespmem:s25+$0x6160]  }
0x27e: {  	[tilespmem:s28+$0x14160] =	vst v8;
	v10 =	vmul.f32 v10, v5  }
0x27f: {  	v8 =	vld [tilespmem:s30+$0x6160];
	v7 =	vmul.f32 v7, v5  }
0x280: {  	[tilespmem:s24+$0x14160] =	vst v10  }
0x281: {  	[tilespmem:s29+$0x14160] =	vst v7;
	v10 =	vld [tilespmem:s26+$0x6160]  }
0x282: {  	[tilespmem:s23+$0x14070] =	vst v3;
	v9 =	vmul.f32 v9, v6;
	v7 =	vld [tilespmem:s31+$0x6160]  }
0x283: {  	[tilespmem:s28+$0x14070] =	vst v3  }
0x284: {  	[tilespmem:s23+$0x141E0] =	vst v9;
	v8 =	vmul.f32 v8, v6  }
0x285: {  	[tilespmem:s24+$0x14070] =	vst v3  }
0x286: {  	[tilespmem:s28+$0x141E0] =	vst v8;
	v8 =	vmul.f32 v10, v6  }
0x287: {  	[tilespmem:s29+$0x14070] =	vst v3;
	v9 =	vld [tilespmem:s30+$0x60F0];
	v7 =	vmul.f32 v7, v6  }
0x288: {  	v10 =	vld [tilespmem:s25+$0x60F0];
	[tilespmem:s24+$0x141E0] =	vst v8  }
0x289: {  	[tilespmem:s29+$0x141E0] =	vst v7;
	v8 =	vld [tilespmem:s26+$0x60F0]  }
0x28a: {  	v7 =	vld [tilespmem:s31+$0x60F0];
	_ =	sdelay $0x1  }
0x28b: {  	v9 =	vmul.f32 v9, v4  }
0x28c: {  	v10 =	vmul.f32 v10, v4  }
0x28d: {  	[tilespmem:s28+$0x140F0] =	vst v9;
	v8 =	vmul.f32 v8, v4  }
0x28e: {  	v9 =	vld [tilespmem:s30+$0x6070];
	[tilespmem:s23+$0x140F0] =	vst v10;
	v7 =	vmul.f32 v7, v4  }
0x28f: {  	[tilespmem:s24+$0x140F0] =	vst v8;
	v8 =	vld [tilespmem:s25+$0x6070]  }
0x290: {  	[tilespmem:s29+$0x140F0] =	vst v7;
	v10 =	vld [tilespmem:s26+$0x6070]  }
0x291: {  	v7 =	vld [tilespmem:s31+$0x6070];
	_ =	sdelay $0x1  }
0x292: {  	v9 =	vmul.f32 v9, v5  }
0x293: {  	v8 =	vmul.f32 v8, v5  }
0x294: {  	[tilespmem:s28+$0x14170] =	vst v9;
	v9 =	vmul.f32 v10, v5  }
0x295: {  	v10 =	vld [tilespmem:s30+$0x6170];
	v7 =	vmul.f32 v7, v5;
	[tilespmem:s23+$0x14170] =	vst v8  }
0x296: {  	[tilespmem:s24+$0x14170] =	vst v9;
	v8 =	vld [tilespmem:s25+$0x6170]  }
0x297: {  	[tilespmem:s29+$0x14170] =	vst v7;
	v9 =	vld [tilespmem:s26+$0x6170]  }
0x298: {  	v7 =	vld [tilespmem:s31+$0x6170];
	_ =	sdelay $0x1  }
0x299: {  	v10 =	vmul.f32 v10, v6  }
0x29a: {  	v8 =	vmul.f32 v8, v6  }
0x29b: {  	[tilespmem:s28+$0x141F0] =	vst v10;
	v9 =	vmul.f32 v9, v6  }
0x29c: {  	v7 =	vmul.f32 v7, v6;
	[tilespmem:s23+$0x141F0] =	vst v8  }
0x29d: {  	[tilespmem:s24+$0x141F0] =	vst v9  }
0x29e: {  	[tilespmem:s29+$0x141F0] =	vst v7  }
0x29f: {  	s0 =	simm.s32 $0x0;
	s2 =	simm.s32 $0x14000;
	s1 =	rddreg [dreg:$0x8]  }
0x2a0: {  	[hbm4b:s1+s0] =	stream.linear.scatter [tilespmem:s2], [sflag:$0x2], $0x8000, $0x38;
	[tilespmem:$0x1C010] =	vst v63  }
0x2a1: {  	s5 =	rddreg [dreg:$0x9]  }
0x2a2: {  	[tilespmem:s8], [sflag:$0x1] =	stream.strided.gather [hbm4b:s5+s13], $0x6000, s14, s13, $0x38;
	[tilespmem:$0x1C010] =	vst v63  }
0x2a3: {  	_ =	swait.ge [sflag:s21], $0x8000  }
0x2a4: {  	[sflag:s21] =	ssyncset.done $0x0  }
0x2a5: {  	[sflag:s21] =	ssyncadd.s32 $0xFFFF8000  }
0x2a6: {  	s6 =	sor.u32 $0x2, s0;
	_ =	swait.ge [sflag:s18], $0x6000  }
0x2a7: {  	s7 =	sshll.u32 s6, $0x9;
	s1 =	smul.u32 $0x600, s6;
	[sflag:s18] =	ssyncset.done $0x0  }
0x2a8: {  	s23 =	sand.u32 $0x3FFFFE00, s7;
	[sflag:s18] =	ssyncadd.s32 $0xFFFFA000  }
0x2a9: {  	s25 =	sshra.s32 s1, $0x2;
	[tilespmem:s23+$0xC000] =	vst v3  }
0x2aa: {  	v7 =	vld [tilespmem:s25+$0x80];
	_ =	sdelay $0x4  }
0x2ab: {  	v7 =	vmul.f32 v7, v4;
	_ =	sdelay $0x1  }
0x2ac: {  	[tilespmem:s23+$0xC080] =	vst v7  }
0x2ad: {  	s15 =	smul.u32 $0x600, s0;
	s17 =	sor.u32 $0x1, s0;
	s8 =	simm.s32 $0x0;
	v7 =	vld [tilespmem:s25+$0x0]  }
0x2ae: {  	s19 =	sshll.u32 s17, $0x9;
	s24 =	sand.u32 $0x3FFFFE00, s8  }
0x2af: {  	s26 =	sshra.s32 s15, $0x2;
	s0 =	sor.u32 $0x3, s0;
	s1 =	smul.u32 $0x600, s17;
	[tilespmem:s24+$0xC000] =	vst v3  }
0x2b0: {  	s28 =	sand.u32 $0x3FFFFE00, s19;
	s20 =	smul.u32 $0x600, s0;
	s0 =	sshll.u32 s0, $0x9;
	v8 =	vld [tilespmem:s26+$0x80]  }
0x2b1: {  	s29 =	sand.u32 $0x3FFFFE00, s0;
	s30 =	sshra.s32 s1, $0x2;
	[tilespmem:s28+$0xC000] =	vst v3  }
0x2b2: {  	s31 =	sshra.s32 s20, $0x2;
	[tilespmem:s29+$0xC000] =	vst v3;
	v9 =	vld [tilespmem:s30+$0x80];
	v7 =	vmul.f32 v7, v5  }
0x2b3: {  	v10 =	vld [tilespmem:s31+$0x80]  }
0x2b4: {  	[tilespmem:s23+$0xC100] =	vst v7  }
0x2b5: {  	v8 =	vmul.f32 v8, v4;
	v7 =	vld [tilespmem:s25+$0x100];
	_ =	sdelay $0x1  }
0x2b6: {  	v9 =	vmul.f32 v9, v4;
	[tilespmem:s24+$0xC080] =	vst v8  }
0x2b7: {  	v10 =	vmul.f32 v10, v4;
	v8 =	vld [tilespmem:s26+$0x0]  }
0x2b8: {  	[tilespmem:s28+$0xC080] =	vst v9  }
0x2b9: {  	[tilespmem:s29+$0xC080] =	vst v10;
	v9 =	vld [tilespmem:s30+$0x0];
	v7 =	vmul.f32 v7, v6  }
0x2ba: {  	v10 =	vld [tilespmem:s31+$0x0];
	[tilespmem:s23+$0xC010] =	vst v3  }
0x2bb: {  	[tilespmem:s23+$0xC180] =	vst v7  }
0x2bc: {  	v8 =	vmul.f32 v8, v5;
	v7 =	vld [tilespmem:s25+$0x90];
	_ =	sdelay $0x1  }
0x2bd: {  	v9 =	vmul.f32 v9, v5;
	[tilespmem:s24+$0xC100] =	vst v8  }
0x2be: {  	v10 =	vmul.f32 v10, v5;
	v8 =	vld [tilespmem:s26+$0x100]  }
0x2bf: {  	[tilespmem:s28+$0xC100] =	vst v9  }
0x2c0: {  	[tilespmem:s29+$0xC100] =	vst v10;
	v9 =	vld [tilespmem:s30+$0x100];
	v7 =	vmul.f32 v7, v4  }
0x2c1: {  	v10 =	vld [tilespmem:s31+$0x100]  }
0x2c2: {  	[tilespmem:s23+$0xC090] =	vst v7  }
0x2c3: {  	[tilespmem:s24+$0xC010] =	vst v3;
	v8 =	vmul.f32 v8, v6;
	v7 =	vld [tilespmem:s25+$0x10]  }
0x2c4: {  	[tilespmem:s28+$0xC010] =	vst v3  }
0x2c5: {  	v9 =	vmul.f32 v9, v6;
	[tilespmem:s24+$0xC180] =	vst v8  }
0x2c6: {  	[tilespmem:s29+$0xC010] =	vst v3;
	v10 =	vmul.f32 v10, v6;
	v8 =	vld [tilespmem:s26+$0x90]  }
0x2c7: {  	[tilespmem:s28+$0xC180] =	vst v9  }
0x2c8: {  	[tilespmem:s29+$0xC180] =	vst v10;
	v9 =	vld [tilespmem:s30+$0x90];
	v7 =	vmul.f32 v7, v5  }
0x2c9: {  	v10 =	vld [tilespmem:s31+$0x90]  }
0x2ca: {  	[tilespmem:s23+$0xC110] =	vst v7  }
0x2cb: {  	v8 =	vmul.f32 v8, v4;
	v7 =	vld [tilespmem:s25+$0x110];
	_ =	sdelay $0x1  }
0x2cc: {  	v9 =	vmul.f32 v9, v4;
	[tilespmem:s24+$0xC090] =	vst v8  }
0x2cd: {  	v10 =	vmul.f32 v10, v4;
	v8 =	vld [tilespmem:s26+$0x10]  }
0x2ce: {  	[tilespmem:s28+$0xC090] =	vst v9  }
0x2cf: {  	[tilespmem:s29+$0xC090] =	vst v10;
	v9 =	vld [tilespmem:s30+$0x10];
	v7 =	vmul.f32 v7, v6  }
0x2d0: {  	v10 =	vld [tilespmem:s31+$0x10];
	[tilespmem:s23+$0xC020] =	vst v3  }
0x2d1: {  	[tilespmem:s23+$0xC190] =	vst v7  }
0x2d2: {  	v8 =	vmul.f32 v8, v5;
	v7 =	vld [tilespmem:s25+$0xA0];
	_ =	sdelay $0x1  }
0x2d3: {  	v9 =	vmul.f32 v9, v5;
	[tilespmem:s24+$0xC110] =	vst v8  }
0x2d4: {  	v10 =	vmul.f32 v10, v5;
	v8 =	vld [tilespmem:s26+$0x110]  }
0x2d5: {  	[tilespmem:s28+$0xC110] =	vst v9  }
0x2d6: {  	[tilespmem:s29+$0xC110] =	vst v10;
	v9 =	vld [tilespmem:s30+$0x110];
	v7 =	vmul.f32 v7, v4  }
0x2d7: {  	v10 =	vld [tilespmem:s31+$0x110]  }
0x2d8: {  	[tilespmem:s23+$0xC0A0] =	vst v7  }
0x2d9: {  	[tilespmem:s24+$0xC020] =	vst v3;
	v8 =	vmul.f32 v8, v6;
	v7 =	vld [tilespmem:s25+$0x20]  }
0x2da: {  	[tilespmem:s28+$0xC020] =	vst v3  }
0x2db: {  	v9 =	vmul.f32 v9, v6;
	[tilespmem:s24+$0xC190] =	vst v8  }
0x2dc: {  	[tilespmem:s29+$0xC020] =	vst v3;
	v10 =	vmul.f32 v10, v6;
	v8 =	vld [tilespmem:s26+$0xA0]  }
0x2dd: {  	[tilespmem:s28+$0xC190] =	vst v9  }
0x2de: {  	[tilespmem:s29+$0xC190] =	vst v10;
	v9 =	vld [tilespmem:s30+$0xA0];
	v7 =	vmul.f32 v7, v5  }
0x2df: {  	v10 =	vld [tilespmem:s31+$0xA0]  }
0x2e0: {  	[tilespmem:s23+$0xC120] =	vst v7  }
0x2e1: {  	v8 =	vmul.f32 v8, v4;
	v7 =	vld [tilespmem:s25+$0x120];
	_ =	sdelay $0x1  }
0x2e2: {  	v9 =	vmul.f32 v9, v4;
	[tilespmem:s24+$0xC0A0] =	vst v8  }
0x2e3: {  	v10 =	vmul.f32 v10, v4;
	v8 =	vld [tilespmem:s26+$0x20]  }
0x2e4: {  	[tilespmem:s28+$0xC0A0] =	vst v9  }
0x2e5: {  	[tilespmem:s29+$0xC0A0] =	vst v10;
	v9 =	vld [tilespmem:s30+$0x20];
	v7 =	vmul.f32 v7, v6  }
0x2e6: {  	[tilespmem:s23+$0xC030] =	vst v3  }
0x2e7: {  	v10 =	vld [tilespmem:s31+$0x20];
	[tilespmem:s23+$0xC1A0] =	vst v7  }
0x2e8: {  	v8 =	vmul.f32 v8, v5;
	v7 =	vld [tilespmem:s25+$0xB0];
	_ =	sdelay $0x1  }
0x2e9: {  	v9 =	vmul.f32 v9, v5;
	[tilespmem:s24+$0xC120] =	vst v8  }
0x2ea: {  	v8 =	vld [tilespmem:s26+$0x120]  }
0x2eb: {  	v10 =	vmul.f32 v10, v5;
	[tilespmem:s28+$0xC120] =	vst v9  }
0x2ec: {  	v9 =	vld [tilespmem:s30+$0x120];
	v7 =	vmul.f32 v7, v4  }
0x2ed: {  	[tilespmem:s29+$0xC120] =	vst v10  }
0x2ee: {  	v10 =	vld [tilespmem:s31+$0x120];
	[tilespmem:s23+$0xC0B0] =	vst v7  }
0x2ef: {  	v8 =	vmul.f32 v8, v6;
	v7 =	vld [tilespmem:s25+$0x30]  }
0x2f0: {  	[tilespmem:s24+$0xC030] =	vst v3  }
0x2f1: {  	[tilespmem:s24+$0xC1A0] =	vst v8;
	v8 =	vmul.f32 v9, v6  }
0x2f2: {  	[tilespmem:s28+$0xC030] =	vst v3;
	v9 =	vld [tilespmem:s26+$0xB0]  }
0x2f3: {  	[tilespmem:s28+$0xC1A0] =	vst v8  }
0x2f4: {  	v8 =	vmul.f32 v10, v6;
	v10 =	vld [tilespmem:s30+$0xB0];
	v7 =	vmul.f32 v7, v5;
	_ =	sdelay $0x1  }
0x2f5: {  	[tilespmem:s23+$0xC130] =	vst v7  }
0x2f6: {  	[tilespmem:s29+$0xC1A0] =	vst v8;
	v8 =	vmul.f32 v9, v4;
	v7 =	vld [tilespmem:s25+$0x130]  }
0x2f7: {  	[tilespmem:s29+$0xC030] =	vst v3  }
0x2f8: {  	[tilespmem:s24+$0xC0B0] =	vst v8;
	v8 =	vmul.f32 v10, v4;
	v10 =	vld [tilespmem:s31+$0xB0]  }
0x2f9: {  	v9 =	vld [tilespmem:s26+$0x30];
	_ =	sdelay $0x1  }
0x2fa: {  	[tilespmem:s28+$0xC0B0] =	vst v8;
	v7 =	vmul.f32 v7, v6  }
0x2fb: {  	v8 =	vld [tilespmem:s30+$0x30];
	[tilespmem:s23+$0xC040] =	vst v3  }
0x2fc: {  	v10 =	vmul.f32 v10, v4;
	[tilespmem:s23+$0xC1B0] =	vst v7  }
0x2fd: {  	v9 =	vmul.f32 v9, v5;
	v7 =	vld [tilespmem:s25+$0xC0]  }
0x2fe: {  	[tilespmem:s29+$0xC0B0] =	vst v10  }
0x2ff: {  	[tilespmem:s24+$0xC130] =	vst v9;
	v10 =	vld [tilespmem:s31+$0x30]  }
0x300: {  	v8 =	vmul.f32 v8, v5;
	v9 =	vld [tilespmem:s26+$0x130];
	_ =	sdelay $0x1  }
0x301: {  	[tilespmem:s28+$0xC130] =	vst v8;
	v7 =	vmul.f32 v7, v4  }
0x302: {  	v8 =	vld [tilespmem:s30+$0x130]  }
0x303: {  	[tilespmem:s23+$0xC0C0] =	vst v7  }
0x304: {  	v9 =	vmul.f32 v9, v6;
	v7 =	vmul.f32 v10, v5;
	v10 =	vld [tilespmem:s25+$0x40]  }
0x305: {  	[tilespmem:s24+$0xC040] =	vst v3  }
0x306: {  	[tilespmem:s24+$0xC1B0] =	vst v9  }
0x307: {  	v8 =	vmul.f32 v8, v6;
	[tilespmem:s29+$0xC130] =	vst v7;
	v7 =	vld [tilespmem:s26+$0xC0]  }
0x308: {  	[tilespmem:s28+$0xC040] =	vst v3;
	v9 =	vld [tilespmem:s31+$0x130]  }
0x309: {  	[tilespmem:s28+$0xC1B0] =	vst v8;
	v10 =	vmul.f32 v10, v5  }
0x30a: {  	v8 =	vld [tilespmem:s30+$0xC0]  }
0x30b: {  	[tilespmem:s23+$0xC140] =	vst v10  }
0x30c: {  	v7 =	vmul.f32 v7, v4;
	v10 =	vld [tilespmem:s25+$0x140]  }
0x30d: {  	[tilespmem:s29+$0xC040] =	vst v3;
	v9 =	vmul.f32 v9, v6  }
0x30e: {  	[tilespmem:s24+$0xC0C0] =	vst v7  }
0x30f: {  	v8 =	vmul.f32 v8, v4;
	v7 =	vld [tilespmem:s26+$0x40];
	[tilespmem:s29+$0xC1B0] =	vst v9  }
0x310: {  	v9 =	vld [tilespmem:s31+$0xC0]  }
0x311: {  	[tilespmem:s28+$0xC0C0] =	vst v8;
	v8 =	vmul.f32 v10, v6  }
0x312: {  	v11 =	vld [tilespmem:s30+$0x40];
	[tilespmem:s23+$0xC050] =	vst v3  }
0x313: {  	[tilespmem:s23+$0xC1C0] =	vst v8  }
0x314: {  	v7 =	vmul.f32 v7, v5;
	v8 =	vld [tilespmem:s25+$0xD0]  }
0x315: {  	v10 =	vmul.f32 v9, v4  }
0x316: {  	[tilespmem:s24+$0xC140] =	vst v7  }
0x317: {  	s1 =	simm.s32 $0x4;
	v9 =	vmul.f32 v11, v5;
	v7 =	vld [tilespmem:s26+$0x140];
	[tilespmem:s29+$0xC0C0] =	vst v10  }
.LBB2_6:
0x318: {  	s2 =	sor.u32 $0x1, s1  }
0x319: {  	s4 =	sor.u32 $0x3, s1;
	v8 =	vmul.f32 v8, v4;
	s5 =	smov.u32 s1;
	s0 =	sadd.s32 $0x4, s1  }
0x31a: {  	s6 =	sshll.u32 s2, $0x9;
	s7 =	sor.u32 $0x2, s5;
	s20 =	smul.u32 $0x600, s4;
	[tilespmem:s28+$0xC140] =	vst v9  }
0x31b: {  	s15 =	sand.u32 $0x3FFFFE00, s6;
	s6 =	sshll.u32 s7, $0x9;
	s7 =	smul.u32 $0x600, s7;
	v9 =	vld [tilespmem:s30+$0x140];
	[tilespmem:s23+$0xC0D0] =	vst v8  }
0x31c: {  	s8 =	smul.u32 $0x600, s2;
	s4 =	sshll.u32 s4, $0x9;
	[tilespmem:s15+$0xC000] =	vst v3;
	s2 =	sand.u32 $0x3FFFFE00, s6;
	v8 =	vld [tilespmem:s25+$0x50]  }
0x31d: {  	p0 =	slt.u32 s1, $0x3C;
	s17 =	sand.u32 $0x3FFFFE00, s4;
	[tilespmem:s2+$0xC000] =	vst v3;
	s19 =	sshra.s32 s7, $0x2  }
0x31e: {  	s1 =	sshll.u32 s5, $0x9;
	s4 =	smul.u32 $0x600, s5;
	s20 =	sshra.s32 s20, $0x2;
	v10 =	vld [tilespmem:s19+$0x80];
	[tilespmem:s17+$0xC000] =	vst v3  }
0x31f: {  	s1 =	sand.u32 $0x3FFFFE00, s1;
	v7 =	vmul.f32 v7, v6;
	v11 =	vld [tilespmem:s20+$0x80];
	[tilespmem:s28+$0xC050] =	vst v3  }
0x320: {  	s5 =	sshra.s32 s4, $0x2;
	[tilespmem:s1+$0xC000] =	vst v3;
	v12 =	vld [tilespmem:s31+$0x40]  }
0x321: {  	v13 =	vld [tilespmem:s5+$0x80];
	[tilespmem:s24+$0xC1C0] =	vst v7;
	v7 =	vmul.f32 v8, v5  }
0x322: {  	s4 =	sshra.s32 s8, $0x2;
	v8 =	vmul.f32 v9, v6;
	[tilespmem:s24+$0xC050] =	vst v3  }
0x323: {  	v9 =	vmul.f32 v10, v4;
	v10 =	vld [tilespmem:s26+$0xD0];
	[tilespmem:s23+$0xC150] =	vst v7  }
0x324: {  	v7 =	vmul.f32 v11, v4;
	[tilespmem:s28+$0xC1C0] =	vst v8;
	v8 =	vld [tilespmem:s25+$0x150]  }
0x325: {  	v11 =	vld [tilespmem:s4+$0x80];
	[tilespmem:s2+$0xC080] =	vst v9;
	v9 =	vmul.f32 v12, v5  }
0x326: {  	v12 =	vmul.f32 v13, v4;
	v13 =	vld [tilespmem:s19+$0x0];
	[tilespmem:s17+$0xC080] =	vst v7  }
0x327: {  	v7 =	vld [tilespmem:s20+$0x0];
	[tilespmem:s29+$0xC140] =	vst v9  }
0x328: {  	[tilespmem:s1+$0xC080] =	vst v12;
	v9 =	vld [tilespmem:s31+$0x140]  }
0x329: {  	v12 =	vld [tilespmem:s5+$0x0];
	v8 =	vmul.f32 v8, v6;
	[tilespmem:s23+$0xC060] =	vst v3  }
0x32a: {  	v10 =	vmul.f32 v10, v4;
	v14 =	vld [tilespmem:s30+$0xD0];
	[tilespmem:s29+$0xC050] =	vst v3  }
0x32b: {  	v13 =	vmul.f32 v13, v5;
	[tilespmem:s23+$0xC1D0] =	vst v8  }
0x32c: {  	v7 =	vmul.f32 v7, v5;
	[tilespmem:s24+$0xC0D0] =	vst v10;
	v8 =	vld [tilespmem:s25+$0xE0]  }
0x32d: {  	v10 =	vmul.f32 v11, v4;
	[tilespmem:s2+$0xC100] =	vst v13;
	v11 =	vld [tilespmem:s26+$0x50]  }
0x32e: {  	v12 =	vmul.f32 v12, v5;
	v13 =	vld [tilespmem:s19+$0x100];
	[tilespmem:s17+$0xC100] =	vst v7  }
0x32f: {  	[tilespmem:s15+$0xC080] =	vst v10;
	v7 =	vld [tilespmem:s20+$0x100]  }
0x330: {  	[tilespmem:s1+$0xC100] =	vst v12;
	v10 =	vld [tilespmem:s4+$0x0]  }
0x331: {  	v12 =	vld [tilespmem:s5+$0x100];
	[tilespmem:s2+$0xC010] =	vst v3;
	v8 =	vmul.f32 v8, v4  }
0x332: {  	[tilespmem:s1+$0xC010] =	vst v3  }
0x333: {  	v13 =	vmul.f32 v13, v6;
	[tilespmem:s23+$0xC0E0] =	vst v8  }
0x334: {  	v7 =	vmul.f32 v7, v6;
	[tilespmem:s17+$0xC010] =	vst v3;
	v8 =	vld [tilespmem:s25+$0x60]  }
0x335: {  	v10 =	vmul.f32 v10, v5;
	[tilespmem:s2+$0xC180] =	vst v13  }
0x336: {  	v12 =	vmul.f32 v12, v6;
	v13 =	vld [tilespmem:s19+$0x90];
	[tilespmem:s17+$0xC180] =	vst v7  }
0x337: {  	[tilespmem:s15+$0xC100] =	vst v10;
	v7 =	vld [tilespmem:s20+$0x90];
	v10 =	vmul.f32 v11, v5  }
0x338: {  	[tilespmem:s1+$0xC180] =	vst v12;
	v11 =	vld [tilespmem:s4+$0x100]  }
0x339: {  	[tilespmem:s24+$0xC150] =	vst v10;
	v8 =	vmul.f32 v8, v5  }
0x33a: {  	[tilespmem:s15+$0xC010] =	vst v3;
	v10 =	vld [tilespmem:s26+$0x150]  }
0x33b: {  	v12 =	vld [tilespmem:s5+$0x90];
	v13 =	vmul.f32 v13, v4;
	[tilespmem:s23+$0xC160] =	vst v8  }
0x33c: {  	v7 =	vmul.f32 v7, v4;
	[tilespmem:s24+$0xC060] =	vst v3;
	v8 =	vld [tilespmem:s25+$0x160]  }
0x33d: {  	v11 =	vmul.f32 v11, v6;
	[tilespmem:s2+$0xC090] =	vst v13  }
0x33e: {  	v13 =	vld [tilespmem:s19+$0x10];
	[tilespmem:s17+$0xC090] =	vst v7  }
0x33f: {  	[tilespmem:s15+$0xC180] =	vst v11;
	v7 =	vld [tilespmem:s20+$0x10];
	v11 =	vmul.f32 v14, v4  }
0x340: {  	v12 =	vmul.f32 v12, v4;
	v14 =	vld [tilespmem:s4+$0x90];
	[tilespmem:s23+$0xC070] =	vst v3  }
0x341: {  	[tilespmem:s28+$0xC0D0] =	vst v11;
	v8 =	vmul.f32 v8, v6  }
0x342: {  	v10 =	vmul.f32 v10, v6;
	[tilespmem:s1+$0xC090] =	vst v12;
	v11 =	vld [tilespmem:s30+$0x50]  }
0x343: {  	v12 =	vld [tilespmem:s5+$0x10];
	v13 =	vmul.f32 v13, v5;
	[tilespmem:s23+$0xC1E0] =	vst v8  }
0x344: {  	v7 =	vmul.f32 v7, v5;
	[tilespmem:s24+$0xC1D0] =	vst v10;
	v8 =	vld [tilespmem:s25+$0xF0]  }
0x345: {  	v10 =	vmul.f32 v14, v4;
	[tilespmem:s2+$0xC110] =	vst v13;
	v13 =	vld [tilespmem:s26+$0xE0]  }
0x346: {  	v14 =	vld [tilespmem:s19+$0x110];
	[tilespmem:s17+$0xC110] =	vst v7;
	v7 =	vmul.f32 v9, v6  }
0x347: {  	[tilespmem:s15+$0xC090] =	vst v10;
	v9 =	vld [tilespmem:s20+$0x110];
	v10 =	vmul.f32 v11, v5  }
0x348: {  	[tilespmem:s29+$0xC1C0] =	vst v7  }
0x349: {  	v7 =	vmul.f32 v12, v5;
	[tilespmem:s28+$0xC150] =	vst v10;
	v10 =	vld [tilespmem:s31+$0xD0]  }
0x34a: {  	[tilespmem:s17+$0xC020] =	vst v3;
	v11 =	vld [tilespmem:s30+$0x150]  }
0x34b: {  	[tilespmem:s1+$0xC110] =	vst v7;
	v12 =	vld [tilespmem:s4+$0x10];
	v7 =	vmul.f32 v14, v6  }
0x34c: {  	v14 =	vld [tilespmem:s5+$0x110];
	[tilespmem:s2+$0xC020] =	vst v3;
	v9 =	vmul.f32 v9, v6  }
0x34d: {  	[tilespmem:s2+$0xC190] =	vst v7  }
0x34e: {  	v13 =	vmul.f32 v13, v4;
	[tilespmem:s1+$0xC020] =	vst v3;
	v15 =	vld [tilespmem:s19+$0xA0];
	v10 =	vmul.f32 v10, v4  }
0x34f: {  	v7 =	vmul.f32 v8, v4;
	[tilespmem:s17+$0xC190] =	vst v9  }
0x350: {  	v8 =	vmul.f32 v12, v5;
	v9 =	vld [tilespmem:s20+$0xA0];
	[tilespmem:s29+$0xC0D0] =	vst v10  }
0x351: {  	v10 =	vmul.f32 v14, v6;
	[tilespmem:s24+$0xC0E0] =	vst v13;
	v12 =	vld [tilespmem:s31+$0x50]  }
0x352: {  	[tilespmem:s15+$0xC110] =	vst v8;
	v8 =	vld [tilespmem:s26+$0x60]  }
0x353: {  	[tilespmem:s1+$0xC190] =	vst v10;
	v10 =	vld [tilespmem:s4+$0x110];
	v13 =	vmul.f32 v15, v4  }
0x354: {  	v11 =	vmul.f32 v11, v6;
	v14 =	vld [tilespmem:s5+$0xA0];
	[tilespmem:s15+$0xC020] =	vst v3  }
0x355: {  	[tilespmem:s2+$0xC0A0] =	vst v13  }
0x356: {  	v13 =	vld [tilespmem:s19+$0x20];
	[tilespmem:s28+$0xC1D0] =	vst v11;
	v11 =	vmul.f32 v12, v5  }
0x357: {  	v8 =	vmul.f32 v8, v5;
	[tilespmem:s28+$0xC060] =	vst v3  }
0x358: {  	v10 =	vmul.f32 v10, v6;
	v12 =	vld [tilespmem:s30+$0xE0];
	[tilespmem:s29+$0xC150] =	vst v11  }
0x359: {  	v9 =	vmul.f32 v9, v4;
	v11 =	vmul.f32 v14, v4;
	[tilespmem:s24+$0xC160] =	vst v8;
	v8 =	vld [tilespmem:s31+$0x150]  }
0x35a: {  	[tilespmem:s15+$0xC190] =	vst v10;
	v10 =	vld [tilespmem:s26+$0x160]  }
0x35b: {  	v14 =	vld [tilespmem:s4+$0xA0];
	v13 =	vmul.f32 v13, v5;
	[tilespmem:s17+$0xC0A0] =	vst v9  }
0x35c: {  	v9 =	vld [tilespmem:s20+$0x20];
	[tilespmem:s29+$0xC060] =	vst v3  }
0x35d: {  	[tilespmem:s2+$0xC120] =	vst v13  }
0x35e: {  	[tilespmem:s1+$0xC0A0] =	vst v11;
	v11 =	vld [tilespmem:s19+$0x120];
	v8 =	vmul.f32 v8, v6  }
0x35f: {  	v10 =	vmul.f32 v10, v6;
	[tilespmem:s24+$0xC070] =	vst v3  }
0x360: {  	v13 =	vld [tilespmem:s5+$0x20];
	v14 =	vmul.f32 v14, v4;
	[tilespmem:s29+$0xC1D0] =	vst v8  }
0x361: {  	v8 =	vmul.f32 v12, v4;
	[tilespmem:s24+$0xC1E0] =	vst v10;
	v10 =	vld [tilespmem:s31+$0xE0]  }
0x362: {  	[tilespmem:s15+$0xC0A0] =	vst v14;
	v12 =	vld [tilespmem:s26+$0xF0]  }
0x363: {  	v14 =	vld [tilespmem:s4+$0x20];
	v11 =	vmul.f32 v11, v6;
	[tilespmem:s28+$0xC0E0] =	vst v8  }
0x364: {  	v8 =	vmul.f32 v9, v5;
	[tilespmem:s2+$0xC030] =	vst v3;
	v9 =	vld [tilespmem:s30+$0x60]  }
0x365: {  	v13 =	vmul.f32 v13, v5;
	[tilespmem:s2+$0xC1A0] =	vst v11  }
0x366: {  	v11 =	vld [tilespmem:s19+$0xB0];
	[tilespmem:s17+$0xC120] =	vst v8;
	v8 =	vmul.f32 v10, v4  }
0x367: {  	[tilespmem:s1+$0xC120] =	vst v13;
	v10 =	vld [tilespmem:s20+$0x120]  }
0x368: {  	v13 =	vld [tilespmem:s5+$0x120];
	v14 =	vmul.f32 v14, v5;
	[tilespmem:s29+$0xC0E0] =	vst v8  }
0x369: {  	[tilespmem:s1+$0xC030] =	vst v3;
	v8 =	vmul.f32 v9, v5;
	v9 =	vld [tilespmem:s31+$0x60]  }
0x36a: {  	[tilespmem:s15+$0xC120] =	vst v14  }
0x36b: {  	v14 =	vld [tilespmem:s4+$0x120];
	v11 =	vmul.f32 v11, v4;
	[tilespmem:s28+$0xC160] =	vst v8  }
0x36c: {  	[tilespmem:s15+$0xC030] =	vst v3;
	v8 =	vld [tilespmem:s30+$0x160]  }
0x36d: {  	v13 =	vmul.f32 v13, v6;
	[tilespmem:s2+$0xC0B0] =	vst v11  }
0x36e: {  	v11 =	vld [tilespmem:s19+$0x30];
	[tilespmem:s28+$0xC070] =	vst v3;
	v9 =	vmul.f32 v9, v5  }
0x36f: {  	v10 =	vmul.f32 v10, v6;
	[tilespmem:s1+$0xC1A0] =	vst v13  }
0x370: {  	v13 =	vmul.f32 v14, v6;
	[tilespmem:s29+$0xC160] =	vst v9  }
0x371: {  	[tilespmem:s17+$0xC1A0] =	vst v10;
	v8 =	vmul.f32 v8, v6;
	v9 =	vld [tilespmem:s31+$0x160]  }
0x372: {  	v10 =	vld [tilespmem:s5+$0xB0];
	[tilespmem:s15+$0xC1A0] =	vst v13  }
0x373: {  	v13 =	vld [tilespmem:s4+$0xB0];
	v11 =	vmul.f32 v11, v5;
	[tilespmem:s28+$0xC1E0] =	vst v8  }
0x374: {  	[tilespmem:s17+$0xC030] =	vst v3;
	v8 =	vld [tilespmem:s30+$0xF0]  }
0x375: {  	[tilespmem:s2+$0xC130] =	vst v11;
	v11 =	vld [tilespmem:s20+$0xB0]  }
0x376: {  	v14 =	vld [tilespmem:s19+$0x130];
	v9 =	vmul.f32 v9, v6;
	[tilespmem:s29+$0xC070] =	vst v3  }
0x377: {  	v10 =	vmul.f32 v10, v4;
	[tilespmem:s2+$0xC040] =	vst v3  }
0x378: {  	v12 =	vmul.f32 v12, v4;
	[tilespmem:s29+$0xC1E0] =	vst v9  }
0x379: {  	v9 =	vmul.f32 v13, v4;
	[tilespmem:s1+$0xC0B0] =	vst v10;
	v10 =	vld [tilespmem:s31+$0xF0]  }
0x37a: {  	v8 =	vmul.f32 v8, v4;
	v13 =	vld [tilespmem:s5+$0x30];
	[tilespmem:s24+$0xC0F0] =	vst v12  }
0x37b: {  	[tilespmem:s15+$0xC0B0] =	vst v9;
	v9 =	vmul.f32 v14, v6;
	v12 =	vld [tilespmem:s26+$0x70]  }
0x37c: {  	v11 =	vmul.f32 v11, v4;
	v14 =	vld [tilespmem:s4+$0x30];
	[tilespmem:s28+$0xC0F0] =	vst v8  }
0x37d: {  	[tilespmem:s2+$0xC1B0] =	vst v9;
	v8 =	vld [tilespmem:s30+$0x70]  }
0x37e: {  	v9 =	vld [tilespmem:s19+$0xC0];
	[tilespmem:s17+$0xC0B0] =	vst v11;
	v10 =	vmul.f32 v10, v4  }
0x37f: {  	v11 =	vmul.f32 v13, v5;
	v13 =	vld [tilespmem:s20+$0x30];
	[tilespmem:s23+$0xC0F0] =	vst v7  }
0x380: {  	v7 =	vmul.f32 v12, v5;
	v12 =	vld [tilespmem:s25+$0x70];
	[tilespmem:s29+$0xC0F0] =	vst v10  }
0x381: {  	[tilespmem:s1+$0xC130] =	vst v11;
	v10 =	vld [tilespmem:s31+$0x70]  }
0x382: {  	v14 =	vmul.f32 v14, v5;
	v11 =	vld [tilespmem:s5+$0x130];
	[tilespmem:s24+$0xC170] =	vst v7  }
0x383: {  	[tilespmem:s1+$0xC040] =	vst v3;
	v7 =	vmul.f32 v9, v4;
	v9 =	vld [tilespmem:s26+$0x170];
	s26 =	smov.u32 s5  }
0x384: {  	[tilespmem:s15+$0xC130] =	vst v14  }
0x385: {  	v14 =	vld [tilespmem:s4+$0x130];
	[tilespmem:s2+$0xC0C0] =	vst v7;
	v7 =	vmul.f32 v8, v5;
	v8 =	vmul.f32 v12, v5  }
0x386: {  	v13 =	vmul.f32 v13, v5;
	[tilespmem:s15+$0xC040] =	vst v3;
	v12 =	vld [tilespmem:s19+$0x40]  }
0x387: {  	v11 =	vmul.f32 v11, v6;
	[tilespmem:s28+$0xC170] =	vst v7  }
0x388: {  	[tilespmem:s17+$0xC130] =	vst v13;
	v7 =	vld [tilespmem:s30+$0x170];
	s30 =	smov.u32 s4  }
0x389: {  	v10 =	vmul.f32 v10, v5;
	[tilespmem:s1+$0xC1B0] =	vst v11;
	v11 =	vld [tilespmem:s20+$0x130]  }
0x38a: {  	v13 =	vld [tilespmem:s26+$0xC0];
	v14 =	vmul.f32 v14, v6;
	[tilespmem:s17+$0xC040] =	vst v3  }
0x38b: {  	v12 =	vmul.f32 v12, v5;
	[tilespmem:s29+$0xC170] =	vst v10  }
0x38c: {  	v9 =	vmul.f32 v9, v6;
	[tilespmem:s15+$0xC1B0] =	vst v14;
	v10 =	vld [tilespmem:s31+$0x170];
	s31 =	smov.u32 s20  }
0x38d: {  	v14 =	vld [tilespmem:s30+$0xC0];
	[tilespmem:s2+$0xC140] =	vst v12  }
0x38e: {  	v7 =	vmul.f32 v7, v6;
	v12 =	vld [tilespmem:s19+$0x140];
	[tilespmem:s23+$0xC170] =	vst v8  }
0x38f: {  	v8 =	vmul.f32 v13, v4;
	[tilespmem:s2+$0xC050] =	vst v3;
	v13 =	vld [tilespmem:s25+$0x170];
	s25 =	smov.u32 s19  }
0x390: {  	v11 =	vmul.f32 v11, v6;
	[tilespmem:s28+$0xC1F0] =	vst v7;
	s28 =	smov.u32 s15  }
0x391: {  	[tilespmem:s1+$0xC0C0] =	vst v8;
	v7 =	vmul.f32 v10, v6  }
0x392: {  	v10 =	vld [tilespmem:s26+$0x40];
	v8 =	vmul.f32 v14, v4;
	[tilespmem:s17+$0xC1B0] =	vst v11  }
0x393: {  	v11 =	vmul.f32 v12, v6;
	v12 =	vld [tilespmem:s31+$0xC0];
	[tilespmem:s29+$0xC1F0] =	vst v7;
	s29 =	smov.u32 s17  }
0x394: {  	[tilespmem:s28+$0xC0C0] =	vst v8;
	v7 =	vmul.f32 v13, v6  }
0x395: {  	v13 =	vld [tilespmem:s30+$0x40];
	[tilespmem:s2+$0xC1C0] =	vst v11  }
.Ltmp2:
0x396: {  	v8 =	vld [tilespmem:s25+$0xD0];
	[tilespmem:s23+$0xC1F0] =	vst v7;
	s23 =	smov.u32 s2;
	(pc) =	sbr.rel @p0 .LBB2_6-.Ltmp2, $4  }
0x397: {  	v7 =	vmul.f32 v10, v5;
	[tilespmem:s24+$0xC1F0] =	vst v9;
	s24 =	smov.u32 s1  }
0x398: {  	v10 =	vmul.f32 v12, v4  }
0x399: {  	[tilespmem:s24+$0xC140] =	vst v7  }
0x39a: {  	s1 =	smov.u32 s0;
	v7 =	vld [tilespmem:s26+$0x140];
	v9 =	vmul.f32 v13, v5;
	[tilespmem:s29+$0xC0C0] =	vst v10  }
0x39b: {  	v10 =	vld [tilespmem:s31+$0x40];
	_ =	sdelay $0x3  }
0x39c: {  	[tilespmem:s28+$0xC140] =	vst v9  }
0x39d: {  	v9 =	vld [tilespmem:s30+$0x140];
	v10 =	vmul.f32 v10, v5;
	_ =	sdelay $0x1  }
0x39e: {  	[tilespmem:s29+$0xC140] =	vst v10  }
0x39f: {  	v10 =	vld [tilespmem:s31+$0x140];
	_ =	sdelay $0x1  }
0x3a0: {  	[tilespmem:s24+$0xC050] =	vst v3;
	v9 =	vmul.f32 v9, v6  }
0x3a1: {  	[tilespmem:s28+$0xC050] =	vst v3;
	v7 =	vmul.f32 v7, v6  }
0x3a2: {  	[tilespmem:s28+$0xC1C0] =	vst v9  }
0x3a3: {  	[tilespmem:s24+$0xC1C0] =	vst v7;
	v9 =	vld [tilespmem:s30+$0xD0];
	v10 =	vmul.f32 v10, v6  }
0x3a4: {  	[tilespmem:s29+$0xC050] =	vst v3  }
0x3a5: {  	v8 =	vmul.f32 v8, v4;
	[tilespmem:s29+$0xC1C0] =	vst v10;
	v10 =	vld [tilespmem:s26+$0xD0]  }
0x3a6: {  	v7 =	vld [tilespmem:s31+$0xD0]  }
0x3a7: {  	[tilespmem:s23+$0xC0D0] =	vst v8  }
0x3a8: {  	v8 =	vld [tilespmem:s25+$0x50];
	v9 =	vmul.f32 v9, v4;
	_ =	sdelay $0x1  }
0x3a9: {  	[tilespmem:s28+$0xC0D0] =	vst v9;
	v10 =	vmul.f32 v10, v4  }
0x3aa: {  	v9 =	vld [tilespmem:s30+$0x50];
	v7 =	vmul.f32 v7, v4  }
0x3ab: {  	[tilespmem:s24+$0xC0D0] =	vst v10  }
0x3ac: {  	v8 =	vmul.f32 v8, v5;
	[tilespmem:s29+$0xC0D0] =	vst v7;
	v10 =	vld [tilespmem:s26+$0x50]  }
0x3ad: {  	v7 =	vld [tilespmem:s31+$0x50]  }
0x3ae: {  	[tilespmem:s23+$0xC150] =	vst v8  }
0x3af: {  	v8 =	vld [tilespmem:s25+$0x150];
	v9 =	vmul.f32 v9, v5;
	_ =	sdelay $0x1  }
0x3b0: {  	[tilespmem:s28+$0xC150] =	vst v9;
	v10 =	vmul.f32 v10, v5  }
0x3b1: {  	v9 =	vld [tilespmem:s30+$0x150];
	v7 =	vmul.f32 v7, v5  }
0x3b2: {  	[tilespmem:s24+$0xC150] =	vst v10  }
0x3b3: {  	v8 =	vmul.f32 v8, v6;
	[tilespmem:s29+$0xC150] =	vst v7;
	v10 =	vld [tilespmem:s26+$0x150]  }
0x3b4: {  	[tilespmem:s23+$0xC060] =	vst v3;
	v7 =	vld [tilespmem:s31+$0x150]  }
0x3b5: {  	[tilespmem:s23+$0xC1D0] =	vst v8  }
0x3b6: {  	[tilespmem:s28+$0xC060] =	vst v3;
	v9 =	vmul.f32 v9, v6  }
0x3b7: {  	v8 =	vld [tilespmem:s25+$0xE0];
	[tilespmem:s24+$0xC060] =	vst v3  }
0x3b8: {  	[tilespmem:s28+$0xC1D0] =	vst v9;
	v10 =	vmul.f32 v10, v6  }
0x3b9: {  	[tilespmem:s29+$0xC060] =	vst v3;
	v9 =	vld [tilespmem:s30+$0xE0];
	v7 =	vmul.f32 v7, v6  }
0x3ba: {  	[tilespmem:s24+$0xC1D0] =	vst v10  }
0x3bb: {  	[tilespmem:s29+$0xC1D0] =	vst v7;
	v10 =	vld [tilespmem:s26+$0xE0]  }
0x3bc: {  	v8 =	vmul.f32 v8, v4;
	v7 =	vld [tilespmem:s31+$0xE0];
	_ =	sdelay $0x1  }
0x3bd: {  	[tilespmem:s23+$0xC0E0] =	vst v8;
	v8 =	vmul.f32 v9, v4  }
0x3be: {  	v9 =	vld [tilespmem:s25+$0x60]  }
0x3bf: {  	[tilespmem:s28+$0xC0E0] =	vst v8;
	v10 =	vmul.f32 v10, v4  }
0x3c0: {  	v8 =	vld [tilespmem:s30+$0x60];
	v7 =	vmul.f32 v7, v4  }
0x3c1: {  	[tilespmem:s24+$0xC0E0] =	vst v10  }
0x3c2: {  	[tilespmem:s29+$0xC0E0] =	vst v7;
	v10 =	vld [tilespmem:s26+$0x60]  }
0x3c3: {  	v9 =	vmul.f32 v9, v5;
	v7 =	vld [tilespmem:s31+$0x60];
	_ =	sdelay $0x1  }
0x3c4: {  	[tilespmem:s23+$0xC160] =	vst v9;
	v8 =	vmul.f32 v8, v5  }
0x3c5: {  	v9 =	vld [tilespmem:s25+$0x160]  }
0x3c6: {  	[tilespmem:s28+$0xC160] =	vst v8;
	v10 =	vmul.f32 v10, v5  }
0x3c7: {  	v8 =	vld [tilespmem:s30+$0x160];
	v7 =	vmul.f32 v7, v5  }
0x3c8: {  	[tilespmem:s24+$0xC160] =	vst v10  }
0x3c9: {  	[tilespmem:s29+$0xC160] =	vst v7;
	v10 =	vld [tilespmem:s26+$0x160]  }
0x3ca: {  	[tilespmem:s23+$0xC070] =	vst v3;
	v9 =	vmul.f32 v9, v6;
	v7 =	vld [tilespmem:s31+$0x160]  }
0x3cb: {  	[tilespmem:s28+$0xC070] =	vst v3  }
0x3cc: {  	[tilespmem:s23+$0xC1E0] =	vst v9;
	v8 =	vmul.f32 v8, v6  }
0x3cd: {  	[tilespmem:s24+$0xC070] =	vst v3  }
0x3ce: {  	[tilespmem:s28+$0xC1E0] =	vst v8;
	v8 =	vmul.f32 v10, v6  }
0x3cf: {  	[tilespmem:s29+$0xC070] =	vst v3;
	v9 =	vld [tilespmem:s30+$0xF0];
	v7 =	vmul.f32 v7, v6  }
0x3d0: {  	v10 =	vld [tilespmem:s25+$0xF0];
	[tilespmem:s24+$0xC1E0] =	vst v8  }
0x3d1: {  	[tilespmem:s29+$0xC1E0] =	vst v7;
	v8 =	vld [tilespmem:s26+$0xF0]  }
0x3d2: {  	v7 =	vld [tilespmem:s31+$0xF0];
	_ =	sdelay $0x1  }
0x3d3: {  	v9 =	vmul.f32 v9, v4  }
0x3d4: {  	v10 =	vmul.f32 v10, v4  }
0x3d5: {  	[tilespmem:s28+$0xC0F0] =	vst v9;
	v8 =	vmul.f32 v8, v4  }
0x3d6: {  	v9 =	vld [tilespmem:s30+$0x70];
	[tilespmem:s23+$0xC0F0] =	vst v10;
	v7 =	vmul.f32 v7, v4  }
0x3d7: {  	[tilespmem:s24+$0xC0F0] =	vst v8;
	v8 =	vld [tilespmem:s25+$0x70]  }
0x3d8: {  	[tilespmem:s29+$0xC0F0] =	vst v7;
	v10 =	vld [tilespmem:s26+$0x70]  }
0x3d9: {  	v7 =	vld [tilespmem:s31+$0x70];
	_ =	sdelay $0x1  }
0x3da: {  	v9 =	vmul.f32 v9, v5  }
0x3db: {  	v8 =	vmul.f32 v8, v5  }
0x3dc: {  	[tilespmem:s28+$0xC170] =	vst v9;
	v9 =	vmul.f32 v10, v5  }
0x3dd: {  	v10 =	vld [tilespmem:s30+$0x170];
	v7 =	vmul.f32 v7, v5;
	[tilespmem:s23+$0xC170] =	vst v8  }
0x3de: {  	[tilespmem:s24+$0xC170] =	vst v9;
	v8 =	vld [tilespmem:s25+$0x170]  }
0x3df: {  	[tilespmem:s29+$0xC170] =	vst v7;
	v9 =	vld [tilespmem:s26+$0x170]  }
0x3e0: {  	v7 =	vld [tilespmem:s31+$0x170];
	_ =	sdelay $0x1  }
0x3e1: {  	v10 =	vmul.f32 v10, v6  }
0x3e2: {  	v8 =	vmul.f32 v8, v6  }
0x3e3: {  	[tilespmem:s28+$0xC1F0] =	vst v10;
	v9 =	vmul.f32 v9, v6  }
0x3e4: {  	v7 =	vmul.f32 v7, v6;
	[tilespmem:s23+$0xC1F0] =	vst v8  }
0x3e5: {  	[tilespmem:s24+$0xC1F0] =	vst v9  }
0x3e6: {  	s0 =	simm.s32 $0x0;
	[tilespmem:s29+$0xC1F0] =	vst v7  }
0x3e7: {  	[hbm4b:s10+s0] =	stream.linear.scatter [tilespmem:s9], [sflag:$0x2], $0x8000, $0x38;
	[tilespmem:$0x1C010] =	vst v63  }
0x3e8: {  	_ =	swait.ge [sflag:s21], $0x8000  }
0x3e9: {  	[sflag:s21] =	ssyncset.done $0x0  }
0x3ea: {  	[sflag:s21] =	ssyncadd.s32 $0xFFFF8000  }
0x3eb: {  	s1 =	sor.u32 $0x2, s0;
	_ =	swait.ge [sflag:s18], $0x6000  }
0x3ec: {  	s2 =	sshll.u32 s1, $0x9;
	s1 =	smul.u32 $0x600, s1;
	[sflag:s18] =	ssyncset.done $0x0  }
0x3ed: {  	s23 =	sand.u32 $0x3FFFFE00, s2;
	[sflag:s18] =	ssyncadd.s32 $0xFFFFA000  }
0x3ee: {  	s25 =	sshra.s32 s1, $0x2;
	[tilespmem:s23+$0x14000] =	vst v3  }
0x3ef: {  	v7 =	vld [tilespmem:s25+$0x6080];
	_ =	sdelay $0x4  }
0x3f0: {  	v7 =	vmul.f32 v7, v4;
	_ =	sdelay $0x1  }
0x3f1: {  	[tilespmem:s23+$0x14080] =	vst v7  }
0x3f2: {  	s15 =	smul.u32 $0x600, s0;
	s17 =	sor.u32 $0x1, s0;
	s9 =	simm.s32 $0x0;
	v7 =	vld [tilespmem:s25+$0x6000]  }
0x3f3: {  	s19 =	sshll.u32 s17, $0x9;
	s24 =	sand.u32 $0x3FFFFE00, s9  }
0x3f4: {  	s1 =	smul.u32 $0x600, s17;
	s26 =	sshra.s32 s15, $0x2;
	s0 =	sor.u32 $0x3, s0;
	[tilespmem:s24+$0x14000] =	vst v3  }
0x3f5: {  	s28 =	sand.u32 $0x3FFFFE00, s19;
	s20 =	smul.u32 $0x600, s0;
	s0 =	sshll.u32 s0, $0x9;
	v8 =	vld [tilespmem:s26+$0x6080]  }
0x3f6: {  	s30 =	sshra.s32 s1, $0x2;
	s29 =	sand.u32 $0x3FFFFE00, s0;
	[tilespmem:s28+$0x14000] =	vst v3  }
0x3f7: {  	s31 =	sshra.s32 s20, $0x2;
	[tilespmem:s29+$0x14000] =	vst v3;
	v9 =	vld [tilespmem:s30+$0x6080];
	v7 =	vmul.f32 v7, v5  }
0x3f8: {  	v10 =	vld [tilespmem:s31+$0x6080]  }
0x3f9: {  	[tilespmem:s23+$0x14100] =	vst v7  }
0x3fa: {  	v8 =	vmul.f32 v8, v4;
	v7 =	vld [tilespmem:s25+$0x6100];
	_ =	sdelay $0x1  }
0x3fb: {  	v9 =	vmul.f32 v9, v4;
	[tilespmem:s24+$0x14080] =	vst v8  }
0x3fc: {  	v10 =	vmul.f32 v10, v4;
	v8 =	vld [tilespmem:s26+$0x6000]  }
0x3fd: {  	[tilespmem:s28+$0x14080] =	vst v9  }
0x3fe: {  	[tilespmem:s29+$0x14080] =	vst v10;
	v9 =	vld [tilespmem:s30+$0x6000];
	v7 =	vmul.f32 v7, v6  }
0x3ff: {  	v10 =	vld [tilespmem:s31+$0x6000];
	[tilespmem:s23+$0x14010] =	vst v3  }
0x400: {  	[tilespmem:s23+$0x14180] =	vst v7  }
0x401: {  	v8 =	vmul.f32 v8, v5;
	v7 =	vld [tilespmem:s25+$0x6090];
	_ =	sdelay $0x1  }
0x402: {  	v9 =	vmul.f32 v9, v5;
	[tilespmem:s24+$0x14100] =	vst v8  }
0x403: {  	v10 =	vmul.f32 v10, v5;
	v8 =	vld [tilespmem:s26+$0x6100]  }
0x404: {  	[tilespmem:s28+$0x14100] =	vst v9  }
0x405: {  	[tilespmem:s29+$0x14100] =	vst v10;
	v9 =	vld [tilespmem:s30+$0x6100];
	v7 =	vmul.f32 v7, v4  }
0x406: {  	v10 =	vld [tilespmem:s31+$0x6100]  }
0x407: {  	[tilespmem:s23+$0x14090] =	vst v7  }
0x408: {  	[tilespmem:s24+$0x14010] =	vst v3;
	v8 =	vmul.f32 v8, v6;
	v7 =	vld [tilespmem:s25+$0x6010]  }
0x409: {  	[tilespmem:s28+$0x14010] =	vst v3  }
0x40a: {  	v9 =	vmul.f32 v9, v6;
	[tilespmem:s24+$0x14180] =	vst v8  }
0x40b: {  	[tilespmem:s29+$0x14010] =	vst v3;
	v10 =	vmul.f32 v10, v6;
	v8 =	vld [tilespmem:s26+$0x6090]  }
0x40c: {  	[tilespmem:s28+$0x14180] =	vst v9  }
0x40d: {  	[tilespmem:s29+$0x14180] =	vst v10;
	v9 =	vld [tilespmem:s30+$0x6090];
	v7 =	vmul.f32 v7, v5  }
0x40e: {  	v10 =	vld [tilespmem:s31+$0x6090]  }
0x40f: {  	[tilespmem:s23+$0x14110] =	vst v7  }
0x410: {  	v8 =	vmul.f32 v8, v4;
	v7 =	vld [tilespmem:s25+$0x6110];
	_ =	sdelay $0x1  }
0x411: {  	v9 =	vmul.f32 v9, v4;
	[tilespmem:s24+$0x14090] =	vst v8  }
0x412: {  	v10 =	vmul.f32 v10, v4;
	v8 =	vld [tilespmem:s26+$0x6010]  }
0x413: {  	[tilespmem:s28+$0x14090] =	vst v9  }
0x414: {  	[tilespmem:s29+$0x14090] =	vst v10;
	v9 =	vld [tilespmem:s30+$0x6010];
	v7 =	vmul.f32 v7, v6  }
0x415: {  	v10 =	vld [tilespmem:s31+$0x6010];
	[tilespmem:s23+$0x14020] =	vst v3  }
0x416: {  	[tilespmem:s23+$0x14190] =	vst v7  }
0x417: {  	v8 =	vmul.f32 v8, v5;
	v7 =	vld [tilespmem:s25+$0x60A0];
	_ =	sdelay $0x1  }
0x418: {  	v9 =	vmul.f32 v9, v5;
	[tilespmem:s24+$0x14110] =	vst v8  }
0x419: {  	v10 =	vmul.f32 v10, v5;
	v8 =	vld [tilespmem:s26+$0x6110]  }
0x41a: {  	[tilespmem:s28+$0x14110] =	vst v9  }
0x41b: {  	[tilespmem:s29+$0x14110] =	vst v10;
	v9 =	vld [tilespmem:s30+$0x6110];
	v7 =	vmul.f32 v7, v4  }
0x41c: {  	v10 =	vld [tilespmem:s31+$0x6110]  }
0x41d: {  	[tilespmem:s23+$0x140A0] =	vst v7  }
0x41e: {  	[tilespmem:s24+$0x14020] =	vst v3;
	v8 =	vmul.f32 v8, v6;
	v7 =	vld [tilespmem:s25+$0x6020]  }
0x41f: {  	[tilespmem:s28+$0x14020] =	vst v3  }
0x420: {  	v9 =	vmul.f32 v9, v6;
	[tilespmem:s24+$0x14190] =	vst v8  }
0x421: {  	[tilespmem:s29+$0x14020] =	vst v3;
	v10 =	vmul.f32 v10, v6;
	v8 =	vld [tilespmem:s26+$0x60A0]  }
0x422: {  	[tilespmem:s28+$0x14190] =	vst v9  }
0x423: {  	[tilespmem:s29+$0x14190] =	vst v10;
	v9 =	vld [tilespmem:s30+$0x60A0];
	v7 =	vmul.f32 v7, v5  }
0x424: {  	v10 =	vld [tilespmem:s31+$0x60A0]  }
0x425: {  	[tilespmem:s23+$0x14120] =	vst v7  }
0x426: {  	v8 =	vmul.f32 v8, v4;
	v7 =	vld [tilespmem:s25+$0x6120];
	_ =	sdelay $0x1  }
0x427: {  	v9 =	vmul.f32 v9, v4;
	[tilespmem:s24+$0x140A0] =	vst v8  }
0x428: {  	v10 =	vmul.f32 v10, v4;
	v8 =	vld [tilespmem:s26+$0x6020]  }
0x429: {  	[tilespmem:s28+$0x140A0] =	vst v9  }
0x42a: {  	[tilespmem:s29+$0x140A0] =	vst v10;
	v9 =	vld [tilespmem:s30+$0x6020];
	v7 =	vmul.f32 v7, v6  }
0x42b: {  	[tilespmem:s23+$0x14030] =	vst v3  }
0x42c: {  	v10 =	vld [tilespmem:s31+$0x6020];
	[tilespmem:s23+$0x141A0] =	vst v7  }
0x42d: {  	v8 =	vmul.f32 v8, v5;
	v7 =	vld [tilespmem:s25+$0x60B0];
	_ =	sdelay $0x1  }
0x42e: {  	v9 =	vmul.f32 v9, v5;
	[tilespmem:s24+$0x14120] =	vst v8  }
0x42f: {  	v8 =	vld [tilespmem:s26+$0x6120]  }
0x430: {  	v10 =	vmul.f32 v10, v5;
	[tilespmem:s28+$0x14120] =	vst v9  }
0x431: {  	v9 =	vld [tilespmem:s30+$0x6120];
	v7 =	vmul.f32 v7, v4  }
0x432: {  	[tilespmem:s29+$0x14120] =	vst v10  }
0x433: {  	v10 =	vld [tilespmem:s31+$0x6120];
	[tilespmem:s23+$0x140B0] =	vst v7  }
0x434: {  	v8 =	vmul.f32 v8, v6;
	v7 =	vld [tilespmem:s25+$0x6030]  }
0x435: {  	[tilespmem:s24+$0x14030] =	vst v3  }
0x436: {  	[tilespmem:s24+$0x141A0] =	vst v8;
	v8 =	vmul.f32 v9, v6  }
0x437: {  	[tilespmem:s28+$0x14030] =	vst v3;
	v9 =	vld [tilespmem:s26+$0x60B0]  }
0x438: {  	[tilespmem:s28+$0x141A0] =	vst v8  }
0x439: {  	v8 =	vmul.f32 v10, v6;
	v10 =	vld [tilespmem:s30+$0x60B0];
	v7 =	vmul.f32 v7, v5;
	_ =	sdelay $0x1  }
0x43a: {  	[tilespmem:s23+$0x14130] =	vst v7  }
0x43b: {  	[tilespmem:s29+$0x141A0] =	vst v8;
	v8 =	vmul.f32 v9, v4;
	v7 =	vld [tilespmem:s25+$0x6130]  }
0x43c: {  	[tilespmem:s29+$0x14030] =	vst v3  }
0x43d: {  	[tilespmem:s24+$0x140B0] =	vst v8;
	v8 =	vmul.f32 v10, v4;
	v10 =	vld [tilespmem:s31+$0x60B0]  }
0x43e: {  	v9 =	vld [tilespmem:s26+$0x6030];
	_ =	sdelay $0x1  }
0x43f: {  	[tilespmem:s28+$0x140B0] =	vst v8;
	v7 =	vmul.f32 v7, v6  }
0x440: {  	v8 =	vld [tilespmem:s30+$0x6030];
	[tilespmem:s23+$0x14040] =	vst v3  }
0x441: {  	v10 =	vmul.f32 v10, v4;
	[tilespmem:s23+$0x141B0] =	vst v7  }
0x442: {  	v9 =	vmul.f32 v9, v5;
	v7 =	vld [tilespmem:s25+$0x60C0]  }
0x443: {  	[tilespmem:s29+$0x140B0] =	vst v10  }
0x444: {  	[tilespmem:s24+$0x14130] =	vst v9;
	v10 =	vld [tilespmem:s31+$0x6030]  }
0x445: {  	v8 =	vmul.f32 v8, v5;
	v9 =	vld [tilespmem:s26+$0x6130];
	_ =	sdelay $0x1  }
0x446: {  	[tilespmem:s28+$0x14130] =	vst v8;
	v7 =	vmul.f32 v7, v4  }
0x447: {  	v8 =	vld [tilespmem:s30+$0x6130]  }
0x448: {  	[tilespmem:s23+$0x140C0] =	vst v7  }
0x449: {  	v9 =	vmul.f32 v9, v6;
	v7 =	vmul.f32 v10, v5;
	v10 =	vld [tilespmem:s25+$0x6040]  }
0x44a: {  	[tilespmem:s24+$0x14040] =	vst v3  }
0x44b: {  	[tilespmem:s24+$0x141B0] =	vst v9  }
0x44c: {  	v8 =	vmul.f32 v8, v6;
	[tilespmem:s29+$0x14130] =	vst v7;
	v7 =	vld [tilespmem:s26+$0x60C0]  }
0x44d: {  	[tilespmem:s28+$0x14040] =	vst v3;
	v9 =	vld [tilespmem:s31+$0x6130]  }
0x44e: {  	[tilespmem:s28+$0x141B0] =	vst v8;
	v10 =	vmul.f32 v10, v5  }
0x44f: {  	v8 =	vld [tilespmem:s30+$0x60C0]  }
0x450: {  	[tilespmem:s23+$0x14140] =	vst v10  }
0x451: {  	v7 =	vmul.f32 v7, v4;
	v10 =	vld [tilespmem:s25+$0x6140]  }
0x452: {  	[tilespmem:s29+$0x14040] =	vst v3;
	v9 =	vmul.f32 v9, v6  }
0x453: {  	[tilespmem:s24+$0x140C0] =	vst v7  }
0x454: {  	v8 =	vmul.f32 v8, v4;
	v7 =	vld [tilespmem:s26+$0x6040];
	[tilespmem:s29+$0x141B0] =	vst v9  }
0x455: {  	v9 =	vld [tilespmem:s31+$0x60C0]  }
0x456: {  	[tilespmem:s28+$0x140C0] =	vst v8;
	v8 =	vmul.f32 v10, v6  }
0x457: {  	v11 =	vld [tilespmem:s30+$0x6040];
	[tilespmem:s23+$0x14050] =	vst v3  }
0x458: {  	[tilespmem:s23+$0x141C0] =	vst v8  }
0x459: {  	v7 =	vmul.f32 v7, v5;
	v8 =	vld [tilespmem:s25+$0x60D0]  }
0x45a: {  	v10 =	vmul.f32 v9, v4  }
0x45b: {  	[tilespmem:s24+$0x14140] =	vst v7  }
0x45c: {  	s1 =	simm.s32 $0x4;
	v9 =	vmul.f32 v11, v5;
	v7 =	vld [tilespmem:s26+$0x6140];
	[tilespmem:s29+$0x140C0] =	vst v10  }
.LBB2_8:
0x45d: {  	s2 =	sor.u32 $0x1, s1  }
0x45e: {  	s4 =	sor.u32 $0x3, s1;
	v8 =	vmul.f32 v8, v4;
	s5 =	smov.u32 s1;
	s0 =	sadd.s32 $0x4, s1  }
0x45f: {  	s6 =	sshll.u32 s2, $0x9;
	s7 =	sor.u32 $0x2, s5;
	s8 =	smul.u32 $0x600, s4;
	[tilespmem:s28+$0x14140] =	vst v9  }
0x460: {  	s15 =	sand.u32 $0x3FFFFE00, s6;
	s6 =	sshll.u32 s7, $0x9;
	s7 =	smul.u32 $0x600, s7;
	v9 =	vld [tilespmem:s30+$0x6140];
	[tilespmem:s23+$0x140D0] =	vst v8  }
0x461: {  	s9 =	smul.u32 $0x600, s2;
	s4 =	sshll.u32 s4, $0x9;
	[tilespmem:s15+$0x14000] =	vst v3;
	s2 =	sand.u32 $0x3FFFFE00, s6;
	v8 =	vld [tilespmem:s25+$0x6050]  }
0x462: {  	p0 =	slt.u32 s1, $0x3C;
	s17 =	sand.u32 $0x3FFFFE00, s4;
	[tilespmem:s2+$0x14000] =	vst v3;
	s19 =	sshra.s32 s7, $0x2  }
0x463: {  	s1 =	sshll.u32 s5, $0x9;
	s4 =	smul.u32 $0x600, s5;
	s20 =	sshra.s32 s8, $0x2;
	v10 =	vld [tilespmem:s19+$0x6080];
	[tilespmem:s17+$0x14000] =	vst v3  }
0x464: {  	s1 =	sand.u32 $0x3FFFFE00, s1;
	v7 =	vmul.f32 v7, v6;
	v11 =	vld [tilespmem:s20+$0x6080];
	[tilespmem:s28+$0x14050] =	vst v3  }
0x465: {  	s5 =	sshra.s32 s4, $0x2;
	[tilespmem:s1+$0x14000] =	vst v3;
	v12 =	vld [tilespmem:s31+$0x6040]  }
0x466: {  	v13 =	vld [tilespmem:s5+$0x6080];
	[tilespmem:s24+$0x141C0] =	vst v7;
	v7 =	vmul.f32 v8, v5  }
0x467: {  	s4 =	sshra.s32 s9, $0x2;
	v8 =	vmul.f32 v9, v6;
	[tilespmem:s24+$0x14050] =	vst v3  }
0x468: {  	v9 =	vmul.f32 v10, v4;
	v10 =	vld [tilespmem:s26+$0x60D0];
	[tilespmem:s23+$0x14150] =	vst v7  }
0x469: {  	v7 =	vmul.f32 v11, v4;
	[tilespmem:s28+$0x141C0] =	vst v8;
	v8 =	vld [tilespmem:s25+$0x6150]  }
0x46a: {  	v11 =	vld [tilespmem:s4+$0x6080];
	[tilespmem:s2+$0x14080] =	vst v9;
	v9 =	vmul.f32 v12, v5  }
0x46b: {  	v12 =	vmul.f32 v13, v4;
	v13 =	vld [tilespmem:s19+$0x6000];
	[tilespmem:s17+$0x14080] =	vst v7  }
0x46c: {  	v7 =	vld [tilespmem:s20+$0x6000];
	[tilespmem:s29+$0x14140] =	vst v9  }
0x46d: {  	[tilespmem:s1+$0x14080] =	vst v12;
	v9 =	vld [tilespmem:s31+$0x6140]  }
0x46e: {  	v12 =	vld [tilespmem:s5+$0x6000];
	v8 =	vmul.f32 v8, v6;
	[tilespmem:s23+$0x14060] =	vst v3  }
0x46f: {  	v10 =	vmul.f32 v10, v4;
	v14 =	vld [tilespmem:s30+$0x60D0];
	[tilespmem:s29+$0x14050] =	vst v3  }
0x470: {  	v13 =	vmul.f32 v13, v5;
	[tilespmem:s23+$0x141D0] =	vst v8  }
0x471: {  	v7 =	vmul.f32 v7, v5;
	[tilespmem:s24+$0x140D0] =	vst v10;
	v8 =	vld [tilespmem:s25+$0x60E0]  }
0x472: {  	v10 =	vmul.f32 v11, v4;
	[tilespmem:s2+$0x14100] =	vst v13;
	v11 =	vld [tilespmem:s26+$0x6050]  }
0x473: {  	v12 =	vmul.f32 v12, v5;
	v13 =	vld [tilespmem:s19+$0x6100];
	[tilespmem:s17+$0x14100] =	vst v7  }
0x474: {  	[tilespmem:s15+$0x14080] =	vst v10;
	v7 =	vld [tilespmem:s20+$0x6100]  }
0x475: {  	[tilespmem:s1+$0x14100] =	vst v12;
	v10 =	vld [tilespmem:s4+$0x6000]  }
0x476: {  	v12 =	vld [tilespmem:s5+$0x6100];
	[tilespmem:s2+$0x14010] =	vst v3;
	v8 =	vmul.f32 v8, v4  }
0x477: {  	[tilespmem:s1+$0x14010] =	vst v3  }
0x478: {  	v13 =	vmul.f32 v13, v6;
	[tilespmem:s23+$0x140E0] =	vst v8  }
0x479: {  	v7 =	vmul.f32 v7, v6;
	[tilespmem:s17+$0x14010] =	vst v3;
	v8 =	vld [tilespmem:s25+$0x6060]  }
0x47a: {  	v10 =	vmul.f32 v10, v5;
	[tilespmem:s2+$0x14180] =	vst v13  }
0x47b: {  	v12 =	vmul.f32 v12, v6;
	v13 =	vld [tilespmem:s19+$0x6090];
	[tilespmem:s17+$0x14180] =	vst v7  }
0x47c: {  	[tilespmem:s15+$0x14100] =	vst v10;
	v7 =	vld [tilespmem:s20+$0x6090];
	v10 =	vmul.f32 v11, v5  }
0x47d: {  	[tilespmem:s1+$0x14180] =	vst v12;
	v11 =	vld [tilespmem:s4+$0x6100]  }
0x47e: {  	[tilespmem:s24+$0x14150] =	vst v10;
	v8 =	vmul.f32 v8, v5  }
0x47f: {  	[tilespmem:s15+$0x14010] =	vst v3;
	v10 =	vld [tilespmem:s26+$0x6150]  }
0x480: {  	v12 =	vld [tilespmem:s5+$0x6090];
	v13 =	vmul.f32 v13, v4;
	[tilespmem:s23+$0x14160] =	vst v8  }
0x481: {  	v7 =	vmul.f32 v7, v4;
	[tilespmem:s24+$0x14060] =	vst v3;
	v8 =	vld [tilespmem:s25+$0x6160]  }
0x482: {  	v11 =	vmul.f32 v11, v6;
	[tilespmem:s2+$0x14090] =	vst v13  }
0x483: {  	v13 =	vld [tilespmem:s19+$0x6010];
	[tilespmem:s17+$0x14090] =	vst v7  }
0x484: {  	[tilespmem:s15+$0x14180] =	vst v11;
	v7 =	vld [tilespmem:s20+$0x6010];
	v11 =	vmul.f32 v14, v4  }
0x485: {  	v12 =	vmul.f32 v12, v4;
	v14 =	vld [tilespmem:s4+$0x6090];
	[tilespmem:s23+$0x14070] =	vst v3  }
0x486: {  	[tilespmem:s28+$0x140D0] =	vst v11;
	v8 =	vmul.f32 v8, v6  }
0x487: {  	v10 =	vmul.f32 v10, v6;
	[tilespmem:s1+$0x14090] =	vst v12;
	v11 =	vld [tilespmem:s30+$0x6050]  }
0x488: {  	v12 =	vld [tilespmem:s5+$0x6010];
	v13 =	vmul.f32 v13, v5;
	[tilespmem:s23+$0x141E0] =	vst v8  }
0x489: {  	v7 =	vmul.f32 v7, v5;
	[tilespmem:s24+$0x141D0] =	vst v10;
	v8 =	vld [tilespmem:s25+$0x60F0]  }
0x48a: {  	v10 =	vmul.f32 v14, v4;
	[tilespmem:s2+$0x14110] =	vst v13;
	v13 =	vld [tilespmem:s26+$0x60E0]  }
0x48b: {  	v14 =	vld [tilespmem:s19+$0x6110];
	[tilespmem:s17+$0x14110] =	vst v7;
	v7 =	vmul.f32 v9, v6  }
0x48c: {  	[tilespmem:s15+$0x14090] =	vst v10;
	v9 =	vld [tilespmem:s20+$0x6110];
	v10 =	vmul.f32 v11, v5  }
0x48d: {  	[tilespmem:s29+$0x141C0] =	vst v7  }
0x48e: {  	v7 =	vmul.f32 v12, v5;
	[tilespmem:s28+$0x14150] =	vst v10;
	v10 =	vld [tilespmem:s31+$0x60D0]  }
0x48f: {  	[tilespmem:s17+$0x14020] =	vst v3;
	v11 =	vld [tilespmem:s30+$0x6150]  }
0x490: {  	[tilespmem:s1+$0x14110] =	vst v7;
	v12 =	vld [tilespmem:s4+$0x6010];
	v7 =	vmul.f32 v14, v6  }
0x491: {  	v14 =	vld [tilespmem:s5+$0x6110];
	[tilespmem:s2+$0x14020] =	vst v3;
	v9 =	vmul.f32 v9, v6  }
0x492: {  	[tilespmem:s2+$0x14190] =	vst v7  }
0x493: {  	v13 =	vmul.f32 v13, v4;
	[tilespmem:s1+$0x14020] =	vst v3;
	v15 =	vld [tilespmem:s19+$0x60A0];
	v10 =	vmul.f32 v10, v4  }
0x494: {  	v7 =	vmul.f32 v8, v4;
	[tilespmem:s17+$0x14190] =	vst v9  }
0x495: {  	v8 =	vmul.f32 v12, v5;
	v9 =	vld [tilespmem:s20+$0x60A0];
	[tilespmem:s29+$0x140D0] =	vst v10  }
0x496: {  	v10 =	vmul.f32 v14, v6;
	[tilespmem:s24+$0x140E0] =	vst v13;
	v12 =	vld [tilespmem:s31+$0x6050]  }
0x497: {  	[tilespmem:s15+$0x14110] =	vst v8;
	v8 =	vld [tilespmem:s26+$0x6060]  }
0x498: {  	[tilespmem:s1+$0x14190] =	vst v10;
	v10 =	vld [tilespmem:s4+$0x6110];
	v13 =	vmul.f32 v15, v4  }
0x499: {  	v11 =	vmul.f32 v11, v6;
	v14 =	vld [tilespmem:s5+$0x60A0];
	[tilespmem:s15+$0x14020] =	vst v3  }
0x49a: {  	[tilespmem:s2+$0x140A0] =	vst v13  }
0x49b: {  	v13 =	vld [tilespmem:s19+$0x6020];
	[tilespmem:s28+$0x141D0] =	vst v11;
	v11 =	vmul.f32 v12, v5  }
0x49c: {  	v8 =	vmul.f32 v8, v5;
	[tilespmem:s28+$0x14060] =	vst v3  }
0x49d: {  	v10 =	vmul.f32 v10, v6;
	v12 =	vld [tilespmem:s30+$0x60E0];
	[tilespmem:s29+$0x14150] =	vst v11  }
0x49e: {  	v9 =	vmul.f32 v9, v4;
	v11 =	vmul.f32 v14, v4;
	[tilespmem:s24+$0x14160] =	vst v8;
	v8 =	vld [tilespmem:s31+$0x6150]  }
0x49f: {  	[tilespmem:s15+$0x14190] =	vst v10;
	v10 =	vld [tilespmem:s26+$0x6160]  }
0x4a0: {  	v14 =	vld [tilespmem:s4+$0x60A0];
	v13 =	vmul.f32 v13, v5;
	[tilespmem:s17+$0x140A0] =	vst v9  }
0x4a1: {  	v9 =	vld [tilespmem:s20+$0x6020];
	[tilespmem:s29+$0x14060] =	vst v3  }
0x4a2: {  	[tilespmem:s2+$0x14120] =	vst v13  }
0x4a3: {  	[tilespmem:s1+$0x140A0] =	vst v11;
	v11 =	vld [tilespmem:s19+$0x6120];
	v8 =	vmul.f32 v8, v6  }
0x4a4: {  	v10 =	vmul.f32 v10, v6;
	[tilespmem:s24+$0x14070] =	vst v3  }
0x4a5: {  	v13 =	vld [tilespmem:s5+$0x6020];
	v14 =	vmul.f32 v14, v4;
	[tilespmem:s29+$0x141D0] =	vst v8  }
0x4a6: {  	v8 =	vmul.f32 v12, v4;
	[tilespmem:s24+$0x141E0] =	vst v10;
	v10 =	vld [tilespmem:s31+$0x60E0]  }
0x4a7: {  	[tilespmem:s15+$0x140A0] =	vst v14;
	v12 =	vld [tilespmem:s26+$0x60F0]  }
0x4a8: {  	v14 =	vld [tilespmem:s4+$0x6020];
	v11 =	vmul.f32 v11, v6;
	[tilespmem:s28+$0x140E0] =	vst v8  }
0x4a9: {  	v8 =	vmul.f32 v9, v5;
	[tilespmem:s2+$0x14030] =	vst v3;
	v9 =	vld [tilespmem:s30+$0x6060]  }
0x4aa: {  	v13 =	vmul.f32 v13, v5;
	[tilespmem:s2+$0x141A0] =	vst v11  }
0x4ab: {  	v11 =	vld [tilespmem:s19+$0x60B0];
	[tilespmem:s17+$0x14120] =	vst v8;
	v8 =	vmul.f32 v10, v4  }
0x4ac: {  	[tilespmem:s1+$0x14120] =	vst v13;
	v10 =	vld [tilespmem:s20+$0x6120]  }
0x4ad: {  	v13 =	vld [tilespmem:s5+$0x6120];
	v14 =	vmul.f32 v14, v5;
	[tilespmem:s29+$0x140E0] =	vst v8  }
0x4ae: {  	[tilespmem:s1+$0x14030] =	vst v3;
	v8 =	vmul.f32 v9, v5;
	v9 =	vld [tilespmem:s31+$0x6060]  }
0x4af: {  	[tilespmem:s15+$0x14120] =	vst v14  }
0x4b0: {  	v14 =	vld [tilespmem:s4+$0x6120];
	v11 =	vmul.f32 v11, v4;
	[tilespmem:s28+$0x14160] =	vst v8  }
0x4b1: {  	[tilespmem:s15+$0x14030] =	vst v3;
	v8 =	vld [tilespmem:s30+$0x6160]  }
0x4b2: {  	v13 =	vmul.f32 v13, v6;
	[tilespmem:s2+$0x140B0] =	vst v11  }
0x4b3: {  	v11 =	vld [tilespmem:s19+$0x6030];
	[tilespmem:s28+$0x14070] =	vst v3;
	v9 =	vmul.f32 v9, v5  }
0x4b4: {  	v10 =	vmul.f32 v10, v6;
	[tilespmem:s1+$0x141A0] =	vst v13  }
0x4b5: {  	v13 =	vmul.f32 v14, v6;
	[tilespmem:s29+$0x14160] =	vst v9  }
0x4b6: {  	[tilespmem:s17+$0x141A0] =	vst v10;
	v8 =	vmul.f32 v8, v6;
	v9 =	vld [tilespmem:s31+$0x6160]  }
0x4b7: {  	v10 =	vld [tilespmem:s5+$0x60B0];
	[tilespmem:s15+$0x141A0] =	vst v13  }
0x4b8: {  	v13 =	vld [tilespmem:s4+$0x60B0];
	v11 =	vmul.f32 v11, v5;
	[tilespmem:s28+$0x141E0] =	vst v8  }
0x4b9: {  	[tilespmem:s17+$0x14030] =	vst v3;
	v8 =	vld [tilespmem:s30+$0x60F0]  }
0x4ba: {  	[tilespmem:s2+$0x14130] =	vst v11;
	v11 =	vld [tilespmem:s20+$0x60B0]  }
0x4bb: {  	v14 =	vld [tilespmem:s19+$0x6130];
	v9 =	vmul.f32 v9, v6;
	[tilespmem:s29+$0x14070] =	vst v3  }
0x4bc: {  	v10 =	vmul.f32 v10, v4;
	[tilespmem:s2+$0x14040] =	vst v3  }
0x4bd: {  	v12 =	vmul.f32 v12, v4;
	[tilespmem:s29+$0x141E0] =	vst v9  }
0x4be: {  	v9 =	vmul.f32 v13, v4;
	[tilespmem:s1+$0x140B0] =	vst v10;
	v10 =	vld [tilespmem:s31+$0x60F0]  }
0x4bf: {  	v8 =	vmul.f32 v8, v4;
	v13 =	vld [tilespmem:s5+$0x6030];
	[tilespmem:s24+$0x140F0] =	vst v12  }
0x4c0: {  	[tilespmem:s15+$0x140B0] =	vst v9;
	v9 =	vmul.f32 v14, v6;
	v12 =	vld [tilespmem:s26+$0x6070]  }
0x4c1: {  	v11 =	vmul.f32 v11, v4;
	v14 =	vld [tilespmem:s4+$0x6030];
	[tilespmem:s28+$0x140F0] =	vst v8  }
0x4c2: {  	[tilespmem:s2+$0x141B0] =	vst v9;
	v8 =	vld [tilespmem:s30+$0x6070]  }
0x4c3: {  	v9 =	vld [tilespmem:s19+$0x60C0];
	[tilespmem:s17+$0x140B0] =	vst v11;
	v10 =	vmul.f32 v10, v4  }
0x4c4: {  	v11 =	vmul.f32 v13, v5;
	v13 =	vld [tilespmem:s20+$0x6030];
	[tilespmem:s23+$0x140F0] =	vst v7  }
0x4c5: {  	v7 =	vmul.f32 v12, v5;
	v12 =	vld [tilespmem:s25+$0x6070];
	[tilespmem:s29+$0x140F0] =	vst v10  }
0x4c6: {  	[tilespmem:s1+$0x14130] =	vst v11;
	v10 =	vld [tilespmem:s31+$0x6070]  }
0x4c7: {  	v14 =	vmul.f32 v14, v5;
	v11 =	vld [tilespmem:s5+$0x6130];
	[tilespmem:s24+$0x14170] =	vst v7  }
0x4c8: {  	[tilespmem:s1+$0x14040] =	vst v3;
	v7 =	vmul.f32 v9, v4;
	v9 =	vld [tilespmem:s26+$0x6170];
	s26 =	smov.u32 s5  }
0x4c9: {  	[tilespmem:s15+$0x14130] =	vst v14  }
0x4ca: {  	v14 =	vld [tilespmem:s4+$0x6130];
	[tilespmem:s2+$0x140C0] =	vst v7;
	v7 =	vmul.f32 v8, v5;
	v8 =	vmul.f32 v12, v5  }
0x4cb: {  	v13 =	vmul.f32 v13, v5;
	[tilespmem:s15+$0x14040] =	vst v3;
	v12 =	vld [tilespmem:s19+$0x6040]  }
0x4cc: {  	v11 =	vmul.f32 v11, v6;
	[tilespmem:s28+$0x14170] =	vst v7  }
0x4cd: {  	[tilespmem:s17+$0x14130] =	vst v13;
	v7 =	vld [tilespmem:s30+$0x6170];
	s30 =	smov.u32 s4  }
0x4ce: {  	v10 =	vmul.f32 v10, v5;
	[tilespmem:s1+$0x141B0] =	vst v11;
	v11 =	vld [tilespmem:s20+$0x6130]  }
0x4cf: {  	v13 =	vld [tilespmem:s26+$0x60C0];
	v14 =	vmul.f32 v14, v6;
	[tilespmem:s17+$0x14040] =	vst v3  }
0x4d0: {  	v12 =	vmul.f32 v12, v5;
	[tilespmem:s29+$0x14170] =	vst v10  }
0x4d1: {  	v9 =	vmul.f32 v9, v6;
	[tilespmem:s15+$0x141B0] =	vst v14;
	v10 =	vld [tilespmem:s31+$0x6170];
	s31 =	smov.u32 s20  }
0x4d2: {  	v14 =	vld [tilespmem:s30+$0x60C0];
	[tilespmem:s2+$0x14140] =	vst v12  }
0x4d3: {  	v7 =	vmul.f32 v7, v6;
	v12 =	vld [tilespmem:s19+$0x6140];
	[tilespmem:s23+$0x14170] =	vst v8  }
0x4d4: {  	v8 =	vmul.f32 v13, v4;
	[tilespmem:s2+$0x14050] =	vst v3;
	v13 =	vld [tilespmem:s25+$0x6170];
	s25 =	smov.u32 s19  }
0x4d5: {  	v11 =	vmul.f32 v11, v6;
	[tilespmem:s28+$0x141F0] =	vst v7;
	s28 =	smov.u32 s15  }
0x4d6: {  	[tilespmem:s1+$0x140C0] =	vst v8;
	v7 =	vmul.f32 v10, v6  }
0x4d7: {  	v10 =	vld [tilespmem:s26+$0x6040];
	v8 =	vmul.f32 v14, v4;
	[tilespmem:s17+$0x141B0] =	vst v11  }
0x4d8: {  	v11 =	vmul.f32 v12, v6;
	v12 =	vld [tilespmem:s31+$0x60C0];
	[tilespmem:s29+$0x141F0] =	vst v7;
	s29 =	smov.u32 s17  }
0x4d9: {  	[tilespmem:s28+$0x140C0] =	vst v8;
	v7 =	vmul.f32 v13, v6  }
0x4da: {  	v13 =	vld [tilespmem:s30+$0x6040];
	[tilespmem:s2+$0x141C0] =	vst v11  }
.Ltmp3:
0x4db: {  	v8 =	vld [tilespmem:s25+$0x60D0];
	[tilespmem:s23+$0x141F0] =	vst v7;
	s23 =	smov.u32 s2;
	(pc) =	sbr.rel @p0 .LBB2_8-.Ltmp3, $4  }
0x4dc: {  	v7 =	vmul.f32 v10, v5;
	[tilespmem:s24+$0x141F0] =	vst v9;
	s24 =	smov.u32 s1  }
0x4dd: {  	v10 =	vmul.f32 v12, v4  }
0x4de: {  	[tilespmem:s24+$0x14140] =	vst v7  }
0x4df: {  	s1 =	smov.u32 s0;
	v7 =	vld [tilespmem:s26+$0x6140];
	v9 =	vmul.f32 v13, v5;
	[tilespmem:s29+$0x140C0] =	vst v10  }
0x4e0: {  	v10 =	vld [tilespmem:s31+$0x6040];
	_ =	sdelay $0x4  }
0x4e1: {  	v10 =	vmul.f32 v10, v5  }
0x4e2: {  	[tilespmem:s28+$0x14140] =	vst v9  }
0x4e3: {  	v9 =	vld [tilespmem:s30+$0x6140];
	[tilespmem:s29+$0x14140] =	vst v10  }
0x4e4: {  	v10 =	vld [tilespmem:s31+$0x6140];
	_ =	sdelay $0x2  }
0x4e5: {  	[tilespmem:s24+$0x14050] =	vst v3  }
0x4e6: {  	[tilespmem:s28+$0x14050] =	vst v3;
	v9 =	vmul.f32 v9, v6  }
0x4e7: {  	[tilespmem:s29+$0x14050] =	vst v3;
	v10 =	vmul.f32 v10, v6  }
0x4e8: {  	v7 =	vmul.f32 v7, v6;
	[tilespmem:s28+$0x141C0] =	vst v9  }
0x4e9: {  	v9 =	vld [tilespmem:s30+$0x60D0];
	[tilespmem:s29+$0x141C0] =	vst v10  }
0x4ea: {  	v8 =	vmul.f32 v8, v4;
	[tilespmem:s24+$0x141C0] =	vst v7;
	v55 =	vld [tilespmem:s31+$0x60D0]  }
0x4eb: {  	v56 =	vld [tilespmem:s26+$0x60D0]  }
0x4ec: {  	[tilespmem:s23+$0x140D0] =	vst v8  }
0x4ed: {  	v8 =	vld [tilespmem:s25+$0x6050]  }
0x4ee: {  	v9 =	vmul.f32 v9, v4  }
0x4ef: {  	v7 =	vmul.f32 v55, v4  }
0x4f0: {  	v10 =	vmul.f32 v56, v4;
	[tilespmem:s28+$0x140D0] =	vst v9  }
0x4f1: {  	v9 =	vld [tilespmem:s30+$0x6050];
	[tilespmem:s29+$0x140D0] =	vst v7  }
0x4f2: {  	v8 =	vmul.f32 v8, v5;
	[tilespmem:s24+$0x140D0] =	vst v10;
	v7 =	vld [tilespmem:s31+$0x6050]  }
0x4f3: {  	v10 =	vld [tilespmem:s26+$0x6050]  }
0x4f4: {  	[tilespmem:s23+$0x14150] =	vst v8  }
0x4f5: {  	v8 =	vld [tilespmem:s25+$0x6150]  }
0x4f6: {  	v9 =	vmul.f32 v9, v5  }
0x4f7: {  	v7 =	vmul.f32 v7, v5  }
0x4f8: {  	v10 =	vmul.f32 v10, v5;
	[tilespmem:s28+$0x14150] =	vst v9  }
0x4f9: {  	v9 =	vld [tilespmem:s30+$0x6150];
	[tilespmem:s29+$0x14150] =	vst v7  }
0x4fa: {  	v8 =	vmul.f32 v8, v6;
	[tilespmem:s24+$0x14150] =	vst v10;
	v7 =	vld [tilespmem:s31+$0x6150]  }
0x4fb: {  	[tilespmem:s23+$0x14060] =	vst v3;
	v10 =	vld [tilespmem:s26+$0x6150]  }
0x4fc: {  	[tilespmem:s23+$0x141D0] =	vst v8  }
0x4fd: {  	v8 =	vld [tilespmem:s25+$0x60E0];
	[tilespmem:s28+$0x14060] =	vst v3  }
0x4fe: {  	[tilespmem:s24+$0x14060] =	vst v3;
	v9 =	vmul.f32 v9, v6  }
0x4ff: {  	[tilespmem:s29+$0x14060] =	vst v3;
	v7 =	vmul.f32 v7, v6  }
0x500: {  	v10 =	vmul.f32 v10, v6;
	[tilespmem:s28+$0x141D0] =	vst v9  }
0x501: {  	v9 =	vld [tilespmem:s30+$0x60E0];
	[tilespmem:s29+$0x141D0] =	vst v7  }
0x502: {  	v8 =	vmul.f32 v8, v4;
	[tilespmem:s24+$0x141D0] =	vst v10;
	v7 =	vld [tilespmem:s31+$0x60E0]  }
0x503: {  	v10 =	vld [tilespmem:s26+$0x60E0]  }
0x504: {  	[tilespmem:s23+$0x140E0] =	vst v8  }
0x505: {  	v58 =	vld [tilespmem:s25+$0x6060]  }
0x506: {  	v57 =	vmul.f32 v9, v4  }
0x507: {  	v7 =	vmul.f32 v7, v4  }
0x508: {  	v10 =	vmul.f32 v10, v4;
	[tilespmem:s28+$0x140E0] =	vst v57  }
0x509: {  	v8 =	vld [tilespmem:s30+$0x6060];
	[tilespmem:s29+$0x140E0] =	vst v7  }
0x50a: {  	v9 =	vmul.f32 v58, v5;
	[tilespmem:s24+$0x140E0] =	vst v10;
	v7 =	vld [tilespmem:s31+$0x6060]  }
0x50b: {  	v10 =	vld [tilespmem:s26+$0x6060]  }
0x50c: {  	[tilespmem:s23+$0x14160] =	vst v9  }
0x50d: {  	v9 =	vld [tilespmem:s25+$0x6160]  }
0x50e: {  	v8 =	vmul.f32 v8, v5  }
0x50f: {  	v7 =	vmul.f32 v7, v5  }
0x510: {  	v10 =	vmul.f32 v10, v5;
	[tilespmem:s28+$0x14160] =	vst v8  }
0x511: {  	v8 =	vld [tilespmem:s30+$0x6160];
	[tilespmem:s29+$0x14160] =	vst v7  }
0x512: {  	v9 =	vmul.f32 v9, v6;
	[tilespmem:s24+$0x14160] =	vst v10;
	v7 =	vld [tilespmem:s31+$0x6160]  }
0x513: {  	[tilespmem:s23+$0x14070] =	vst v3;
	v10 =	vld [tilespmem:s26+$0x6160]  }
0x514: {  	[tilespmem:s23+$0x141E0] =	vst v9  }
0x515: {  	[tilespmem:s28+$0x14070] =	vst v3  }
0x516: {  	[tilespmem:s24+$0x14070] =	vst v3;
	v8 =	vmul.f32 v8, v6  }
0x517: {  	[tilespmem:s29+$0x14070] =	vst v3;
	v7 =	vmul.f32 v7, v6  }
0x518: {  	v61 =	vld [tilespmem:s25+$0x60F0];
	v59 =	vmul.f32 v10, v6;
	[tilespmem:s28+$0x141E0] =	vst v8  }
0x519: {  	v60 =	vld [tilespmem:s30+$0x60F0];
	[tilespmem:s29+$0x141E0] =	vst v7  }
0x51a: {  	[tilespmem:s24+$0x141E0] =	vst v59;
	v7 =	vld [tilespmem:s31+$0x60F0]  }
0x51b: {  	v8 =	vld [tilespmem:s26+$0x60F0];
	_ =	sdelay $0x1  }
0x51c: {  	v10 =	vmul.f32 v61, v4  }
0x51d: {  	v9 =	vmul.f32 v60, v4  }
0x51e: {  	[tilespmem:s23+$0x140F0] =	vst v10;
	v7 =	vmul.f32 v7, v4  }
0x51f: {  	[tilespmem:s28+$0x140F0] =	vst v9;
	v4 =	vmul.f32 v8, v4  }
0x520: {  	v62 =	vld [tilespmem:s30+$0x6070];
	[tilespmem:s29+$0x140F0] =	vst v7  }
0x521: {  	[tilespmem:s24+$0x140F0] =	vst v4;
	v4 =	vld [tilespmem:s25+$0x6070]  }
0x522: {  	v7 =	vld [tilespmem:s31+$0x6070]  }
0x523: {  	v63 =	vld [tilespmem:s26+$0x6070];
	_ =	sdelay $0x1  }
0x524: {  	v8 =	vmul.f32 v62, v5  }
0x525: {  	v4 =	vmul.f32 v4, v5  }
0x526: {  	[tilespmem:s28+$0x14170] =	vst v8;
	v7 =	vmul.f32 v7, v5  }
0x527: {  	v8 =	vld [tilespmem:s30+$0x6170];
	v5 =	vmul.f32 v63, v5;
	[tilespmem:s23+$0x14170] =	vst v4  }
0x528: {  	[tilespmem:s29+$0x14170] =	vst v7;
	v4 =	vld [tilespmem:s25+$0x6170]  }
0x529: {  	[tilespmem:s24+$0x14170] =	vst v5;
	v7 =	vld [tilespmem:s31+$0x6170]  }
0x52a: {  	v5 =	vld [tilespmem:s26+$0x6170];
	_ =	sdelay $0x1  }
0x52b: {  	v8 =	vmul.f32 v8, v6  }
0x52c: {  	v4 =	vmul.f32 v4, v6  }
0x52d: {  	[tilespmem:s28+$0x141F0] =	vst v8;
	v7 =	vmul.f32 v7, v6  }
0x52e: {  	v5 =	vmul.f32 v5, v6;
	[tilespmem:s23+$0x141F0] =	vst v4  }
0x52f: {  	[tilespmem:s29+$0x141F0] =	vst v7  }
0x530: {  	s0 =	simm.s32 $0x14000;
	s22 =	sadd.s32 $0x1, s22;
	[tilespmem:s24+$0x141F0] =	vst v5  }
0x531: {  	[hbm4b:s11+s3] =	stream.linear.scatter [tilespmem:s0], [sflag:$0x2], $0x8000, $0x38;
	[tilespmem:$0x1C010] =	vst v63  }
0x532: {  	p0 =	sne.s32 s22, s12;
	_ =	swait.ge [sflag:s21], $0x8000  }
.Ltmp4:
0x533: {  	[sflag:s21] =	ssyncset.done $0x0;
	(pc) =	sbr.rel @p0 .LBB2_1-.Ltmp4, $4  }
0x534: {  	[sflag:s21] =	ssyncadd.s32 $0xFFFF8000  }
0x535: {  	_ =	swait.ge [sflag:s21], $0x8000  }
0x536: {  	[sflag:s21] =	ssyncset.done $0x0  }
0x537: {  	s8 =	simm.s32 $0x6000;
	s9 =	simm.s32 $0xC000;
	[sflag:s21] =	ssyncadd.s32 $0xFFFF8000  }
0x538: {  	_ =	sfence.sel $0x180000  }
0x539: {  	[bflag:$0x0] =	sbarrier.arrive $0xFFFF  }
0x53a: {  	_ =	strace $0x90000047  }
0x53b: {  	s0 =	stileid.u32;
	[bflag:$0x2] =	sbarrier.arrive $0xFFFF  }
0x53c: {  	p0 =	sne.s32 s0, $0x0;
	s0 =	rddreg [dreg:$0x3]  }
0x53d: {  	s0 =	sadd.s32 @!p0 $0x100000, s0  }
0x53e: {  	[sflag:s0] =	ssyncadd.tile.s32 @!p0 $0x1;
	_ =	shalt  }
.Lfunc_end2:
_tile_overlayer_lowered:
.L_overlay_start_2:
0x53f: {  	(tag) =	ssettag $0x2  }
0x540: {  	s0 =	rddreg [dreg:$0x0];
	s2 =	stileid.u32  }
0x541: {  	s1 =	rddreg [dreg:$0x1];
	p0 =	sne.s32 s2, $0x0  }
0x542: {  	s3 =	rddreg [dreg:$0x2];
	[bflag:$0x3] =	sbarrier.arrive $0xFFFF;
	s2 =	simm.s32 @!p0 $0x1C03  }
0x543: {  	[timem:s3], [sflag:s2] =	dma.local @!p0 [hbm:s0], s1  }
0x544: {  	s0 =	simm.s32 @!p0 $0x3  }
0x545: {  	_ =	swait.ge @!p0 [sflag:s0], s1  }
0x546: {  	s1 =	ssub.s32 @!p0 $0x0, s1;
	[sflag:s0] =	ssyncset.done @!p0 $0x0  }
0x547: {  	[sflag:s0] =	ssyncadd.s32 @!p0 s1  }
0x548: {  	[bflag:$0x3] =	sbarrier.arrive $0xFFFF  }
0x549: {  	_ =	shalt  }

</sc_bundles>
